<compile_context>
chip_gen: v7x
topology: tpu7x:2x2x1
jax: 0.10.2.dev20260603
libtpu: 0.0.44.dev20260713+nightly
codegen_flags: <defaults>
</compile_context>

<pallas_src>
import functools

import jax
import jax.numpy as jnp
from jax import lax
from jax.experimental import pallas as pl
from jax.experimental.pallas import tpu as pltpu
from jax.experimental.pallas import tpu_sc as plsc

_NC = 2
_NS = 16
_L = 16

_N = 4
_P1 = 2048
_HW = 4096

_WPB = (_NC * _NS) // _N
_PPW = _P1 // _WPB

_BIG = 1e10
_FAR = 2e5
_U = 8
_RCH = (_HW // _L) // _WPB
_RLEN = _RCH * _L


def _sc_body(px_hbm, py_hbm, vis_hbm, sil_hbm, seg_hbm, qx_hbm, qy_hbm,
             out_hbm,
             pxv, pyv, visv, silv, segv, qxv, qyv,
             pxc, pyc, qxc, qyc, colmin, tmp, outv, shared, sem):
    c = lax.axis_index("c")
    s = lax.axis_index("s")
    wid = c * _NS + s
    n = wid // _WPB
    r = wid % _WPB
    slot = wid % _NS

    p_off = n * _P1 + r * _PPW
    q_off = n * _HW
    copies = [
        pltpu.async_copy(px_hbm.at[pl.ds(p_off, _PPW)], pxv, sem),
        pltpu.async_copy(py_hbm.at[pl.ds(p_off, _PPW)], pyv, sem),
        pltpu.async_copy(vis_hbm.at[pl.ds(p_off, _PPW)], visv, sem),
        pltpu.async_copy(sil_hbm.at[pl.ds(q_off, _HW)], silv, sem),
        pltpu.async_copy(seg_hbm.at[pl.ds(q_off, _HW)], segv, sem),
        pltpu.async_copy(qx_hbm, qxv, sem),
        pltpu.async_copy(qy_hbm, qyv, sem),
    ]
    for cp in copies:
        cp.wait()

    lane = lax.iota(jnp.int32, _L)

    @plsc.parallel_loop(0, _PPW // _L, 1, unroll=4, carry=jnp.int32(0))
    def m(i, mm):
        off = i * _L
        vis = visv[pl.ds(off, _L)]
        mask = vis > 0.5
        pos = plsc.cumsum(mask.astype(jnp.int32))
        idx = mm + pos - 1
        plsc.store_scatter(pxc, [idx], pxv[pl.ds(off, _L)], mask=mask)
        plsc.store_scatter(pyc, [idx], pyv[pl.ds(off, _L)], mask=mask)
        return mm + pos[_L - 1]
    far = jnp.full((_L,), _FAR, jnp.float32)
    pxc[pl.ds(m, _L)] = far
    pyc[pl.ds(m, _L)] = far

    @plsc.parallel_loop(0, _HW // _L, 1, unroll=4, carry=jnp.int32(0))
    def kq(i, kk):
        off = i * _L
        mask = (silv[pl.ds(off, _L)] > 0.5) & (segv[pl.ds(off, _L)] > 0)
        pos = plsc.cumsum(mask.astype(jnp.int32))
        idx = kk + pos - 1
        plsc.store_scatter(qxc, [idx], qxv[pl.ds(off, _L)], mask=mask)
        plsc.store_scatter(qyc, [idx], qyv[pl.ds(off, _L)], mask=mask)
        return kk + pos[_L - 1]
    qxc[pl.ds(kq, _L)] = far
    qyc[pl.ds(kq, _L)] = far
    nqc = (kq + _L - 1) // _L

    big = jnp.full((_L,), _BIG, jnp.float32)

    @plsc.parallel_loop(0, nqc, 1, unroll=8)
    def _init_colmin(ci):
        colmin[pl.ds(ci * _L, _L)] = big

    def per_group(g, sum_x):
        base = g * _U
        pxb = [plsc.load_gather(pxc, [jnp.full((_L,), base + j, jnp.int32)])
               for j in range(_U)]
        pyb = [plsc.load_gather(pyc, [jnp.full((_L,), base + j, jnp.int32)])
               for j in range(_U)]

        @plsc.parallel_loop(0, nqc, 1, unroll=4, carry=(big,) * _U)
        def rowmins(ci, rms):
            off = ci * _L
            qxch = qxc[pl.ds(off, _L)]
            qych = qyc[pl.ds(off, _L)]
            d2s = []
            for j in range(_U):
                dx = qxch - pxb[j]
                dy = qych - pyb[j]
                d2s.append(dx * dx + dy * dy)
            t = list(d2s)
            while len(t) > 1:
                t = [jnp.minimum(t[2 * i], t[2 * i + 1])
                     for i in range(len(t) // 2)]
            colmin[pl.ds(off, _L)] = jnp.minimum(colmin[pl.ds(off, _L)], t[0])
            return tuple(jnp.minimum(rms[j], d2s[j]) for j in range(_U))
        for j in range(_U):
            sum_x = sum_x + jnp.where(base + j < m, jnp.min(rowmins[j]),
                                      jnp.float32(0.0))
        return sum_x

    sum_x = lax.fori_loop(0, (m + _U - 1) // _U, per_group, jnp.float32(0.0))

    pltpu.sync_copy(colmin, shared.at[slot])
    plsc.subcore_barrier()

    slot0 = slot - r
    base_q = r * _RLEN
    copies = []
    for j in range(1, _WPB):
        partner = slot0 + ((r + j) % _WPB)
        copies.append(pltpu.async_copy(
            shared.at[partner, pl.ds(base_q, _RLEN)],
            tmp.at[pl.ds((j - 1) * _RLEN, _RLEN)], sem))
    for cp in copies:
        cp.wait()

    @plsc.parallel_loop(0, _RCH, 1, unroll=4)
    def _merge_chunk(ci):
        off = ci * _L
        t = [colmin[pl.ds(base_q + off, _L)]] + [
            tmp[pl.ds((j - 1) * _RLEN + off, _L)] for j in range(1, _WPB)]
        while len(t) > 1:
            t = [jnp.minimum(t[2 * i], t[2 * i + 1])
                 for i in range(len(t) // 2)]
        colmin[pl.ds(base_q + off, _L)] = t[0]

    @plsc.parallel_loop(0, _RCH, 1, unroll=8,
                        carry=jnp.zeros((_L,), jnp.float32))
    def acc(ci, a):
        off = base_q + ci * _L
        valid = (off + lane) < kq
        return a + jnp.where(valid, colmin[pl.ds(off, _L)], jnp.float32(0.0))

    outv[...] = jnp.where(
        lane == 0, jnp.sum(acc),
        jnp.where(lane == 1, kq.astype(jnp.float32),
                  jnp.where(lane == 2, sum_x,
                            jnp.where(lane == 3, m.astype(jnp.float32),
                                      jnp.float32(0.0)))))
    pltpu.sync_copy(outv, out_hbm.at[wid])


@functools.partial(
    pl.kernel,
    out_type=jax.ShapeDtypeStruct((_NC * _NS, _L), jnp.float32),
    mesh=plsc.VectorSubcoreMesh(core_axis_name="c", subcore_axis_name="s",
                                num_cores=_NC, num_subcores=_NS),
    compiler_params=pltpu.CompilerParams(needs_layout_passes=False),
    scratch_types=[
        pltpu.VMEM((_PPW,), jnp.float32),
        pltpu.VMEM((_PPW,), jnp.float32),
        pltpu.VMEM((_PPW,), jnp.float32),
        pltpu.VMEM((_HW,), jnp.float32),
        pltpu.VMEM((_HW,), jnp.int32),
        pltpu.VMEM((_HW,), jnp.float32),
        pltpu.VMEM((_HW,), jnp.float32),
        pltpu.VMEM((_PPW + _L,), jnp.float32),
        pltpu.VMEM((_PPW + _L,), jnp.float32),
        pltpu.VMEM((_HW + _L,), jnp.float32),
        pltpu.VMEM((_HW + _L,), jnp.float32),
        pltpu.VMEM((_HW,), jnp.float32),
        pltpu.VMEM((_HW,), jnp.float32),
        pltpu.VMEM((_L,), jnp.float32),
        pltpu.VMEM_SHARED((_NS, _HW), jnp.float32),
        pltpu.SemaphoreType.DMA,
    ],
)
def _chamfer_sc(px_hbm, py_hbm, vis_hbm, sil_hbm, seg_hbm, qx_hbm, qy_hbm,
                out_hbm, *scratch):
    _sc_body(px_hbm, py_hbm, vis_hbm, sil_hbm, seg_hbm, qx_hbm, qy_hbm,
             out_hbm, *scratch)


@jax.jit
def kernel(pred_points, points_visibility, target_silhouette, target_segs):
    N, P1, D = pred_points.shape
    H, W = target_silhouette.shape[1], target_silhouette.shape[2]

    px = pred_points[..., 0].reshape(-1)
    py = pred_points[..., 1].reshape(-1)
    vis = points_visibility.reshape(-1).astype(jnp.float32)
    sil = target_silhouette.reshape(-1).astype(jnp.float32)
    seg = target_segs.reshape(-1).astype(jnp.int32)

    ys, xs = jnp.meshgrid(jnp.arange(H), jnp.arange(W), indexing="ij")
    qx = (xs / (W - 1)).reshape(-1).astype(jnp.float32)
    qy = (ys / (H - 1)).reshape(-1).astype(jnp.float32)

    out = _chamfer_sc(px, py, vis, sil, seg, qx, qy)

    part = out.reshape(_N, _WPB, _L)
    sum_y = part[:, :, 0].sum(axis=1)
    kq = part[:, 0, 1]
    sum_x = part[:, :, 2].sum(axis=1)
    cnt_x = part[:, :, 3].sum(axis=1)

    cx = sum_x / jnp.maximum(cnt_x, 1.0)
    cy = sum_y / jnp.maximum(kq, 1.0)
    return (cx.sum() + cy.sum()) / N

# --- scband reference (transcript-rebuilt; emitter-appended) ---
"""Pipeline reference for scband-chamfer-silhouette-loss-17154099381030 (READ-ONLY COPY).

The authoritative reference and input builder live on the scoring server;
editing this copy changes nothing except your own understanding.
"""

import jax, jax.numpy as jnp
import numpy as np

NUM_NEIGHBOURS = 1


def setup_inputs(seed: int = 0) -> dict:
    key = jax.random.key(seed)
    k1, k2, k3, k4 = jax.random.split(key, 4)
    N, P1, H, W = 4, 2048, 64, 64
    pred_points = jax.random.uniform(k1, (N, P1, 2), dtype=jnp.float32)
    points_visibility = jax.random.uniform(k2, (N, P1), dtype=jnp.float32)
    target_silhouette = jax.random.uniform(k3, (N, H, W), dtype=jnp.float32)
    target_segs = jax.random.randint(k4, (N, H, W), 0, 8).astype(jnp.int64)
    return {
        'pred_points': pred_points,
        'points_visibility': points_visibility,
        'target_silhouette': target_silhouette,
        'target_segs': target_segs,
    }


def _masked_chamfer(x, x_valid, y, y_valid, K):
    # x: (N, P1, D), y: (N, P2, D); x_valid: (N, P1) bool, y_valid: (N, P2) bool
    d2 = jnp.sum((x[:, :, None, :] - y[:, None, :, :]) ** 2, axis=-1)  # (N, P1, P2)
    big = jnp.asarray(1e10, d2.dtype)
    # knn of x into y (mask out invalid y points)
    d_xy = jnp.where(y_valid[:, None, :], d2, big)
    nn_x = -jax.lax.top_k(-d_xy, K)[0]  # (N, P1, K)
    cham_x = nn_x.mean(-1)
    cham_x = jnp.where(x_valid, cham_x, 0.0)
    # knn of y into x (mask out invalid x points)
    d_yx = jnp.where(x_valid[:, :, None], d2, big)
    nn_y = -jax.lax.top_k(-jnp.swapaxes(d_yx, 1, 2), K)[0]  # (N, P2, K)
    cham_y = nn_y.mean(-1)
    cham_y = jnp.where(y_valid, cham_y, 0.0)
    # point_reduction='mean' over valid lengths
    x_len = jnp.maximum(x_valid.sum(-1), 1)
    y_len = jnp.maximum(y_valid.sum(-1), 1)
    cx = cham_x.sum(1) / x_len
    cy = cham_y.sum(1) / y_len
    # batch_reduction='mean'
    N = x.shape[0]
    return (cx.sum() + cy.sum()) / N


def reference(pred_points, points_visibility, target_silhouette, target_segs):
    N, P1, D = pred_points.shape
    H, W = target_silhouette.shape[1], target_silhouette.shape[2]
    # target pointcloud: normalized pixel coordinates of silhouette pixels
    ys, xs = jnp.meshgrid(jnp.arange(H), jnp.arange(W), indexing='ij')
    coords = jnp.stack([xs / (W - 1), ys / (H - 1)], axis=-1).reshape(H * W, D).astype(pred_points.dtype)
    target_points = jnp.broadcast_to(coords[None], (N, H * W, D))
    y_valid = (target_silhouette.reshape(N, H * W) > 0.5) & (target_segs.reshape(N, H * W) > 0)
    # use_visibility=True: only visible predicted points participate
    x_valid = points_visibility > 0.5
    loss = _masked_chamfer(pred_points, x_valid, target_points, y_valid, NUM_NEIGHBOURS)
    return loss

if __name__ == "__main__":
    import jax
    _d = setup_inputs()
    print(jax.jit(kernel)(*tuple(_d.values())))

</pallas_src>

<mosaic_0001>
#map = affine_map<(d0, d1) -> (0)>
#map1 = affine_map<(d0, d1) -> (0, 0)>
module attributes {stable_mosaic.version = 14 : i64} {
  func.func @_chamfer_sc(%arg0: i32, %arg1: i32, %arg2: memref<8192xf32, #tpu.memory_space<hbm>>, %arg3: memref<8192xf32, #tpu.memory_space<hbm>>, %arg4: memref<8192xf32, #tpu.memory_space<hbm>>, %arg5: memref<16384xf32, #tpu.memory_space<hbm>>, %arg6: memref<16384xi32, #tpu.memory_space<hbm>>, %arg7: memref<4096xf32, #tpu.memory_space<hbm>>, %arg8: memref<4096xf32, #tpu.memory_space<hbm>>, %arg9: memref<32x16xf32, #tpu.memory_space<hbm>>, %arg10: memref<256xf32, #tpu.memory_space<vmem>>, %arg11: memref<256xf32, #tpu.memory_space<vmem>>, %arg12: memref<256xf32, #tpu.memory_space<vmem>>, %arg13: memref<4096xf32, #tpu.memory_space<vmem>>, %arg14: memref<4096xi32, #tpu.memory_space<vmem>>, %arg15: memref<4096xf32, #tpu.memory_space<vmem>>, %arg16: memref<4096xf32, #tpu.memory_space<vmem>>, %arg17: memref<272xf32, #tpu.memory_space<vmem>>, %arg18: memref<272xf32, #tpu.memory_space<vmem>>, %arg19: memref<4112xf32, #tpu.memory_space<vmem>>, %arg20: memref<4112xf32, #tpu.memory_space<vmem>>, %arg21: memref<4096xf32, #tpu.memory_space<vmem>>, %arg22: memref<4096xf32, #tpu.memory_space<vmem>>, %arg23: memref<16xf32, #tpu.memory_space<vmem>>, %arg24: memref<16x4096xf32, #tpu.memory_space<vmem_shared>>, %arg25: memref<!tpu.dma_semaphore, #tpu.memory_space<semaphore_mem>>) attributes {dimension_semantics = [#tpu.dimension_semantics<core_parallel>, #tpu.dimension_semantics<subcore_parallel>], iteration_bounds = array<i64: 2, 16>, scalar_prefetch = 0 : i64, scratch_operands = 16 : i64, tpu.core_type = #tpu.core_type<sc_vector_subcore>, window_params = [{transform_indices = #map}, {transform_indices = #map}, {transform_indices = #map}, {transform_indices = #map}, {transform_indices = #map}, {transform_indices = #map}, {transform_indices = #map}, {transform_indices = #map1}]} {
    %mul3A = arith.constant 16 : i32
    %mul3A_0 = arith.muli %arg0, %mul3A : i32
    %add3A = arith.addi %mul3A_0, %arg1 : i32
    %jit3A = arith.constant 8 : i32
    %div3A = arith.divsi %add3A, %jit3A : i32
    %sign3A = arith.constant 0 : i32
    %sign3A_1 = arith.cmpi sgt, %add3A, %sign3A : i32
    %sign3A_2 = arith.extui %sign3A_1 : i1 to i32
    %sign3A_3 = arith.constant 0 : i32
    %sign3A_4 = arith.cmpi slt, %add3A, %sign3A_3 : i32
    %sign3A_5 = arith.extui %sign3A_4 : i1 to i32
    %sign3A_6 = arith.subi %sign3A_2, %sign3A_5 : i32
    %sign3A_7 = arith.constant 0 : i32
    %sign3A_8 = arith.cmpi sgt, %jit3A, %sign3A_7 : i32
    %sign3A_9 = arith.extui %sign3A_8 : i1 to i32
    %sign3A_10 = arith.constant 0 : i32
    %sign3A_11 = arith.cmpi slt, %jit3A, %sign3A_10 : i32
    %sign3A_12 = arith.extui %sign3A_11 : i1 to i32
    %sign3A_13 = arith.subi %sign3A_9, %sign3A_12 : i32
    %ne3A = arith.cmpi ne, %sign3A_6, %sign3A_13 : i32
    %rem3A = arith.remsi %add3A, %jit3A : i32
    %ne3A_14 = arith.constant 0 : i32
    %ne3A_15 = arith.cmpi ne, %rem3A, %ne3A_14 : i32
    %and3A = arith.andi %ne3A, %ne3A_15 : i1
    %sub3A = arith.constant 1 : i32
    %sub3A_16 = arith.subi %div3A, %sub3A : i32
    %select_n3A = arith.select %and3A, %sub3A_16, %div3A : i32
    %jit3A_17 = arith.constant 8 : i32
    %eq3A = arith.constant 0 : i32
    %eq3A_18 = arith.cmpi eq, %jit3A_17, %eq3A : i32
    %jit3A_19 = arith.constant 1 : i32
    %select_n3A_20 = arith.select %eq3A_18, %jit3A_19, %jit3A_17 : i32
    %rem3A_21 = arith.remsi %add3A, %select_n3A_20 : i32
    %ne3A_22 = arith.constant 0 : i32
    %ne3A_23 = arith.cmpi ne, %rem3A_21, %ne3A_22 : i32
    %lt3A = arith.constant 0 : i32
    %lt3A_24 = arith.cmpi slt, %rem3A_21, %lt3A : i32
    %lt3A_25 = arith.constant 0 : i32
    %lt3A_26 = arith.cmpi slt, %select_n3A_20, %lt3A_25 : i32
    %ne3A_27 = arith.xori %lt3A_24, %lt3A_26 : i1
    %and3A_28 = arith.andi %ne3A_27, %ne3A_23 : i1
    %add3A_29 = arith.addi %rem3A_21, %select_n3A_20 : i32
    %select_n3A_30 = arith.select %and3A_28, %add3A_29, %rem3A_21 : i32
    %jit3A_31 = arith.constant 16 : i32
    %eq3A_32 = arith.constant 0 : i32
    %eq3A_33 = arith.cmpi eq, %jit3A_31, %eq3A_32 : i32
    %jit3A_34 = arith.constant 1 : i32
    %select_n3A_35 = arith.select %eq3A_33, %jit3A_34, %jit3A_31 : i32
    %rem3A_36 = arith.remsi %add3A, %select_n3A_35 : i32
    %ne3A_37 = arith.constant 0 : i32
    %ne3A_38 = arith.cmpi ne, %rem3A_36, %ne3A_37 : i32
    %lt3A_39 = arith.constant 0 : i32
    %lt3A_40 = arith.cmpi slt, %rem3A_36, %lt3A_39 : i32
    %lt3A_41 = arith.constant 0 : i32
    %lt3A_42 = arith.cmpi slt, %select_n3A_35, %lt3A_41 : i32
    %ne3A_43 = arith.xori %lt3A_40, %lt3A_42 : i1
    %and3A_44 = arith.andi %ne3A_43, %ne3A_38 : i1
    %add3A_45 = arith.addi %rem3A_36, %select_n3A_35 : i32
    %select_n3A_46 = arith.select %and3A_44, %add3A_45, %rem3A_36 : i32
    %mul3A_47 = arith.constant 2048 : i32
    %mul3A_48 = arith.muli %select_n3A, %mul3A_47 : i32
    %mul3A_49 = arith.constant 256 : i32
    %mul3A_50 = arith.muli %select_n3A_30, %mul3A_49 : i32
    %add3A_51 = arith.addi %mul3A_48, %mul3A_50 : i32
    %mul3A_52 = arith.constant 4096 : i32
    %mul3A_53 = arith.muli %select_n3A, %mul3A_52 : i32
    %dma_start3A = tpu.memref_slice %arg2[%add3A_51] : memref<8192xf32, #tpu.memory_space<hbm>> -> memref<256xf32, #tpu.memory_space<hbm>>
    %dma_start3A_54 = tpu.memref_slice %arg2[%add3A_51] : memref<8192xf32, #tpu.memory_space<hbm>> -> memref<256xf32, #tpu.memory_space<hbm>>
    tpu.enqueue_dma source(%dma_start3A_54 : memref<256xf32, #tpu.memory_space<hbm>>) target(%arg10 : memref<256xf32, #tpu.memory_space<vmem>>) target_semaphore(%arg25 : memref<!tpu.dma_semaphore, #tpu.memory_space<semaphore_mem>>)
    %dma_start3A_55 = tpu.memref_slice %arg3[%add3A_51] : memref<8192xf32, #tpu.memory_space<hbm>> -> memref<256xf32, #tpu.memory_space<hbm>>
    %dma_start3A_56 = tpu.memref_slice %arg3[%add3A_51] : memref<8192xf32, #tpu.memory_space<hbm>> -> memref<256xf32, #tpu.memory_space<hbm>>
    tpu.enqueue_dma source(%dma_start3A_56 : memref<256xf32, #tpu.memory_space<hbm>>) target(%arg11 : memref<256xf32, #tpu.memory_space<vmem>>) target_semaphore(%arg25 : memref<!tpu.dma_semaphore, #tpu.memory_space<semaphore_mem>>)
    %dma_start3A_57 = tpu.memref_slice %arg4[%add3A_51] : memref<8192xf32, #tpu.memory_space<hbm>> -> memref<256xf32, #tpu.memory_space<hbm>>
    %dma_start3A_58 = tpu.memref_slice %arg4[%add3A_51] : memref<8192xf32, #tpu.memory_space<hbm>> -> memref<256xf32, #tpu.memory_space<hbm>>
    tpu.enqueue_dma source(%dma_start3A_58 : memref<256xf32, #tpu.memory_space<hbm>>) target(%arg12 : memref<256xf32, #tpu.memory_space<vmem>>) target_semaphore(%arg25 : memref<!tpu.dma_semaphore, #tpu.memory_space<semaphore_mem>>)
    %dma_start3A_59 = tpu.memref_slice %arg5[%mul3A_53] : memref<16384xf32, #tpu.memory_space<hbm>> -> memref<4096xf32, #tpu.memory_space<hbm>>
    %dma_start3A_60 = tpu.memref_slice %arg5[%mul3A_53] : memref<16384xf32, #tpu.memory_space<hbm>> -> memref<4096xf32, #tpu.memory_space<hbm>>
    tpu.enqueue_dma source(%dma_start3A_60 : memref<4096xf32, #tpu.memory_space<hbm>>) target(%arg13 : memref<4096xf32, #tpu.memory_space<vmem>>) target_semaphore(%arg25 : memref<!tpu.dma_semaphore, #tpu.memory_space<semaphore_mem>>)
    %dma_start3A_61 = tpu.memref_slice %arg6[%mul3A_53] : memref<16384xi32, #tpu.memory_space<hbm>> -> memref<4096xi32, #tpu.memory_space<hbm>>
    %dma_start3A_62 = tpu.memref_slice %arg6[%mul3A_53] : memref<16384xi32, #tpu.memory_space<hbm>> -> memref<4096xi32, #tpu.memory_space<hbm>>
    tpu.enqueue_dma source(%dma_start3A_62 : memref<4096xi32, #tpu.memory_space<hbm>>) target(%arg14 : memref<4096xi32, #tpu.memory_space<vmem>>) target_semaphore(%arg25 : memref<!tpu.dma_semaphore, #tpu.memory_space<semaphore_mem>>)
    tpu.enqueue_dma source(%arg7 : memref<4096xf32, #tpu.memory_space<hbm>>) target(%arg15 : memref<4096xf32, #tpu.memory_space<vmem>>) target_semaphore(%arg25 : memref<!tpu.dma_semaphore, #tpu.memory_space<semaphore_mem>>)
    tpu.enqueue_dma source(%arg8 : memref<4096xf32, #tpu.memory_space<hbm>>) target(%arg16 : memref<4096xf32, #tpu.memory_space<vmem>>) target_semaphore(%arg25 : memref<!tpu.dma_semaphore, #tpu.memory_space<semaphore_mem>>)
    %dma_wait3A = tpu.memref_slice %arg2[%add3A_51] : memref<8192xf32, #tpu.memory_space<hbm>> -> memref<256xf32, #tpu.memory_space<hbm>>
    %dma_wait3A_63 = tpu.memref_slice %arg2[%add3A_51] : memref<8192xf32, #tpu.memory_space<hbm>> -> memref<256xf32, #tpu.memory_space<hbm>>
    tpu.wait_dma2 semaphore(%arg25 : memref<!tpu.dma_semaphore, #tpu.memory_space<semaphore_mem>>) src(%dma_wait3A_63 : memref<256xf32, #tpu.memory_space<hbm>>) dst(%arg10 : memref<256xf32, #tpu.memory_space<vmem>>)
    %dma_wait3A_64 = tpu.memref_slice %arg3[%add3A_51] : memref<8192xf32, #tpu.memory_space<hbm>> -> memref<256xf32, #tpu.memory_space<hbm>>
    %dma_wait3A_65 = tpu.memref_slice %arg3[%add3A_51] : memref<8192xf32, #tpu.memory_space<hbm>> -> memref<256xf32, #tpu.memory_space<hbm>>
    tpu.wait_dma2 semaphore(%arg25 : memref<!tpu.dma_semaphore, #tpu.memory_space<semaphore_mem>>) src(%dma_wait3A_65 : memref<256xf32, #tpu.memory_space<hbm>>) dst(%arg11 : memref<256xf32, #tpu.memory_space<vmem>>)
    %dma_wait3A_66 = tpu.memref_slice %arg4[%add3A_51] : memref<8192xf32, #tpu.memory_space<hbm>> -> memref<256xf32, #tpu.memory_space<hbm>>
    %dma_wait3A_67 = tpu.memref_slice %arg4[%add3A_51] : memref<8192xf32, #tpu.memory_space<hbm>> -> memref<256xf32, #tpu.memory_space<hbm>>
    tpu.wait_dma2 semaphore(%arg25 : memref<!tpu.dma_semaphore, #tpu.memory_space<semaphore_mem>>) src(%dma_wait3A_67 : memref<256xf32, #tpu.memory_space<hbm>>) dst(%arg12 : memref<256xf32, #tpu.memory_space<vmem>>)
    %dma_wait3A_68 = tpu.memref_slice %arg5[%mul3A_53] : memref<16384xf32, #tpu.memory_space<hbm>> -> memref<4096xf32, #tpu.memory_space<hbm>>
    %dma_wait3A_69 = tpu.memref_slice %arg5[%mul3A_53] : memref<16384xf32, #tpu.memory_space<hbm>> -> memref<4096xf32, #tpu.memory_space<hbm>>
    tpu.wait_dma2 semaphore(%arg25 : memref<!tpu.dma_semaphore, #tpu.memory_space<semaphore_mem>>) src(%dma_wait3A_69 : memref<4096xf32, #tpu.memory_space<hbm>>) dst(%arg13 : memref<4096xf32, #tpu.memory_space<vmem>>)
    %dma_wait3A_70 = tpu.memref_slice %arg6[%mul3A_53] : memref<16384xi32, #tpu.memory_space<hbm>> -> memref<4096xi32, #tpu.memory_space<hbm>>
    %dma_wait3A_71 = tpu.memref_slice %arg6[%mul3A_53] : memref<16384xi32, #tpu.memory_space<hbm>> -> memref<4096xi32, #tpu.memory_space<hbm>>
    tpu.wait_dma2 semaphore(%arg25 : memref<!tpu.dma_semaphore, #tpu.memory_space<semaphore_mem>>) src(%dma_wait3A_71 : memref<4096xi32, #tpu.memory_space<hbm>>) dst(%arg14 : memref<4096xi32, #tpu.memory_space<vmem>>)
    tpu.wait_dma2 semaphore(%arg25 : memref<!tpu.dma_semaphore, #tpu.memory_space<semaphore_mem>>) src(%arg7 : memref<4096xf32, #tpu.memory_space<hbm>>) dst(%arg15 : memref<4096xf32, #tpu.memory_space<vmem>>)
    tpu.wait_dma2 semaphore(%arg25 : memref<!tpu.dma_semaphore, #tpu.memory_space<semaphore_mem>>) src(%arg8 : memref<4096xf32, #tpu.memory_space<hbm>>) dst(%arg16 : memref<4096xf32, #tpu.memory_space<vmem>>)
    %iota3A = tpu.iota {dimensions = array<i32: 0>} : vector<16xi32>
    %parallel_loop3A = arith.constant 0 : i32
    %parallel_loop3A_72 = arith.constant 16 : i32
    %parallel_loop3A_73 = arith.constant 1 : i32
    %parallel_loop3A_74 = arith.constant 0 : i32
    %parallel_loop3A_75 = scf.for %parallel_loop3A_445 = %parallel_loop3A to %parallel_loop3A_72 step %parallel_loop3A_73 iter_args(%parallel_loop3A_446 = %parallel_loop3A_74) -> (i32)  : i32 {
      %parallel_loop3A_447 = arith.constant 16 : i32
      %parallel_loop3A_448 = arith.muli %parallel_loop3A_445, %parallel_loop3A_447 : i32
      %parallel_loop3A_449 = arith.index_cast %parallel_loop3A_448 : i32 to index
      %parallel_loop3A_450 = tpu.vector_load %arg12[%parallel_loop3A_449] {strides = array<i32>} : memref<256xf32, #tpu.memory_space<vmem>>, vector<16xf32>,
      %parallel_loop3A_451 = arith.constant 5.000000e-01 : f32
      %parallel_loop3A_452 = vector.broadcast %parallel_loop3A_451 : f32 to vector<16xf32>
      %parallel_loop3A_453 = arith.cmpf ogt, %parallel_loop3A_450, %parallel_loop3A_452 : vector<16xf32>
      %parallel_loop3A_454 = arith.extui %parallel_loop3A_453 : vector<16xi1> to vector<16xi32>
      %parallel_loop3A_455 = arith.constant true
      %parallel_loop3A_456 = vector.broadcast %parallel_loop3A_455 : i1 to vector<16xi1>
      %parallel_loop3A_457 = tpu.scan <sum>, %parallel_loop3A_454 masked %parallel_loop3A_456 : vector<16xi32>, vector<16xi1> -> vector<16xi32>
      %parallel_loop3A_458 = vector.broadcast %parallel_loop3A_446 : i32 to vector<16xi32>
      %parallel_loop3A_459 = arith.addi %parallel_loop3A_458, %parallel_loop3A_457 : vector<16xi32>
      %parallel_loop3A_460 = arith.constant 1 : i32
      %parallel_loop3A_461 = vector.broadcast %parallel_loop3A_460 : i32 to vector<16xi32>
      %parallel_loop3A_462 = arith.subi %parallel_loop3A_459, %parallel_loop3A_461 : vector<16xi32>
      %parallel_loop3A_463 = arith.index_cast %parallel_loop3A_448 : i32 to index
      %parallel_loop3A_464 = tpu.vector_load %arg10[%parallel_loop3A_463] {strides = array<i32>} : memref<256xf32, #tpu.memory_space<vmem>>, vector<16xf32>,
      tpu.vector_store_idx %arg17[%parallel_loop3A_462], %parallel_loop3A_464 masked %parallel_loop3A_453 : memref<272xf32, #tpu.memory_space<vmem>>[vector<16xi32>], vector<16xf32>, vector<16xi1>
      %parallel_loop3A_465 = arith.index_cast %parallel_loop3A_448 : i32 to index
      %parallel_loop3A_466 = tpu.vector_load %arg11[%parallel_loop3A_465] {strides = array<i32>} : memref<256xf32, #tpu.memory_space<vmem>>, vector<16xf32>,
      tpu.vector_store_idx %arg18[%parallel_loop3A_462], %parallel_loop3A_466 masked %parallel_loop3A_453 : memref<272xf32, #tpu.memory_space<vmem>>[vector<16xi32>], vector<16xf32>, vector<16xi1>
      %parallel_loop3A_467 = vector.extract_strided_slice %parallel_loop3A_457 {offsets = [15], sizes = [1], strides = [1]} : vector<16xi32> to vector<1xi32>
      %parallel_loop3A_468 = vector.extract %parallel_loop3A_467[0] : i32 from vector<1xi32>
      %parallel_loop3A_469 = arith.addi %parallel_loop3A_446, %parallel_loop3A_468 : i32
      scf.yield %parallel_loop3A_469 : i32
    } {sc.loop_unroll_factor = 4 : i64, sc.parallel_access}
    %broadcast_in_dim3A = arith.constant 2.000000e+05 : f32
    %broadcast_in_dim3A_76 = vector.broadcast %broadcast_in_dim3A : f32 to vector<16xf32>
    %swap3A = arith.index_cast %parallel_loop3A_75 : i32 to index
    %swap3A_77 = tpu.vector_load %arg17[%swap3A] {strides = array<i32>} : memref<272xf32, #tpu.memory_space<vmem>>, vector<16xf32>,
    tpu.vector_store %arg17[%swap3A], %broadcast_in_dim3A_76 {strides = array<i32>} : memref<272xf32, #tpu.memory_space<vmem>>, vector<16xf32>,
    %swap3A_78 = arith.index_cast %parallel_loop3A_75 : i32 to index
    %swap3A_79 = tpu.vector_load %arg18[%swap3A_78] {strides = array<i32>} : memref<272xf32, #tpu.memory_space<vmem>>, vector<16xf32>,
    tpu.vector_store %arg18[%swap3A_78], %broadcast_in_dim3A_76 {strides = array<i32>} : memref<272xf32, #tpu.memory_space<vmem>>, vector<16xf32>,
    %parallel_loop3A_80 = arith.constant 0 : i32
    %parallel_loop3A_81 = arith.constant 256 : i32
    %parallel_loop3A_82 = arith.constant 1 : i32
    %parallel_loop3A_83 = arith.constant 0 : i32
    %parallel_loop3A_84 = scf.for %parallel_loop3A_445 = %parallel_loop3A_80 to %parallel_loop3A_81 step %parallel_loop3A_82 iter_args(%parallel_loop3A_446 = %parallel_loop3A_83) -> (i32)  : i32 {
      %parallel_loop3A_447 = arith.constant 16 : i32
      %parallel_loop3A_448 = arith.muli %parallel_loop3A_445, %parallel_loop3A_447 : i32
      %parallel_loop3A_449 = arith.index_cast %parallel_loop3A_448 : i32 to index
      %parallel_loop3A_450 = tpu.vector_load %arg13[%parallel_loop3A_449] {strides = array<i32>} : memref<4096xf32, #tpu.memory_space<vmem>>, vector<16xf32>,
      %parallel_loop3A_451 = arith.constant 5.000000e-01 : f32
      %parallel_loop3A_452 = vector.broadcast %parallel_loop3A_451 : f32 to vector<16xf32>
      %parallel_loop3A_453 = arith.cmpf ogt, %parallel_loop3A_450, %parallel_loop3A_452 : vector<16xf32>
      %parallel_loop3A_454 = arith.index_cast %parallel_loop3A_448 : i32 to index
      %parallel_loop3A_455 = tpu.vector_load %arg14[%parallel_loop3A_454] {strides = array<i32>} : memref<4096xi32, #tpu.memory_space<vmem>>, vector<16xi32>,
      %parallel_loop3A_456 = arith.constant 0 : i32
      %parallel_loop3A_457 = vector.broadcast %parallel_loop3A_456 : i32 to vector<16xi32>
      %parallel_loop3A_458 = arith.cmpi sgt, %parallel_loop3A_455, %parallel_loop3A_457 : vector<16xi32>
      %parallel_loop3A_459 = arith.andi %parallel_loop3A_453, %parallel_loop3A_458 : vector<16xi1>
      %parallel_loop3A_460 = arith.extui %parallel_loop3A_459 : vector<16xi1> to vector<16xi32>
      %parallel_loop3A_461 = arith.constant true
      %parallel_loop3A_462 = vector.broadcast %parallel_loop3A_461 : i1 to vector<16xi1>
      %parallel_loop3A_463 = tpu.scan <sum>, %parallel_loop3A_460 masked %parallel_loop3A_462 : vector<16xi32>, vector<16xi1> -> vector<16xi32>
      %parallel_loop3A_464 = vector.broadcast %parallel_loop3A_446 : i32 to vector<16xi32>
      %parallel_loop3A_465 = arith.addi %parallel_loop3A_464, %parallel_loop3A_463 : vector<16xi32>
      %parallel_loop3A_466 = arith.constant 1 : i32
      %parallel_loop3A_467 = vector.broadcast %parallel_loop3A_466 : i32 to vector<16xi32>
      %parallel_loop3A_468 = arith.subi %parallel_loop3A_465, %parallel_loop3A_467 : vector<16xi32>
      %parallel_loop3A_469 = arith.index_cast %parallel_loop3A_448 : i32 to index
      %parallel_loop3A_470 = tpu.vector_load %arg15[%parallel_loop3A_469] {strides = array<i32>} : memref<4096xf32, #tpu.memory_space<vmem>>, vector<16xf32>,
      tpu.vector_store_idx %arg19[%parallel_loop3A_468], %parallel_loop3A_470 masked %parallel_loop3A_459 : memref<4112xf32, #tpu.memory_space<vmem>>[vector<16xi32>], vector<16xf32>, vector<16xi1>
      %parallel_loop3A_471 = arith.index_cast %parallel_loop3A_448 : i32 to index
      %parallel_loop3A_472 = tpu.vector_load %arg16[%parallel_loop3A_471] {strides = array<i32>} : memref<4096xf32, #tpu.memory_space<vmem>>, vector<16xf32>,
      tpu.vector_store_idx %arg20[%parallel_loop3A_468], %parallel_loop3A_472 masked %parallel_loop3A_459 : memref<4112xf32, #tpu.memory_space<vmem>>[vector<16xi32>], vector<16xf32>, vector<16xi1>
      %parallel_loop3A_473 = vector.extract_strided_slice %parallel_loop3A_463 {offsets = [15], sizes = [1], strides = [1]} : vector<16xi32> to vector<1xi32>
      %parallel_loop3A_474 = vector.extract %parallel_loop3A_473[0] : i32 from vector<1xi32>
      %parallel_loop3A_475 = arith.addi %parallel_loop3A_446, %parallel_loop3A_474 : i32
      scf.yield %parallel_loop3A_475 : i32
    } {sc.loop_unroll_factor = 4 : i64, sc.parallel_access}
    %swap3A_85 = arith.index_cast %parallel_loop3A_84 : i32 to index
    %swap3A_86 = tpu.vector_load %arg19[%swap3A_85] {strides = array<i32>} : memref<4112xf32, #tpu.memory_space<vmem>>, vector<16xf32>,
    tpu.vector_store %arg19[%swap3A_85], %broadcast_in_dim3A_76 {strides = array<i32>} : memref<4112xf32, #tpu.memory_space<vmem>>, vector<16xf32>,
    %swap3A_87 = arith.index_cast %parallel_loop3A_84 : i32 to index
    %swap3A_88 = tpu.vector_load %arg20[%swap3A_87] {strides = array<i32>} : memref<4112xf32, #tpu.memory_space<vmem>>, vector<16xf32>,
    tpu.vector_store %arg20[%swap3A_87], %broadcast_in_dim3A_76 {strides = array<i32>} : memref<4112xf32, #tpu.memory_space<vmem>>, vector<16xf32>,
    %add3A_89 = arith.constant 16 : i32
    %add3A_90 = arith.addi %parallel_loop3A_84, %add3A_89 : i32
    %sub3A_91 = arith.constant 1 : i32
    %sub3A_92 = arith.subi %add3A_90, %sub3A_91 : i32
    %jit3A_93 = arith.constant 16 : i32
    %div3A_94 = arith.divsi %sub3A_92, %jit3A_93 : i32
    %sign3A_95 = arith.constant 0 : i32
    %sign3A_96 = arith.cmpi sgt, %sub3A_92, %sign3A_95 : i32
    %sign3A_97 = arith.extui %sign3A_96 : i1 to i32
    %sign3A_98 = arith.constant 0 : i32
    %sign3A_99 = arith.cmpi slt, %sub3A_92, %sign3A_98 : i32
    %sign3A_100 = arith.extui %sign3A_99 : i1 to i32
    %sign3A_101 = arith.subi %sign3A_97, %sign3A_100 : i32
    %sign3A_102 = arith.constant 0 : i32
    %sign3A_103 = arith.cmpi sgt, %jit3A_93, %sign3A_102 : i32
    %sign3A_104 = arith.extui %sign3A_103 : i1 to i32
    %sign3A_105 = arith.constant 0 : i32
    %sign3A_106 = arith.cmpi slt, %jit3A_93, %sign3A_105 : i32
    %sign3A_107 = arith.extui %sign3A_106 : i1 to i32
    %sign3A_108 = arith.subi %sign3A_104, %sign3A_107 : i32
    %ne3A_109 = arith.cmpi ne, %sign3A_101, %sign3A_108 : i32
    %rem3A_110 = arith.remsi %sub3A_92, %jit3A_93 : i32
    %ne3A_111 = arith.constant 0 : i32
    %ne3A_112 = arith.cmpi ne, %rem3A_110, %ne3A_111 : i32
    %and3A_113 = arith.andi %ne3A_109, %ne3A_112 : i1
    %sub3A_114 = arith.constant 1 : i32
    %sub3A_115 = arith.subi %div3A_94, %sub3A_114 : i32
    %select_n3A_116 = arith.select %and3A_113, %sub3A_115, %div3A_94 : i32
    %broadcast_in_dim3A_117 = arith.constant 1.000000e+10 : f32
    %broadcast_in_dim3A_118 = vector.broadcast %broadcast_in_dim3A_117 : f32 to vector<16xf32>
    %parallel_loop3A_119 = arith.constant 0 : i32
    %parallel_loop3A_120 = arith.constant 1 : i32
    scf.for %parallel_loop3A_445 = %parallel_loop3A_119 to %select_n3A_116 step %parallel_loop3A_120  : i32 {
      %parallel_loop3A_446 = arith.constant 16 : i32
      %parallel_loop3A_447 = arith.muli %parallel_loop3A_445, %parallel_loop3A_446 : i32
      %parallel_loop3A_448 = arith.index_cast %parallel_loop3A_447 : i32 to index
      %parallel_loop3A_449 = tpu.vector_load %arg21[%parallel_loop3A_448] {strides = array<i32>} : memref<4096xf32, #tpu.memory_space<vmem>>, vector<16xf32>,
      tpu.vector_store %arg21[%parallel_loop3A_448], %broadcast_in_dim3A_118 {strides = array<i32>} : memref<4096xf32, #tpu.memory_space<vmem>>, vector<16xf32>,
    } {sc.loop_unroll_factor = 8 : i64, sc.parallel_access}
    %add3A_121 = arith.constant 8 : i32
    %add3A_122 = arith.addi %parallel_loop3A_75, %add3A_121 : i32
    %sub3A_123 = arith.constant 1 : i32
    %sub3A_124 = arith.subi %add3A_122, %sub3A_123 : i32
    %jit3A_125 = arith.constant 8 : i32
    %div3A_126 = arith.divsi %sub3A_124, %jit3A_125 : i32
    %sign3A_127 = arith.constant 0 : i32
    %sign3A_128 = arith.cmpi sgt, %sub3A_124, %sign3A_127 : i32
    %sign3A_129 = arith.extui %sign3A_128 : i1 to i32
    %sign3A_130 = arith.constant 0 : i32
    %sign3A_131 = arith.cmpi slt, %sub3A_124, %sign3A_130 : i32
    %sign3A_132 = arith.extui %sign3A_131 : i1 to i32
    %sign3A_133 = arith.subi %sign3A_129, %sign3A_132 : i32
    %sign3A_134 = arith.constant 0 : i32
    %sign3A_135 = arith.cmpi sgt, %jit3A_125, %sign3A_134 : i32
    %sign3A_136 = arith.extui %sign3A_135 : i1 to i32
    %sign3A_137 = arith.constant 0 : i32
    %sign3A_138 = arith.cmpi slt, %jit3A_125, %sign3A_137 : i32
    %sign3A_139 = arith.extui %sign3A_138 : i1 to i32
    %sign3A_140 = arith.subi %sign3A_136, %sign3A_139 : i32
    %ne3A_141 = arith.cmpi ne, %sign3A_133, %sign3A_140 : i32
    %rem3A_142 = arith.remsi %sub3A_124, %jit3A_125 : i32
    %ne3A_143 = arith.constant 0 : i32
    %ne3A_144 = arith.cmpi ne, %rem3A_142, %ne3A_143 : i32
    %and3A_145 = arith.andi %ne3A_141, %ne3A_144 : i1
    %sub3A_146 = arith.constant 1 : i32
    %sub3A_147 = arith.subi %div3A_126, %sub3A_146 : i32
    %select_n3A_148 = arith.select %and3A_145, %sub3A_147, %div3A_126 : i32
    %while3A = arith.constant 0 : i32
    %while3A_149 = arith.constant 0.000000e+00 : f32
    %while3A_150 = arith.subi %select_n3A_148, %while3A : i32
    %while3A_151 = arith.addi %while3A, %while3A_150 : i32
    %while3A_152 = arith.constant 1 : i32
    %while3A_153 = arith.divsi %while3A_150, %while3A_152 : i32
    %while3A_154 = arith.muli %while3A_153, %while3A_152 : i32
    %while3A_155 = arith.addi %while3A, %while3A_154 : i32
    %while3A_156 = arith.constant 1 : i32
    %while3A_157 = scf.for %while3A_445 = %while3A to %while3A_155 step %while3A_156 iter_args(%while3A_446 = %while3A_149) -> (f32)  : i32 {
      %mul3A_447 = arith.constant 8 : i32
      %mul3A_448 = arith.muli %while3A_445, %mul3A_447 : i32
      %add3A_449 = arith.constant 0 : i32
      %add3A_450 = arith.addi %mul3A_448, %add3A_449 : i32
      %broadcast_in_dim3A_451 = vector.broadcast %add3A_450 : i32 to vector<16xi32>
      %gather3A = tpu.vector_load_idx %arg17[%broadcast_in_dim3A_451] : memref<272xf32, #tpu.memory_space<vmem>>[vector<16xi32>], vector<16xf32>,
      %add3A_452 = arith.constant 1 : i32
      %add3A_453 = arith.addi %mul3A_448, %add3A_452 : i32
      %broadcast_in_dim3A_454 = vector.broadcast %add3A_453 : i32 to vector<16xi32>
      %gather3A_455 = tpu.vector_load_idx %arg17[%broadcast_in_dim3A_454] : memref<272xf32, #tpu.memory_space<vmem>>[vector<16xi32>], vector<16xf32>,
      %add3A_456 = arith.constant 2 : i32
      %add3A_457 = arith.addi %mul3A_448, %add3A_456 : i32
      %broadcast_in_dim3A_458 = vector.broadcast %add3A_457 : i32 to vector<16xi32>
      %gather3A_459 = tpu.vector_load_idx %arg17[%broadcast_in_dim3A_458] : memref<272xf32, #tpu.memory_space<vmem>>[vector<16xi32>], vector<16xf32>,
      %add3A_460 = arith.constant 3 : i32
      %add3A_461 = arith.addi %mul3A_448, %add3A_460 : i32
      %broadcast_in_dim3A_462 = vector.broadcast %add3A_461 : i32 to vector<16xi32>
      %gather3A_463 = tpu.vector_load_idx %arg17[%broadcast_in_dim3A_462] : memref<272xf32, #tpu.memory_space<vmem>>[vector<16xi32>], vector<16xf32>,
      %add3A_464 = arith.constant 4 : i32
      %add3A_465 = arith.addi %mul3A_448, %add3A_464 : i32
      %broadcast_in_dim3A_466 = vector.broadcast %add3A_465 : i32 to vector<16xi32>
      %gather3A_467 = tpu.vector_load_idx %arg17[%broadcast_in_dim3A_466] : memref<272xf32, #tpu.memory_space<vmem>>[vector<16xi32>], vector<16xf32>,
      %add3A_468 = arith.constant 5 : i32
      %add3A_469 = arith.addi %mul3A_448, %add3A_468 : i32
      %broadcast_in_dim3A_470 = vector.broadcast %add3A_469 : i32 to vector<16xi32>
      %gather3A_471 = tpu.vector_load_idx %arg17[%broadcast_in_dim3A_470] : memref<272xf32, #tpu.memory_space<vmem>>[vector<16xi32>], vector<16xf32>,
      %add3A_472 = arith.constant 6 : i32
      %add3A_473 = arith.addi %mul3A_448, %add3A_472 : i32
      %broadcast_in_dim3A_474 = vector.broadcast %add3A_473 : i32 to vector<16xi32>
      %gather3A_475 = tpu.vector_load_idx %arg17[%broadcast_in_dim3A_474] : memref<272xf32, #tpu.memory_space<vmem>>[vector<16xi32>], vector<16xf32>,
      %add3A_476 = arith.constant 7 : i32
      %add3A_477 = arith.addi %mul3A_448, %add3A_476 : i32
      %broadcast_in_dim3A_478 = vector.broadcast %add3A_477 : i32 to vector<16xi32>
      %gather3A_479 = tpu.vector_load_idx %arg17[%broadcast_in_dim3A_478] : memref<272xf32, #tpu.memory_space<vmem>>[vector<16xi32>], vector<16xf32>,
      %add3A_480 = arith.constant 0 : i32
      %add3A_481 = arith.addi %mul3A_448, %add3A_480 : i32
      %broadcast_in_dim3A_482 = vector.broadcast %add3A_481 : i32 to vector<16xi32>
      %gather3A_483 = tpu.vector_load_idx %arg18[%broadcast_in_dim3A_482] : memref<272xf32, #tpu.memory_space<vmem>>[vector<16xi32>], vector<16xf32>,
      %add3A_484 = arith.constant 1 : i32
      %add3A_485 = arith.addi %mul3A_448, %add3A_484 : i32
      %broadcast_in_dim3A_486 = vector.broadcast %add3A_485 : i32 to vector<16xi32>
      %gather3A_487 = tpu.vector_load_idx %arg18[%broadcast_in_dim3A_486] : memref<272xf32, #tpu.memory_space<vmem>>[vector<16xi32>], vector<16xf32>,
      %add3A_488 = arith.constant 2 : i32
      %add3A_489 = arith.addi %mul3A_448, %add3A_488 : i32
      %broadcast_in_dim3A_490 = vector.broadcast %add3A_489 : i32 to vector<16xi32>
      %gather3A_491 = tpu.vector_load_idx %arg18[%broadcast_in_dim3A_490] : memref<272xf32, #tpu.memory_space<vmem>>[vector<16xi32>], vector<16xf32>,
      %add3A_492 = arith.constant 3 : i32
      %add3A_493 = arith.addi %mul3A_448, %add3A_492 : i32
      %broadcast_in_dim3A_494 = vector.broadcast %add3A_493 : i32 to vector<16xi32>
      %gather3A_495 = tpu.vector_load_idx %arg18[%broadcast_in_dim3A_494] : memref<272xf32, #tpu.memory_space<vmem>>[vector<16xi32>], vector<16xf32>,
      %add3A_496 = arith.constant 4 : i32
      %add3A_497 = arith.addi %mul3A_448, %add3A_496 : i32
      %broadcast_in_dim3A_498 = vector.broadcast %add3A_497 : i32 to vector<16xi32>
      %gather3A_499 = tpu.vector_load_idx %arg18[%broadcast_in_dim3A_498] : memref<272xf32, #tpu.memory_space<vmem>>[vector<16xi32>], vector<16xf32>,
      %add3A_500 = arith.constant 5 : i32
      %add3A_501 = arith.addi %mul3A_448, %add3A_500 : i32
      %broadcast_in_dim3A_502 = vector.broadcast %add3A_501 : i32 to vector<16xi32>
      %gather3A_503 = tpu.vector_load_idx %arg18[%broadcast_in_dim3A_502] : memref<272xf32, #tpu.memory_space<vmem>>[vector<16xi32>], vector<16xf32>,
      %add3A_504 = arith.constant 6 : i32
      %add3A_505 = arith.addi %mul3A_448, %add3A_504 : i32
      %broadcast_in_dim3A_506 = vector.broadcast %add3A_505 : i32 to vector<16xi32>
      %gather3A_507 = tpu.vector_load_idx %arg18[%broadcast_in_dim3A_506] : memref<272xf32, #tpu.memory_space<vmem>>[vector<16xi32>], vector<16xf32>,
      %add3A_508 = arith.constant 7 : i32
      %add3A_509 = arith.addi %mul3A_448, %add3A_508 : i32
      %broadcast_in_dim3A_510 = vector.broadcast %add3A_509 : i32 to vector<16xi32>
      %gather3A_511 = tpu.vector_load_idx %arg18[%broadcast_in_dim3A_510] : memref<272xf32, #tpu.memory_space<vmem>>[vector<16xi32>], vector<16xf32>,
      %parallel_loop3A_512 = arith.constant 0 : i32
      %parallel_loop3A_513 = arith.constant 1 : i32
      %parallel_loop3A_514:8 = scf.for %parallel_loop3A_594 = %parallel_loop3A_512 to %select_n3A_116 step %parallel_loop3A_513 iter_args(%parallel_loop3A_595 = %broadcast_in_dim3A_118, %parallel_loop3A_596 = %broadcast_in_dim3A_118, %parallel_loop3A_597 = %broadcast_in_dim3A_118, %parallel_loop3A_598 = %broadcast_in_dim3A_118, %parallel_loop3A_599 = %broadcast_in_dim3A_118, %parallel_loop3A_600 = %broadcast_in_dim3A_118, %parallel_loop3A_601 = %broadcast_in_dim3A_118, %parallel_loop3A_602 = %broadcast_in_dim3A_118) -> (vector<16xf32>, vector<16xf32>, vector<16xf32>, vector<16xf32>, vector<16xf32>, vector<16xf32>, vector<16xf32>, vector<16xf32>)  : i32 {
        %parallel_loop3A_603 = arith.constant 16 : i32
        %parallel_loop3A_604 = arith.muli %parallel_loop3A_594, %parallel_loop3A_603 : i32
        %parallel_loop3A_605 = arith.index_cast %parallel_loop3A_604 : i32 to index
        %parallel_loop3A_606 = tpu.vector_load %arg19[%parallel_loop3A_605] {strides = array<i32>} : memref<4112xf32, #tpu.memory_space<vmem>>, vector<16xf32>,
        %parallel_loop3A_607 = arith.index_cast %parallel_loop3A_604 : i32 to index
        %parallel_loop3A_608 = tpu.vector_load %arg20[%parallel_loop3A_607] {strides = array<i32>} : memref<4112xf32, #tpu.memory_space<vmem>>, vector<16xf32>,
        %parallel_loop3A_609 = arith.subf %parallel_loop3A_606, %gather3A : vector<16xf32>
        %parallel_loop3A_610 = arith.subf %parallel_loop3A_608, %gather3A_483 : vector<16xf32>
        %parallel_loop3A_611 = arith.mulf %parallel_loop3A_609, %parallel_loop3A_609 : vector<16xf32>
        %parallel_loop3A_612 = arith.mulf %parallel_loop3A_610, %parallel_loop3A_610 : vector<16xf32>
        %parallel_loop3A_613 = arith.addf %parallel_loop3A_611, %parallel_loop3A_612 : vector<16xf32>
        %parallel_loop3A_614 = arith.subf %parallel_loop3A_606, %gather3A_455 : vector<16xf32>
        %parallel_loop3A_615 = arith.subf %parallel_loop3A_608, %gather3A_487 : vector<16xf32>
        %parallel_loop3A_616 = arith.mulf %parallel_loop3A_614, %parallel_loop3A_614 : vector<16xf32>
        %parallel_loop3A_617 = arith.mulf %parallel_loop3A_615, %parallel_loop3A_615 : vector<16xf32>
        %parallel_loop3A_618 = arith.addf %parallel_loop3A_616, %parallel_loop3A_617 : vector<16xf32>
        %parallel_loop3A_619 = arith.subf %parallel_loop3A_606, %gather3A_459 : vector<16xf32>
        %parallel_loop3A_620 = arith.subf %parallel_loop3A_608, %gather3A_491 : vector<16xf32>
        %parallel_loop3A_621 = arith.mulf %parallel_loop3A_619, %parallel_loop3A_619 : vector<16xf32>
        %parallel_loop3A_622 = arith.mulf %parallel_loop3A_620, %parallel_loop3A_620 : vector<16xf32>
        %parallel_loop3A_623 = arith.addf %parallel_loop3A_621, %parallel_loop3A_622 : vector<16xf32>
        %parallel_loop3A_624 = arith.subf %parallel_loop3A_606, %gather3A_463 : vector<16xf32>
        %parallel_loop3A_625 = arith.subf %parallel_loop3A_608, %gather3A_495 : vector<16xf32>
        %parallel_loop3A_626 = arith.mulf %parallel_loop3A_624, %parallel_loop3A_624 : vector<16xf32>
        %parallel_loop3A_627 = arith.mulf %parallel_loop3A_625, %parallel_loop3A_625 : vector<16xf32>
        %parallel_loop3A_628 = arith.addf %parallel_loop3A_626, %parallel_loop3A_627 : vector<16xf32>
        %parallel_loop3A_629 = arith.subf %parallel_loop3A_606, %gather3A_467 : vector<16xf32>
        %parallel_loop3A_630 = arith.subf %parallel_loop3A_608, %gather3A_499 : vector<16xf32>
        %parallel_loop3A_631 = arith.mulf %parallel_loop3A_629, %parallel_loop3A_629 : vector<16xf32>
        %parallel_loop3A_632 = arith.mulf %parallel_loop3A_630, %parallel_loop3A_630 : vector<16xf32>
        %parallel_loop3A_633 = arith.addf %parallel_loop3A_631, %parallel_loop3A_632 : vector<16xf32>
        %parallel_loop3A_634 = arith.subf %parallel_loop3A_606, %gather3A_471 : vector<16xf32>
        %parallel_loop3A_635 = arith.subf %parallel_loop3A_608, %gather3A_503 : vector<16xf32>
        %parallel_loop3A_636 = arith.mulf %parallel_loop3A_634, %parallel_loop3A_634 : vector<16xf32>
        %parallel_loop3A_637 = arith.mulf %parallel_loop3A_635, %parallel_loop3A_635 : vector<16xf32>
        %parallel_loop3A_638 = arith.addf %parallel_loop3A_636, %parallel_loop3A_637 : vector<16xf32>
        %parallel_loop3A_639 = arith.subf %parallel_loop3A_606, %gather3A_475 : vector<16xf32>
        %parallel_loop3A_640 = arith.subf %parallel_loop3A_608, %gather3A_507 : vector<16xf32>
        %parallel_loop3A_641 = arith.mulf %parallel_loop3A_639, %parallel_loop3A_639 : vector<16xf32>
        %parallel_loop3A_642 = arith.mulf %parallel_loop3A_640, %parallel_loop3A_640 : vector<16xf32>
        %parallel_loop3A_643 = arith.addf %parallel_loop3A_641, %parallel_loop3A_642 : vector<16xf32>
        %parallel_loop3A_644 = arith.subf %parallel_loop3A_606, %gather3A_479 : vector<16xf32>
        %parallel_loop3A_645 = arith.subf %parallel_loop3A_608, %gather3A_511 : vector<16xf32>
        %parallel_loop3A_646 = arith.mulf %parallel_loop3A_644, %parallel_loop3A_644 : vector<16xf32>
        %parallel_loop3A_647 = arith.mulf %parallel_loop3A_645, %parallel_loop3A_645 : vector<16xf32>
        %parallel_loop3A_648 = arith.addf %parallel_loop3A_646, %parallel_loop3A_647 : vector<16xf32>
        %parallel_loop3A_649 = arith.minimumf %parallel_loop3A_613, %parallel_loop3A_618 : vector<16xf32>
        %parallel_loop3A_650 = arith.minimumf %parallel_loop3A_623, %parallel_loop3A_628 : vector<16xf32>
        %parallel_loop3A_651 = arith.minimumf %parallel_loop3A_633, %parallel_loop3A_638 : vector<16xf32>
        %parallel_loop3A_652 = arith.minimumf %parallel_loop3A_643, %parallel_loop3A_648 : vector<16xf32>
        %parallel_loop3A_653 = arith.minimumf %parallel_loop3A_649, %parallel_loop3A_650 : vector<16xf32>
        %parallel_loop3A_654 = arith.minimumf %parallel_loop3A_651, %parallel_loop3A_652 : vector<16xf32>
        %parallel_loop3A_655 = arith.minimumf %parallel_loop3A_653, %parallel_loop3A_654 : vector<16xf32>
        %parallel_loop3A_656 = arith.index_cast %parallel_loop3A_604 : i32 to index
        %parallel_loop3A_657 = tpu.vector_load %arg21[%parallel_loop3A_656] {strides = array<i32>} : memref<4096xf32, #tpu.memory_space<vmem>>, vector<16xf32>,
        %parallel_loop3A_658 = arith.minimumf %parallel_loop3A_657, %parallel_loop3A_655 : vector<16xf32>
        %parallel_loop3A_659 = arith.index_cast %parallel_loop3A_604 : i32 to index
        %parallel_loop3A_660 = tpu.vector_load %arg21[%parallel_loop3A_659] {strides = array<i32>} : memref<4096xf32, #tpu.memory_space<vmem>>, vector<16xf32>,
        tpu.vector_store %arg21[%parallel_loop3A_659], %parallel_loop3A_658 {strides = array<i32>} : memref<4096xf32, #tpu.memory_space<vmem>>, vector<16xf32>,
        %parallel_loop3A_661 = arith.minimumf %parallel_loop3A_595, %parallel_loop3A_613 : vector<16xf32>
        %parallel_loop3A_662 = arith.minimumf %parallel_loop3A_596, %parallel_loop3A_618 : vector<16xf32>
        %parallel_loop3A_663 = arith.minimumf %parallel_loop3A_597, %parallel_loop3A_623 : vector<16xf32>
        %parallel_loop3A_664 = arith.minimumf %parallel_loop3A_598, %parallel_loop3A_628 : vector<16xf32>
        %parallel_loop3A_665 = arith.minimumf %parallel_loop3A_599, %parallel_loop3A_633 : vector<16xf32>
        %parallel_loop3A_666 = arith.minimumf %parallel_loop3A_600, %parallel_loop3A_638 : vector<16xf32>
        %parallel_loop3A_667 = arith.minimumf %parallel_loop3A_601, %parallel_loop3A_643 : vector<16xf32>
        %parallel_loop3A_668 = arith.minimumf %parallel_loop3A_602, %parallel_loop3A_648 : vector<16xf32>
        scf.yield %parallel_loop3A_661, %parallel_loop3A_662, %parallel_loop3A_663, %parallel_loop3A_664, %parallel_loop3A_665, %parallel_loop3A_666, %parallel_loop3A_667, %parallel_loop3A_668 : vector<16xf32>, vector<16xf32>, vector<16xf32>, vector<16xf32>, vector<16xf32>, vector<16xf32>, vector<16xf32>, vector<16xf32>
      } {sc.loop_unroll_factor = 4 : i64, sc.parallel_access}
      %add3A_515 = arith.constant 0 : i32
      %add3A_516 = arith.addi %mul3A_448, %add3A_515 : i32
      %lt3A_517 = arith.cmpi slt, %add3A_516, %parallel_loop3A_75 : i32
      %reduce_min3A = arith.constant true
      %reduce_min3A_518 = vector.broadcast %reduce_min3A : i1 to vector<16xi1>
      %reduce_min3A_519 = tpu.scan <min>, %parallel_loop3A_514#0 masked %reduce_min3A_518 : vector<16xf32>, vector<16xi1> -> vector<16xf32>
      %reduce_min3A_520 = vector.extract %reduce_min3A_519[15] : f32 from vector<16xf32>
      %jit3A_521 = arith.constant 0.000000e+00 : f32
      %select_n3A_522 = arith.select %lt3A_517, %reduce_min3A_520, %jit3A_521 : f32
      %add3A_523 = arith.addf %while3A_446, %select_n3A_522 : f32
      %add3A_524 = arith.constant 1 : i32
      %add3A_525 = arith.addi %mul3A_448, %add3A_524 : i32
      %lt3A_526 = arith.cmpi slt, %add3A_525, %parallel_loop3A_75 : i32
      %reduce_min3A_527 = arith.constant true
      %reduce_min3A_528 = vector.broadcast %reduce_min3A_527 : i1 to vector<16xi1>
      %reduce_min3A_529 = tpu.scan <min>, %parallel_loop3A_514#1 masked %reduce_min3A_528 : vector<16xf32>, vector<16xi1> -> vector<16xf32>
      %reduce_min3A_530 = vector.extract %reduce_min3A_529[15] : f32 from vector<16xf32>
      %jit3A_531 = arith.constant 0.000000e+00 : f32
      %select_n3A_532 = arith.select %lt3A_526, %reduce_min3A_530, %jit3A_531 : f32
      %add3A_533 = arith.addf %add3A_523, %select_n3A_532 : f32
      %add3A_534 = arith.constant 2 : i32
      %add3A_535 = arith.addi %mul3A_448, %add3A_534 : i32
      %lt3A_536 = arith.cmpi slt, %add3A_535, %parallel_loop3A_75 : i32
      %reduce_min3A_537 = arith.constant true
      %reduce_min3A_538 = vector.broadcast %reduce_min3A_537 : i1 to vector<16xi1>
      %reduce_min3A_539 = tpu.scan <min>, %parallel_loop3A_514#2 masked %reduce_min3A_538 : vector<16xf32>, vector<16xi1> -> vector<16xf32>
      %reduce_min3A_540 = vector.extract %reduce_min3A_539[15] : f32 from vector<16xf32>
      %jit3A_541 = arith.constant 0.000000e+00 : f32
      %select_n3A_542 = arith.select %lt3A_536, %reduce_min3A_540, %jit3A_541 : f32
      %add3A_543 = arith.addf %add3A_533, %select_n3A_542 : f32
      %add3A_544 = arith.constant 3 : i32
      %add3A_545 = arith.addi %mul3A_448, %add3A_544 : i32
      %lt3A_546 = arith.cmpi slt, %add3A_545, %parallel_loop3A_75 : i32
      %reduce_min3A_547 = arith.constant true
      %reduce_min3A_548 = vector.broadcast %reduce_min3A_547 : i1 to vector<16xi1>
      %reduce_min3A_549 = tpu.scan <min>, %parallel_loop3A_514#3 masked %reduce_min3A_548 : vector<16xf32>, vector<16xi1> -> vector<16xf32>
      %reduce_min3A_550 = vector.extract %reduce_min3A_549[15] : f32 from vector<16xf32>
      %jit3A_551 = arith.constant 0.000000e+00 : f32
      %select_n3A_552 = arith.select %lt3A_546, %reduce_min3A_550, %jit3A_551 : f32
      %add3A_553 = arith.addf %add3A_543, %select_n3A_552 : f32
      %add3A_554 = arith.constant 4 : i32
      %add3A_555 = arith.addi %mul3A_448, %add3A_554 : i32
      %lt3A_556 = arith.cmpi slt, %add3A_555, %parallel_loop3A_75 : i32
      %reduce_min3A_557 = arith.constant true
      %reduce_min3A_558 = vector.broadcast %reduce_min3A_557 : i1 to vector<16xi1>
      %reduce_min3A_559 = tpu.scan <min>, %parallel_loop3A_514#4 masked %reduce_min3A_558 : vector<16xf32>, vector<16xi1> -> vector<16xf32>
      %reduce_min3A_560 = vector.extract %reduce_min3A_559[15] : f32 from vector<16xf32>
      %jit3A_561 = arith.constant 0.000000e+00 : f32
      %select_n3A_562 = arith.select %lt3A_556, %reduce_min3A_560, %jit3A_561 : f32
      %add3A_563 = arith.addf %add3A_553, %select_n3A_562 : f32
      %add3A_564 = arith.constant 5 : i32
      %add3A_565 = arith.addi %mul3A_448, %add3A_564 : i32
      %lt3A_566 = arith.cmpi slt, %add3A_565, %parallel_loop3A_75 : i32
      %reduce_min3A_567 = arith.constant true
      %reduce_min3A_568 = vector.broadcast %reduce_min3A_567 : i1 to vector<16xi1>
      %reduce_min3A_569 = tpu.scan <min>, %parallel_loop3A_514#5 masked %reduce_min3A_568 : vector<16xf32>, vector<16xi1> -> vector<16xf32>
      %reduce_min3A_570 = vector.extract %reduce_min3A_569[15] : f32 from vector<16xf32>
      %jit3A_571 = arith.constant 0.000000e+00 : f32
      %select_n3A_572 = arith.select %lt3A_566, %reduce_min3A_570, %jit3A_571 : f32
      %add3A_573 = arith.addf %add3A_563, %select_n3A_572 : f32
      %add3A_574 = arith.constant 6 : i32
      %add3A_575 = arith.addi %mul3A_448, %add3A_574 : i32
      %lt3A_576 = arith.cmpi slt, %add3A_575, %parallel_loop3A_75 : i32
      %reduce_min3A_577 = arith.constant true
      %reduce_min3A_578 = vector.broadcast %reduce_min3A_577 : i1 to vector<16xi1>
      %reduce_min3A_579 = tpu.scan <min>, %parallel_loop3A_514#6 masked %reduce_min3A_578 : vector<16xf32>, vector<16xi1> -> vector<16xf32>
      %reduce_min3A_580 = vector.extract %reduce_min3A_579[15] : f32 from vector<16xf32>
      %jit3A_581 = arith.constant 0.000000e+00 : f32
      %select_n3A_582 = arith.select %lt3A_576, %reduce_min3A_580, %jit3A_581 : f32
      %add3A_583 = arith.addf %add3A_573, %select_n3A_582 : f32
      %add3A_584 = arith.constant 7 : i32
      %add3A_585 = arith.addi %mul3A_448, %add3A_584 : i32
      %lt3A_586 = arith.cmpi slt, %add3A_585, %parallel_loop3A_75 : i32
      %reduce_min3A_587 = arith.constant true
      %reduce_min3A_588 = vector.broadcast %reduce_min3A_587 : i1 to vector<16xi1>
      %reduce_min3A_589 = tpu.scan <min>, %parallel_loop3A_514#7 masked %reduce_min3A_588 : vector<16xf32>, vector<16xi1> -> vector<16xf32>
      %reduce_min3A_590 = vector.extract %reduce_min3A_589[15] : f32 from vector<16xf32>
      %jit3A_591 = arith.constant 0.000000e+00 : f32
      %select_n3A_592 = arith.select %lt3A_586, %reduce_min3A_590, %jit3A_591 : f32
      %add3A_593 = arith.addf %add3A_583, %select_n3A_592 : f32
      scf.yield %add3A_593 : f32
    }
    %while3A_158 = arith.constant 1 : i32
    %while3A_159 = scf.for %while3A_445 = %while3A_155 to %while3A_151 step %while3A_158 iter_args(%while3A_446 = %while3A_157) -> (f32)  : i32 {
      %mul3A_447 = arith.constant 8 : i32
      %mul3A_448 = arith.muli %while3A_445, %mul3A_447 : i32
      %add3A_449 = arith.constant 0 : i32
      %add3A_450 = arith.addi %mul3A_448, %add3A_449 : i32
      %broadcast_in_dim3A_451 = vector.broadcast %add3A_450 : i32 to vector<16xi32>
      %gather3A = tpu.vector_load_idx %arg17[%broadcast_in_dim3A_451] : memref<272xf32, #tpu.memory_space<vmem>>[vector<16xi32>], vector<16xf32>,
      %add3A_452 = arith.constant 1 : i32
      %add3A_453 = arith.addi %mul3A_448, %add3A_452 : i32
      %broadcast_in_dim3A_454 = vector.broadcast %add3A_453 : i32 to vector<16xi32>
      %gather3A_455 = tpu.vector_load_idx %arg17[%broadcast_in_dim3A_454] : memref<272xf32, #tpu.memory_space<vmem>>[vector<16xi32>], vector<16xf32>,
      %add3A_456 = arith.constant 2 : i32
      %add3A_457 = arith.addi %mul3A_448, %add3A_456 : i32
      %broadcast_in_dim3A_458 = vector.broadcast %add3A_457 : i32 to vector<16xi32>
      %gather3A_459 = tpu.vector_load_idx %arg17[%broadcast_in_dim3A_458] : memref<272xf32, #tpu.memory_space<vmem>>[vector<16xi32>], vector<16xf32>,
      %add3A_460 = arith.constant 3 : i32
      %add3A_461 = arith.addi %mul3A_448, %add3A_460 : i32
      %broadcast_in_dim3A_462 = vector.broadcast %add3A_461 : i32 to vector<16xi32>
      %gather3A_463 = tpu.vector_load_idx %arg17[%broadcast_in_dim3A_462] : memref<272xf32, #tpu.memory_space<vmem>>[vector<16xi32>], vector<16xf32>,
      %add3A_464 = arith.constant 4 : i32
      %add3A_465 = arith.addi %mul3A_448, %add3A_464 : i32
      %broadcast_in_dim3A_466 = vector.broadcast %add3A_465 : i32 to vector<16xi32>
      %gather3A_467 = tpu.vector_load_idx %arg17[%broadcast_in_dim3A_466] : memref<272xf32, #tpu.memory_space<vmem>>[vector<16xi32>], vector<16xf32>,
      %add3A_468 = arith.constant 5 : i32
      %add3A_469 = arith.addi %mul3A_448, %add3A_468 : i32
      %broadcast_in_dim3A_470 = vector.broadcast %add3A_469 : i32 to vector<16xi32>
      %gather3A_471 = tpu.vector_load_idx %arg17[%broadcast_in_dim3A_470] : memref<272xf32, #tpu.memory_space<vmem>>[vector<16xi32>], vector<16xf32>,
      %add3A_472 = arith.constant 6 : i32
      %add3A_473 = arith.addi %mul3A_448, %add3A_472 : i32
      %broadcast_in_dim3A_474 = vector.broadcast %add3A_473 : i32 to vector<16xi32>
      %gather3A_475 = tpu.vector_load_idx %arg17[%broadcast_in_dim3A_474] : memref<272xf32, #tpu.memory_space<vmem>>[vector<16xi32>], vector<16xf32>,
      %add3A_476 = arith.constant 7 : i32
      %add3A_477 = arith.addi %mul3A_448, %add3A_476 : i32
      %broadcast_in_dim3A_478 = vector.broadcast %add3A_477 : i32 to vector<16xi32>
      %gather3A_479 = tpu.vector_load_idx %arg17[%broadcast_in_dim3A_478] : memref<272xf32, #tpu.memory_space<vmem>>[vector<16xi32>], vector<16xf32>,
      %add3A_480 = arith.constant 0 : i32
      %add3A_481 = arith.addi %mul3A_448, %add3A_480 : i32
      %broadcast_in_dim3A_482 = vector.broadcast %add3A_481 : i32 to vector<16xi32>
      %gather3A_483 = tpu.vector_load_idx %arg18[%broadcast_in_dim3A_482] : memref<272xf32, #tpu.memory_space<vmem>>[vector<16xi32>], vector<16xf32>,
      %add3A_484 = arith.constant 1 : i32
      %add3A_485 = arith.addi %mul3A_448, %add3A_484 : i32
      %broadcast_in_dim3A_486 = vector.broadcast %add3A_485 : i32 to vector<16xi32>
      %gather3A_487 = tpu.vector_load_idx %arg18[%broadcast_in_dim3A_486] : memref<272xf32, #tpu.memory_space<vmem>>[vector<16xi32>], vector<16xf32>,
      %add3A_488 = arith.constant 2 : i32
      %add3A_489 = arith.addi %mul3A_448, %add3A_488 : i32
      %broadcast_in_dim3A_490 = vector.broadcast %add3A_489 : i32 to vector<16xi32>
      %gather3A_491 = tpu.vector_load_idx %arg18[%broadcast_in_dim3A_490] : memref<272xf32, #tpu.memory_space<vmem>>[vector<16xi32>], vector<16xf32>,
      %add3A_492 = arith.constant 3 : i32
      %add3A_493 = arith.addi %mul3A_448, %add3A_492 : i32
      %broadcast_in_dim3A_494 = vector.broadcast %add3A_493 : i32 to vector<16xi32>
      %gather3A_495 = tpu.vector_load_idx %arg18[%broadcast_in_dim3A_494] : memref<272xf32, #tpu.memory_space<vmem>>[vector<16xi32>], vector<16xf32>,
      %add3A_496 = arith.constant 4 : i32
      %add3A_497 = arith.addi %mul3A_448, %add3A_496 : i32
      %broadcast_in_dim3A_498 = vector.broadcast %add3A_497 : i32 to vector<16xi32>
      %gather3A_499 = tpu.vector_load_idx %arg18[%broadcast_in_dim3A_498] : memref<272xf32, #tpu.memory_space<vmem>>[vector<16xi32>], vector<16xf32>,
      %add3A_500 = arith.constant 5 : i32
      %add3A_501 = arith.addi %mul3A_448, %add3A_500 : i32
      %broadcast_in_dim3A_502 = vector.broadcast %add3A_501 : i32 to vector<16xi32>
      %gather3A_503 = tpu.vector_load_idx %arg18[%broadcast_in_dim3A_502] : memref<272xf32, #tpu.memory_space<vmem>>[vector<16xi32>], vector<16xf32>,
      %add3A_504 = arith.constant 6 : i32
      %add3A_505 = arith.addi %mul3A_448, %add3A_504 : i32
      %broadcast_in_dim3A_506 = vector.broadcast %add3A_505 : i32 to vector<16xi32>
      %gather3A_507 = tpu.vector_load_idx %arg18[%broadcast_in_dim3A_506] : memref<272xf32, #tpu.memory_space<vmem>>[vector<16xi32>], vector<16xf32>,
      %add3A_508 = arith.constant 7 : i32
      %add3A_509 = arith.addi %mul3A_448, %add3A_508 : i32
      %broadcast_in_dim3A_510 = vector.broadcast %add3A_509 : i32 to vector<16xi32>
      %gather3A_511 = tpu.vector_load_idx %arg18[%broadcast_in_dim3A_510] : memref<272xf32, #tpu.memory_space<vmem>>[vector<16xi32>], vector<16xf32>,
      %parallel_loop3A_512 = arith.constant 0 : i32
      %parallel_loop3A_513 = arith.constant 1 : i32
      %parallel_loop3A_514:8 = scf.for %parallel_loop3A_594 = %parallel_loop3A_512 to %select_n3A_116 step %parallel_loop3A_513 iter_args(%parallel_loop3A_595 = %broadcast_in_dim3A_118, %parallel_loop3A_596 = %broadcast_in_dim3A_118, %parallel_loop3A_597 = %broadcast_in_dim3A_118, %parallel_loop3A_598 = %broadcast_in_dim3A_118, %parallel_loop3A_599 = %broadcast_in_dim3A_118, %parallel_loop3A_600 = %broadcast_in_dim3A_118, %parallel_loop3A_601 = %broadcast_in_dim3A_118, %parallel_loop3A_602 = %broadcast_in_dim3A_118) -> (vector<16xf32>, vector<16xf32>, vector<16xf32>, vector<16xf32>, vector<16xf32>, vector<16xf32>, vector<16xf32>, vector<16xf32>)  : i32 {
        %parallel_loop3A_603 = arith.constant 16 : i32
        %parallel_loop3A_604 = arith.muli %parallel_loop3A_594, %parallel_loop3A_603 : i32
        %parallel_loop3A_605 = arith.index_cast %parallel_loop3A_604 : i32 to index
        %parallel_loop3A_606 = tpu.vector_load %arg19[%parallel_loop3A_605] {strides = array<i32>} : memref<4112xf32, #tpu.memory_space<vmem>>, vector<16xf32>,
        %parallel_loop3A_607 = arith.index_cast %parallel_loop3A_604 : i32 to index
        %parallel_loop3A_608 = tpu.vector_load %arg20[%parallel_loop3A_607] {strides = array<i32>} : memref<4112xf32, #tpu.memory_space<vmem>>, vector<16xf32>,
        %parallel_loop3A_609 = arith.subf %parallel_loop3A_606, %gather3A : vector<16xf32>
        %parallel_loop3A_610 = arith.subf %parallel_loop3A_608, %gather3A_483 : vector<16xf32>
        %parallel_loop3A_611 = arith.mulf %parallel_loop3A_609, %parallel_loop3A_609 : vector<16xf32>
        %parallel_loop3A_612 = arith.mulf %parallel_loop3A_610, %parallel_loop3A_610 : vector<16xf32>
        %parallel_loop3A_613 = arith.addf %parallel_loop3A_611, %parallel_loop3A_612 : vector<16xf32>
        %parallel_loop3A_614 = arith.subf %parallel_loop3A_606, %gather3A_455 : vector<16xf32>
        %parallel_loop3A_615 = arith.subf %parallel_loop3A_608, %gather3A_487 : vector<16xf32>
        %parallel_loop3A_616 = arith.mulf %parallel_loop3A_614, %parallel_loop3A_614 : vector<16xf32>
        %parallel_loop3A_617 = arith.mulf %parallel_loop3A_615, %parallel_loop3A_615 : vector<16xf32>
        %parallel_loop3A_618 = arith.addf %parallel_loop3A_616, %parallel_loop3A_617 : vector<16xf32>
        %parallel_loop3A_619 = arith.subf %parallel_loop3A_606, %gather3A_459 : vector<16xf32>
        %parallel_loop3A_620 = arith.subf %parallel_loop3A_608, %gather3A_491 : vector<16xf32>
        %parallel_loop3A_621 = arith.mulf %parallel_loop3A_619, %parallel_loop3A_619 : vector<16xf32>
        %parallel_loop3A_622 = arith.mulf %parallel_loop3A_620, %parallel_loop3A_620 : vector<16xf32>
        %parallel_loop3A_623 = arith.addf %parallel_loop3A_621, %parallel_loop3A_622 : vector<16xf32>
        %parallel_loop3A_624 = arith.subf %parallel_loop3A_606, %gather3A_463 : vector<16xf32>
        %parallel_loop3A_625 = arith.subf %parallel_loop3A_608, %gather3A_495 : vector<16xf32>
        %parallel_loop3A_626 = arith.mulf %parallel_loop3A_624, %parallel_loop3A_624 : vector<16xf32>
        %parallel_loop3A_627 = arith.mulf %parallel_loop3A_625, %parallel_loop3A_625 : vector<16xf32>
        %parallel_loop3A_628 = arith.addf %parallel_loop3A_626, %parallel_loop3A_627 : vector<16xf32>
        %parallel_loop3A_629 = arith.subf %parallel_loop3A_606, %gather3A_467 : vector<16xf32>
        %parallel_loop3A_630 = arith.subf %parallel_loop3A_608, %gather3A_499 : vector<16xf32>
        %parallel_loop3A_631 = arith.mulf %parallel_loop3A_629, %parallel_loop3A_629 : vector<16xf32>
        %parallel_loop3A_632 = arith.mulf %parallel_loop3A_630, %parallel_loop3A_630 : vector<16xf32>
        %parallel_loop3A_633 = arith.addf %parallel_loop3A_631, %parallel_loop3A_632 : vector<16xf32>
        %parallel_loop3A_634 = arith.subf %parallel_loop3A_606, %gather3A_471 : vector<16xf32>
        %parallel_loop3A_635 = arith.subf %parallel_loop3A_608, %gather3A_503 : vector<16xf32>
        %parallel_loop3A_636 = arith.mulf %parallel_loop3A_634, %parallel_loop3A_634 : vector<16xf32>
        %parallel_loop3A_637 = arith.mulf %parallel_loop3A_635, %parallel_loop3A_635 : vector<16xf32>
        %parallel_loop3A_638 = arith.addf %parallel_loop3A_636, %parallel_loop3A_637 : vector<16xf32>
        %parallel_loop3A_639 = arith.subf %parallel_loop3A_606, %gather3A_475 : vector<16xf32>
        %parallel_loop3A_640 = arith.subf %parallel_loop3A_608, %gather3A_507 : vector<16xf32>
        %parallel_loop3A_641 = arith.mulf %parallel_loop3A_639, %parallel_loop3A_639 : vector<16xf32>
        %parallel_loop3A_642 = arith.mulf %parallel_loop3A_640, %parallel_loop3A_640 : vector<16xf32>
        %parallel_loop3A_643 = arith.addf %parallel_loop3A_641, %parallel_loop3A_642 : vector<16xf32>
        %parallel_loop3A_644 = arith.subf %parallel_loop3A_606, %gather3A_479 : vector<16xf32>
        %parallel_loop3A_645 = arith.subf %parallel_loop3A_608, %gather3A_511 : vector<16xf32>
        %parallel_loop3A_646 = arith.mulf %parallel_loop3A_644, %parallel_loop3A_644 : vector<16xf32>
        %parallel_loop3A_647 = arith.mulf %parallel_loop3A_645, %parallel_loop3A_645 : vector<16xf32>
        %parallel_loop3A_648 = arith.addf %parallel_loop3A_646, %parallel_loop3A_647 : vector<16xf32>
        %parallel_loop3A_649 = arith.minimumf %parallel_loop3A_613, %parallel_loop3A_618 : vector<16xf32>
        %parallel_loop3A_650 = arith.minimumf %parallel_loop3A_623, %parallel_loop3A_628 : vector<16xf32>
        %parallel_loop3A_651 = arith.minimumf %parallel_loop3A_633, %parallel_loop3A_638 : vector<16xf32>
        %parallel_loop3A_652 = arith.minimumf %parallel_loop3A_643, %parallel_loop3A_648 : vector<16xf32>
        %parallel_loop3A_653 = arith.minimumf %parallel_loop3A_649, %parallel_loop3A_650 : vector<16xf32>
        %parallel_loop3A_654 = arith.minimumf %parallel_loop3A_651, %parallel_loop3A_652 : vector<16xf32>
        %parallel_loop3A_655 = arith.minimumf %parallel_loop3A_653, %parallel_loop3A_654 : vector<16xf32>
        %parallel_loop3A_656 = arith.index_cast %parallel_loop3A_604 : i32 to index
        %parallel_loop3A_657 = tpu.vector_load %arg21[%parallel_loop3A_656] {strides = array<i32>} : memref<4096xf32, #tpu.memory_space<vmem>>, vector<16xf32>,
        %parallel_loop3A_658 = arith.minimumf %parallel_loop3A_657, %parallel_loop3A_655 : vector<16xf32>
        %parallel_loop3A_659 = arith.index_cast %parallel_loop3A_604 : i32 to index
        %parallel_loop3A_660 = tpu.vector_load %arg21[%parallel_loop3A_659] {strides = array<i32>} : memref<4096xf32, #tpu.memory_space<vmem>>, vector<16xf32>,
        tpu.vector_store %arg21[%parallel_loop3A_659], %parallel_loop3A_658 {strides = array<i32>} : memref<4096xf32, #tpu.memory_space<vmem>>, vector<16xf32>,
        %parallel_loop3A_661 = arith.minimumf %parallel_loop3A_595, %parallel_loop3A_613 : vector<16xf32>
        %parallel_loop3A_662 = arith.minimumf %parallel_loop3A_596, %parallel_loop3A_618 : vector<16xf32>
        %parallel_loop3A_663 = arith.minimumf %parallel_loop3A_597, %parallel_loop3A_623 : vector<16xf32>
        %parallel_loop3A_664 = arith.minimumf %parallel_loop3A_598, %parallel_loop3A_628 : vector<16xf32>
        %parallel_loop3A_665 = arith.minimumf %parallel_loop3A_599, %parallel_loop3A_633 : vector<16xf32>
        %parallel_loop3A_666 = arith.minimumf %parallel_loop3A_600, %parallel_loop3A_638 : vector<16xf32>
        %parallel_loop3A_667 = arith.minimumf %parallel_loop3A_601, %parallel_loop3A_643 : vector<16xf32>
        %parallel_loop3A_668 = arith.minimumf %parallel_loop3A_602, %parallel_loop3A_648 : vector<16xf32>
        scf.yield %parallel_loop3A_661, %parallel_loop3A_662, %parallel_loop3A_663, %parallel_loop3A_664, %parallel_loop3A_665, %parallel_loop3A_666, %parallel_loop3A_667, %parallel_loop3A_668 : vector<16xf32>, vector<16xf32>, vector<16xf32>, vector<16xf32>, vector<16xf32>, vector<16xf32>, vector<16xf32>, vector<16xf32>
      } {sc.loop_unroll_factor = 4 : i64, sc.parallel_access}
      %add3A_515 = arith.constant 0 : i32
      %add3A_516 = arith.addi %mul3A_448, %add3A_515 : i32
      %lt3A_517 = arith.cmpi slt, %add3A_516, %parallel_loop3A_75 : i32
      %reduce_min3A = arith.constant true
      %reduce_min3A_518 = vector.broadcast %reduce_min3A : i1 to vector<16xi1>
      %reduce_min3A_519 = tpu.scan <min>, %parallel_loop3A_514#0 masked %reduce_min3A_518 : vector<16xf32>, vector<16xi1> -> vector<16xf32>
      %reduce_min3A_520 = vector.extract %reduce_min3A_519[15] : f32 from vector<16xf32>
      %jit3A_521 = arith.constant 0.000000e+00 : f32
      %select_n3A_522 = arith.select %lt3A_517, %reduce_min3A_520, %jit3A_521 : f32
      %add3A_523 = arith.addf %while3A_446, %select_n3A_522 : f32
      %add3A_524 = arith.constant 1 : i32
      %add3A_525 = arith.addi %mul3A_448, %add3A_524 : i32
      %lt3A_526 = arith.cmpi slt, %add3A_525, %parallel_loop3A_75 : i32
      %reduce_min3A_527 = arith.constant true
      %reduce_min3A_528 = vector.broadcast %reduce_min3A_527 : i1 to vector<16xi1>
      %reduce_min3A_529 = tpu.scan <min>, %parallel_loop3A_514#1 masked %reduce_min3A_528 : vector<16xf32>, vector<16xi1> -> vector<16xf32>
      %reduce_min3A_530 = vector.extract %reduce_min3A_529[15] : f32 from vector<16xf32>
      %jit3A_531 = arith.constant 0.000000e+00 : f32
      %select_n3A_532 = arith.select %lt3A_526, %reduce_min3A_530, %jit3A_531 : f32
      %add3A_533 = arith.addf %add3A_523, %select_n3A_532 : f32
      %add3A_534 = arith.constant 2 : i32
      %add3A_535 = arith.addi %mul3A_448, %add3A_534 : i32
      %lt3A_536 = arith.cmpi slt, %add3A_535, %parallel_loop3A_75 : i32
      %reduce_min3A_537 = arith.constant true
      %reduce_min3A_538 = vector.broadcast %reduce_min3A_537 : i1 to vector<16xi1>
      %reduce_min3A_539 = tpu.scan <min>, %parallel_loop3A_514#2 masked %reduce_min3A_538 : vector<16xf32>, vector<16xi1> -> vector<16xf32>
      %reduce_min3A_540 = vector.extract %reduce_min3A_539[15] : f32 from vector<16xf32>
      %jit3A_541 = arith.constant 0.000000e+00 : f32
      %select_n3A_542 = arith.select %lt3A_536, %reduce_min3A_540, %jit3A_541 : f32
      %add3A_543 = arith.addf %add3A_533, %select_n3A_542 : f32
      %add3A_544 = arith.constant 3 : i32
      %add3A_545 = arith.addi %mul3A_448, %add3A_544 : i32
      %lt3A_546 = arith.cmpi slt, %add3A_545, %parallel_loop3A_75 : i32
      %reduce_min3A_547 = arith.constant true
      %reduce_min3A_548 = vector.broadcast %reduce_min3A_547 : i1 to vector<16xi1>
      %reduce_min3A_549 = tpu.scan <min>, %parallel_loop3A_514#3 masked %reduce_min3A_548 : vector<16xf32>, vector<16xi1> -> vector<16xf32>
      %reduce_min3A_550 = vector.extract %reduce_min3A_549[15] : f32 from vector<16xf32>
      %jit3A_551 = arith.constant 0.000000e+00 : f32
      %select_n3A_552 = arith.select %lt3A_546, %reduce_min3A_550, %jit3A_551 : f32
      %add3A_553 = arith.addf %add3A_543, %select_n3A_552 : f32
      %add3A_554 = arith.constant 4 : i32
      %add3A_555 = arith.addi %mul3A_448, %add3A_554 : i32
      %lt3A_556 = arith.cmpi slt, %add3A_555, %parallel_loop3A_75 : i32
      %reduce_min3A_557 = arith.constant true
      %reduce_min3A_558 = vector.broadcast %reduce_min3A_557 : i1 to vector<16xi1>
      %reduce_min3A_559 = tpu.scan <min>, %parallel_loop3A_514#4 masked %reduce_min3A_558 : vector<16xf32>, vector<16xi1> -> vector<16xf32>
      %reduce_min3A_560 = vector.extract %reduce_min3A_559[15] : f32 from vector<16xf32>
      %jit3A_561 = arith.constant 0.000000e+00 : f32
      %select_n3A_562 = arith.select %lt3A_556, %reduce_min3A_560, %jit3A_561 : f32
      %add3A_563 = arith.addf %add3A_553, %select_n3A_562 : f32
      %add3A_564 = arith.constant 5 : i32
      %add3A_565 = arith.addi %mul3A_448, %add3A_564 : i32
      %lt3A_566 = arith.cmpi slt, %add3A_565, %parallel_loop3A_75 : i32
      %reduce_min3A_567 = arith.constant true
      %reduce_min3A_568 = vector.broadcast %reduce_min3A_567 : i1 to vector<16xi1>
      %reduce_min3A_569 = tpu.scan <min>, %parallel_loop3A_514#5 masked %reduce_min3A_568 : vector<16xf32>, vector<16xi1> -> vector<16xf32>
      %reduce_min3A_570 = vector.extract %reduce_min3A_569[15] : f32 from vector<16xf32>
      %jit3A_571 = arith.constant 0.000000e+00 : f32
      %select_n3A_572 = arith.select %lt3A_566, %reduce_min3A_570, %jit3A_571 : f32
      %add3A_573 = arith.addf %add3A_563, %select_n3A_572 : f32
      %add3A_574 = arith.constant 6 : i32
      %add3A_575 = arith.addi %mul3A_448, %add3A_574 : i32
      %lt3A_576 = arith.cmpi slt, %add3A_575, %parallel_loop3A_75 : i32
      %reduce_min3A_577 = arith.constant true
      %reduce_min3A_578 = vector.broadcast %reduce_min3A_577 : i1 to vector<16xi1>
      %reduce_min3A_579 = tpu.scan <min>, %parallel_loop3A_514#6 masked %reduce_min3A_578 : vector<16xf32>, vector<16xi1> -> vector<16xf32>
      %reduce_min3A_580 = vector.extract %reduce_min3A_579[15] : f32 from vector<16xf32>
      %jit3A_581 = arith.constant 0.000000e+00 : f32
      %select_n3A_582 = arith.select %lt3A_576, %reduce_min3A_580, %jit3A_581 : f32
      %add3A_583 = arith.addf %add3A_573, %select_n3A_582 : f32
      %add3A_584 = arith.constant 7 : i32
      %add3A_585 = arith.addi %mul3A_448, %add3A_584 : i32
      %lt3A_586 = arith.cmpi slt, %add3A_585, %parallel_loop3A_75 : i32
      %reduce_min3A_587 = arith.constant true
      %reduce_min3A_588 = vector.broadcast %reduce_min3A_587 : i1 to vector<16xi1>
      %reduce_min3A_589 = tpu.scan <min>, %parallel_loop3A_514#7 masked %reduce_min3A_588 : vector<16xf32>, vector<16xi1> -> vector<16xf32>
      %reduce_min3A_590 = vector.extract %reduce_min3A_589[15] : f32 from vector<16xf32>
      %jit3A_591 = arith.constant 0.000000e+00 : f32
      %select_n3A_592 = arith.select %lt3A_586, %reduce_min3A_590, %jit3A_591 : f32
      %add3A_593 = arith.addf %add3A_583, %select_n3A_592 : f32
      scf.yield %add3A_593 : f32
    }
    "tpu.region"() ({
      %run_scoped3A = tpu.sem_alloc : memref<!tpu.dma_semaphore, #tpu.memory_space<semaphore_mem>>
      %dma_start3A_445 = arith.constant 0 : i32
      %dma_start3A_446 = tpu.memref_slice %arg24[%select_n3A_46, %dma_start3A_445] : memref<16x4096xf32, #tpu.memory_space<vmem_shared>> -> memref<1x4096xf32, #tpu.memory_space<vmem_shared>>
      %dma_start3A_447 = tpu.memref_squeeze %dma_start3A_446 : memref<1x4096xf32, #tpu.memory_space<vmem_shared>> -> memref<4096xf32, #tpu.memory_space<vmem_shared>>
      %dma_start3A_448 = arith.constant 0 : i32
      %dma_start3A_449 = tpu.memref_slice %arg24[%select_n3A_46, %dma_start3A_448] : memref<16x4096xf32, #tpu.memory_space<vmem_shared>> -> memref<1x4096xf32, #tpu.memory_space<vmem_shared>>
      %dma_start3A_450 = tpu.memref_squeeze %dma_start3A_449 : memref<1x4096xf32, #tpu.memory_space<vmem_shared>> -> memref<4096xf32, #tpu.memory_space<vmem_shared>>
      tpu.enqueue_dma source(%arg21 : memref<4096xf32, #tpu.memory_space<vmem>>) target(%dma_start3A_450 : memref<4096xf32, #tpu.memory_space<vmem_shared>>) target_semaphore(%run_scoped3A : memref<!tpu.dma_semaphore, #tpu.memory_space<semaphore_mem>>)
      %dma_wait3A_451 = arith.constant 0 : i32
      %dma_wait3A_452 = tpu.memref_slice %arg24[%select_n3A_46, %dma_wait3A_451] : memref<16x4096xf32, #tpu.memory_space<vmem_shared>> -> memref<1x4096xf32, #tpu.memory_space<vmem_shared>>
      %dma_wait3A_453 = tpu.memref_squeeze %dma_wait3A_452 : memref<1x4096xf32, #tpu.memory_space<vmem_shared>> -> memref<4096xf32, #tpu.memory_space<vmem_shared>>
      %dma_wait3A_454 = arith.constant 0 : i32
      %dma_wait3A_455 = tpu.memref_slice %arg24[%select_n3A_46, %dma_wait3A_454] : memref<16x4096xf32, #tpu.memory_space<vmem_shared>> -> memref<1x4096xf32, #tpu.memory_space<vmem_shared>>
      %dma_wait3A_456 = tpu.memref_squeeze %dma_wait3A_455 : memref<1x4096xf32, #tpu.memory_space<vmem_shared>> -> memref<4096xf32, #tpu.memory_space<vmem_shared>>
      tpu.wait_dma2 semaphore(%run_scoped3A : memref<!tpu.dma_semaphore, #tpu.memory_space<semaphore_mem>>) src(%arg21 : memref<4096xf32, #tpu.memory_space<vmem>>) dst(%dma_wait3A_456 : memref<4096xf32, #tpu.memory_space<vmem_shared>>)
      tpu.yield
    }) : () -> ()
    %barrier3A = arith.constant 0 : index
    tpu.barrier barrier_id(%barrier3A)
    %sub3A_160 = arith.subi %select_n3A_46, %select_n3A_30 : i32
    %mul3A_161 = arith.constant 512 : i32
    %mul3A_162 = arith.muli %select_n3A_30, %mul3A_161 : i32
    %add3A_163 = arith.constant 1 : i32
    %add3A_164 = arith.addi %select_n3A_30, %add3A_163 : i32
    %jit3A_165 = arith.constant 8 : i32
    %eq3A_166 = arith.constant 0 : i32
    %eq3A_167 = arith.cmpi eq, %jit3A_165, %eq3A_166 : i32
    %jit3A_168 = arith.constant 1 : i32
    %select_n3A_169 = arith.select %eq3A_167, %jit3A_168, %jit3A_165 : i32
    %rem3A_170 = arith.remsi %add3A_164, %select_n3A_169 : i32
    %ne3A_171 = arith.constant 0 : i32
    %ne3A_172 = arith.cmpi ne, %rem3A_170, %ne3A_171 : i32
    %lt3A_173 = arith.constant 0 : i32
    %lt3A_174 = arith.cmpi slt, %rem3A_170, %lt3A_173 : i32
    %lt3A_175 = arith.constant 0 : i32
    %lt3A_176 = arith.cmpi slt, %select_n3A_169, %lt3A_175 : i32
    %ne3A_177 = arith.xori %lt3A_174, %lt3A_176 : i1
    %and3A_178 = arith.andi %ne3A_177, %ne3A_172 : i1
    %add3A_179 = arith.addi %rem3A_170, %select_n3A_169 : i32
    %select_n3A_180 = arith.select %and3A_178, %add3A_179, %rem3A_170 : i32
    %add3A_181 = arith.addi %sub3A_160, %select_n3A_180 : i32
    %dma_start3A_182 = arith.constant 0 : i32
    %dma_start3A_183 = tpu.memref_slice %arg22[%dma_start3A_182] : memref<4096xf32, #tpu.memory_space<vmem>> -> memref<512xf32, #tpu.memory_space<vmem>>
    %dma_start3A_184 = tpu.memref_slice %arg24[%add3A_181, %mul3A_162] : memref<16x4096xf32, #tpu.memory_space<vmem_shared>> -> memref<1x512xf32, #tpu.memory_space<vmem_shared>>
    %dma_start3A_185 = tpu.memref_squeeze %dma_start3A_184 : memref<1x512xf32, #tpu.memory_space<vmem_shared>> -> memref<512xf32, #tpu.memory_space<vmem_shared>>
    %dma_start3A_186 = arith.constant 0 : i32
    %dma_start3A_187 = tpu.memref_slice %arg22[%dma_start3A_186] : memref<4096xf32, #tpu.memory_space<vmem>> -> memref<512xf32, #tpu.memory_space<vmem>>
    %dma_start3A_188 = tpu.memref_slice %arg24[%add3A_181, %mul3A_162] : memref<16x4096xf32, #tpu.memory_space<vmem_shared>> -> memref<1x512xf32, #tpu.memory_space<vmem_shared>>
    %dma_start3A_189 = tpu.memref_squeeze %dma_start3A_188 : memref<1x512xf32, #tpu.memory_space<vmem_shared>> -> memref<512xf32, #tpu.memory_space<vmem_shared>>
    tpu.enqueue_dma source(%dma_start3A_189 : memref<512xf32, #tpu.memory_space<vmem_shared>>) target(%dma_start3A_187 : memref<512xf32, #tpu.memory_space<vmem>>) target_semaphore(%arg25 : memref<!tpu.dma_semaphore, #tpu.memory_space<semaphore_mem>>)
    %add3A_190 = arith.constant 2 : i32
    %add3A_191 = arith.addi %select_n3A_30, %add3A_190 : i32
    %jit3A_192 = arith.constant 8 : i32
    %eq3A_193 = arith.constant 0 : i32
    %eq3A_194 = arith.cmpi eq, %jit3A_192, %eq3A_193 : i32
    %jit3A_195 = arith.constant 1 : i32
    %select_n3A_196 = arith.select %eq3A_194, %jit3A_195, %jit3A_192 : i32
    %rem3A_197 = arith.remsi %add3A_191, %select_n3A_196 : i32
    %ne3A_198 = arith.constant 0 : i32
    %ne3A_199 = arith.cmpi ne, %rem3A_197, %ne3A_198 : i32
    %lt3A_200 = arith.constant 0 : i32
    %lt3A_201 = arith.cmpi slt, %rem3A_197, %lt3A_200 : i32
    %lt3A_202 = arith.constant 0 : i32
    %lt3A_203 = arith.cmpi slt, %select_n3A_196, %lt3A_202 : i32
    %ne3A_204 = arith.xori %lt3A_201, %lt3A_203 : i1
    %and3A_205 = arith.andi %ne3A_204, %ne3A_199 : i1
    %add3A_206 = arith.addi %rem3A_197, %select_n3A_196 : i32
    %select_n3A_207 = arith.select %and3A_205, %add3A_206, %rem3A_197 : i32
    %add3A_208 = arith.addi %sub3A_160, %select_n3A_207 : i32
    %dma_start3A_209 = arith.constant 512 : i32
    %dma_start3A_210 = tpu.memref_slice %arg22[%dma_start3A_209] : memref<4096xf32, #tpu.memory_space<vmem>> -> memref<512xf32, #tpu.memory_space<vmem>>
    %dma_start3A_211 = tpu.memref_slice %arg24[%add3A_208, %mul3A_162] : memref<16x4096xf32, #tpu.memory_space<vmem_shared>> -> memref<1x512xf32, #tpu.memory_space<vmem_shared>>
    %dma_start3A_212 = tpu.memref_squeeze %dma_start3A_211 : memref<1x512xf32, #tpu.memory_space<vmem_shared>> -> memref<512xf32, #tpu.memory_space<vmem_shared>>
    %dma_start3A_213 = arith.constant 512 : i32
    %dma_start3A_214 = tpu.memref_slice %arg22[%dma_start3A_213] : memref<4096xf32, #tpu.memory_space<vmem>> -> memref<512xf32, #tpu.memory_space<vmem>>
    %dma_start3A_215 = tpu.memref_slice %arg24[%add3A_208, %mul3A_162] : memref<16x4096xf32, #tpu.memory_space<vmem_shared>> -> memref<1x512xf32, #tpu.memory_space<vmem_shared>>
    %dma_start3A_216 = tpu.memref_squeeze %dma_start3A_215 : memref<1x512xf32, #tpu.memory_space<vmem_shared>> -> memref<512xf32, #tpu.memory_space<vmem_shared>>
    tpu.enqueue_dma source(%dma_start3A_216 : memref<512xf32, #tpu.memory_space<vmem_shared>>) target(%dma_start3A_214 : memref<512xf32, #tpu.memory_space<vmem>>) target_semaphore(%arg25 : memref<!tpu.dma_semaphore, #tpu.memory_space<semaphore_mem>>)
    %add3A_217 = arith.constant 3 : i32
    %add3A_218 = arith.addi %select_n3A_30, %add3A_217 : i32
    %jit3A_219 = arith.constant 8 : i32
    %eq3A_220 = arith.constant 0 : i32
    %eq3A_221 = arith.cmpi eq, %jit3A_219, %eq3A_220 : i32
    %jit3A_222 = arith.constant 1 : i32
    %select_n3A_223 = arith.select %eq3A_221, %jit3A_222, %jit3A_219 : i32
    %rem3A_224 = arith.remsi %add3A_218, %select_n3A_223 : i32
    %ne3A_225 = arith.constant 0 : i32
    %ne3A_226 = arith.cmpi ne, %rem3A_224, %ne3A_225 : i32
    %lt3A_227 = arith.constant 0 : i32
    %lt3A_228 = arith.cmpi slt, %rem3A_224, %lt3A_227 : i32
    %lt3A_229 = arith.constant 0 : i32
    %lt3A_230 = arith.cmpi slt, %select_n3A_223, %lt3A_229 : i32
    %ne3A_231 = arith.xori %lt3A_228, %lt3A_230 : i1
    %and3A_232 = arith.andi %ne3A_231, %ne3A_226 : i1
    %add3A_233 = arith.addi %rem3A_224, %select_n3A_223 : i32
    %select_n3A_234 = arith.select %and3A_232, %add3A_233, %rem3A_224 : i32
    %add3A_235 = arith.addi %sub3A_160, %select_n3A_234 : i32
    %dma_start3A_236 = arith.constant 1024 : i32
    %dma_start3A_237 = tpu.memref_slice %arg22[%dma_start3A_236] : memref<4096xf32, #tpu.memory_space<vmem>> -> memref<512xf32, #tpu.memory_space<vmem>>
    %dma_start3A_238 = tpu.memref_slice %arg24[%add3A_235, %mul3A_162] : memref<16x4096xf32, #tpu.memory_space<vmem_shared>> -> memref<1x512xf32, #tpu.memory_space<vmem_shared>>
    %dma_start3A_239 = tpu.memref_squeeze %dma_start3A_238 : memref<1x512xf32, #tpu.memory_space<vmem_shared>> -> memref<512xf32, #tpu.memory_space<vmem_shared>>
    %dma_start3A_240 = arith.constant 1024 : i32
    %dma_start3A_241 = tpu.memref_slice %arg22[%dma_start3A_240] : memref<4096xf32, #tpu.memory_space<vmem>> -> memref<512xf32, #tpu.memory_space<vmem>>
    %dma_start3A_242 = tpu.memref_slice %arg24[%add3A_235, %mul3A_162] : memref<16x4096xf32, #tpu.memory_space<vmem_shared>> -> memref<1x512xf32, #tpu.memory_space<vmem_shared>>
    %dma_start3A_243 = tpu.memref_squeeze %dma_start3A_242 : memref<1x512xf32, #tpu.memory_space<vmem_shared>> -> memref<512xf32, #tpu.memory_space<vmem_shared>>
    tpu.enqueue_dma source(%dma_start3A_243 : memref<512xf32, #tpu.memory_space<vmem_shared>>) target(%dma_start3A_241 : memref<512xf32, #tpu.memory_space<vmem>>) target_semaphore(%arg25 : memref<!tpu.dma_semaphore, #tpu.memory_space<semaphore_mem>>)
    %add3A_244 = arith.constant 4 : i32
    %add3A_245 = arith.addi %select_n3A_30, %add3A_244 : i32
    %jit3A_246 = arith.constant 8 : i32
    %eq3A_247 = arith.constant 0 : i32
    %eq3A_248 = arith.cmpi eq, %jit3A_246, %eq3A_247 : i32
    %jit3A_249 = arith.constant 1 : i32
    %select_n3A_250 = arith.select %eq3A_248, %jit3A_249, %jit3A_246 : i32
    %rem3A_251 = arith.remsi %add3A_245, %select_n3A_250 : i32
    %ne3A_252 = arith.constant 0 : i32
    %ne3A_253 = arith.cmpi ne, %rem3A_251, %ne3A_252 : i32
    %lt3A_254 = arith.constant 0 : i32
    %lt3A_255 = arith.cmpi slt, %rem3A_251, %lt3A_254 : i32
    %lt3A_256 = arith.constant 0 : i32
    %lt3A_257 = arith.cmpi slt, %select_n3A_250, %lt3A_256 : i32
    %ne3A_258 = arith.xori %lt3A_255, %lt3A_257 : i1
    %and3A_259 = arith.andi %ne3A_258, %ne3A_253 : i1
    %add3A_260 = arith.addi %rem3A_251, %select_n3A_250 : i32
    %select_n3A_261 = arith.select %and3A_259, %add3A_260, %rem3A_251 : i32
    %add3A_262 = arith.addi %sub3A_160, %select_n3A_261 : i32
    %dma_start3A_263 = arith.constant 1536 : i32
    %dma_start3A_264 = tpu.memref_slice %arg22[%dma_start3A_263] : memref<4096xf32, #tpu.memory_space<vmem>> -> memref<512xf32, #tpu.memory_space<vmem>>
    %dma_start3A_265 = tpu.memref_slice %arg24[%add3A_262, %mul3A_162] : memref<16x4096xf32, #tpu.memory_space<vmem_shared>> -> memref<1x512xf32, #tpu.memory_space<vmem_shared>>
    %dma_start3A_266 = tpu.memref_squeeze %dma_start3A_265 : memref<1x512xf32, #tpu.memory_space<vmem_shared>> -> memref<512xf32, #tpu.memory_space<vmem_shared>>
    %dma_start3A_267 = arith.constant 1536 : i32
    %dma_start3A_268 = tpu.memref_slice %arg22[%dma_start3A_267] : memref<4096xf32, #tpu.memory_space<vmem>> -> memref<512xf32, #tpu.memory_space<vmem>>
    %dma_start3A_269 = tpu.memref_slice %arg24[%add3A_262, %mul3A_162] : memref<16x4096xf32, #tpu.memory_space<vmem_shared>> -> memref<1x512xf32, #tpu.memory_space<vmem_shared>>
    %dma_start3A_270 = tpu.memref_squeeze %dma_start3A_269 : memref<1x512xf32, #tpu.memory_space<vmem_shared>> -> memref<512xf32, #tpu.memory_space<vmem_shared>>
    tpu.enqueue_dma source(%dma_start3A_270 : memref<512xf32, #tpu.memory_space<vmem_shared>>) target(%dma_start3A_268 : memref<512xf32, #tpu.memory_space<vmem>>) target_semaphore(%arg25 : memref<!tpu.dma_semaphore, #tpu.memory_space<semaphore_mem>>)
    %add3A_271 = arith.constant 5 : i32
    %add3A_272 = arith.addi %select_n3A_30, %add3A_271 : i32
    %jit3A_273 = arith.constant 8 : i32
    %eq3A_274 = arith.constant 0 : i32
    %eq3A_275 = arith.cmpi eq, %jit3A_273, %eq3A_274 : i32
    %jit3A_276 = arith.constant 1 : i32
    %select_n3A_277 = arith.select %eq3A_275, %jit3A_276, %jit3A_273 : i32
    %rem3A_278 = arith.remsi %add3A_272, %select_n3A_277 : i32
    %ne3A_279 = arith.constant 0 : i32
    %ne3A_280 = arith.cmpi ne, %rem3A_278, %ne3A_279 : i32
    %lt3A_281 = arith.constant 0 : i32
    %lt3A_282 = arith.cmpi slt, %rem3A_278, %lt3A_281 : i32
    %lt3A_283 = arith.constant 0 : i32
    %lt3A_284 = arith.cmpi slt, %select_n3A_277, %lt3A_283 : i32
    %ne3A_285 = arith.xori %lt3A_282, %lt3A_284 : i1
    %and3A_286 = arith.andi %ne3A_285, %ne3A_280 : i1
    %add3A_287 = arith.addi %rem3A_278, %select_n3A_277 : i32
    %select_n3A_288 = arith.select %and3A_286, %add3A_287, %rem3A_278 : i32
    %add3A_289 = arith.addi %sub3A_160, %select_n3A_288 : i32
    %dma_start3A_290 = arith.constant 2048 : i32
    %dma_start3A_291 = tpu.memref_slice %arg22[%dma_start3A_290] : memref<4096xf32, #tpu.memory_space<vmem>> -> memref<512xf32, #tpu.memory_space<vmem>>
    %dma_start3A_292 = tpu.memref_slice %arg24[%add3A_289, %mul3A_162] : memref<16x4096xf32, #tpu.memory_space<vmem_shared>> -> memref<1x512xf32, #tpu.memory_space<vmem_shared>>
    %dma_start3A_293 = tpu.memref_squeeze %dma_start3A_292 : memref<1x512xf32, #tpu.memory_space<vmem_shared>> -> memref<512xf32, #tpu.memory_space<vmem_shared>>
    %dma_start3A_294 = arith.constant 2048 : i32
    %dma_start3A_295 = tpu.memref_slice %arg22[%dma_start3A_294] : memref<4096xf32, #tpu.memory_space<vmem>> -> memref<512xf32, #tpu.memory_space<vmem>>
    %dma_start3A_296 = tpu.memref_slice %arg24[%add3A_289, %mul3A_162] : memref<16x4096xf32, #tpu.memory_space<vmem_shared>> -> memref<1x512xf32, #tpu.memory_space<vmem_shared>>
    %dma_start3A_297 = tpu.memref_squeeze %dma_start3A_296 : memref<1x512xf32, #tpu.memory_space<vmem_shared>> -> memref<512xf32, #tpu.memory_space<vmem_shared>>
    tpu.enqueue_dma source(%dma_start3A_297 : memref<512xf32, #tpu.memory_space<vmem_shared>>) target(%dma_start3A_295 : memref<512xf32, #tpu.memory_space<vmem>>) target_semaphore(%arg25 : memref<!tpu.dma_semaphore, #tpu.memory_space<semaphore_mem>>)
    %add3A_298 = arith.constant 6 : i32
    %add3A_299 = arith.addi %select_n3A_30, %add3A_298 : i32
    %jit3A_300 = arith.constant 8 : i32
    %eq3A_301 = arith.constant 0 : i32
    %eq3A_302 = arith.cmpi eq, %jit3A_300, %eq3A_301 : i32
    %jit3A_303 = arith.constant 1 : i32
    %select_n3A_304 = arith.select %eq3A_302, %jit3A_303, %jit3A_300 : i32
    %rem3A_305 = arith.remsi %add3A_299, %select_n3A_304 : i32
    %ne3A_306 = arith.constant 0 : i32
    %ne3A_307 = arith.cmpi ne, %rem3A_305, %ne3A_306 : i32
    %lt3A_308 = arith.constant 0 : i32
    %lt3A_309 = arith.cmpi slt, %rem3A_305, %lt3A_308 : i32
    %lt3A_310 = arith.constant 0 : i32
    %lt3A_311 = arith.cmpi slt, %select_n3A_304, %lt3A_310 : i32
    %ne3A_312 = arith.xori %lt3A_309, %lt3A_311 : i1
    %and3A_313 = arith.andi %ne3A_312, %ne3A_307 : i1
    %add3A_314 = arith.addi %rem3A_305, %select_n3A_304 : i32
    %select_n3A_315 = arith.select %and3A_313, %add3A_314, %rem3A_305 : i32
    %add3A_316 = arith.addi %sub3A_160, %select_n3A_315 : i32
    %dma_start3A_317 = arith.constant 2560 : i32
    %dma_start3A_318 = tpu.memref_slice %arg22[%dma_start3A_317] : memref<4096xf32, #tpu.memory_space<vmem>> -> memref<512xf32, #tpu.memory_space<vmem>>
    %dma_start3A_319 = tpu.memref_slice %arg24[%add3A_316, %mul3A_162] : memref<16x4096xf32, #tpu.memory_space<vmem_shared>> -> memref<1x512xf32, #tpu.memory_space<vmem_shared>>
    %dma_start3A_320 = tpu.memref_squeeze %dma_start3A_319 : memref<1x512xf32, #tpu.memory_space<vmem_shared>> -> memref<512xf32, #tpu.memory_space<vmem_shared>>
    %dma_start3A_321 = arith.constant 2560 : i32
    %dma_start3A_322 = tpu.memref_slice %arg22[%dma_start3A_321] : memref<4096xf32, #tpu.memory_space<vmem>> -> memref<512xf32, #tpu.memory_space<vmem>>
    %dma_start3A_323 = tpu.memref_slice %arg24[%add3A_316, %mul3A_162] : memref<16x4096xf32, #tpu.memory_space<vmem_shared>> -> memref<1x512xf32, #tpu.memory_space<vmem_shared>>
    %dma_start3A_324 = tpu.memref_squeeze %dma_start3A_323 : memref<1x512xf32, #tpu.memory_space<vmem_shared>> -> memref<512xf32, #tpu.memory_space<vmem_shared>>
    tpu.enqueue_dma source(%dma_start3A_324 : memref<512xf32, #tpu.memory_space<vmem_shared>>) target(%dma_start3A_322 : memref<512xf32, #tpu.memory_space<vmem>>) target_semaphore(%arg25 : memref<!tpu.dma_semaphore, #tpu.memory_space<semaphore_mem>>)
    %add3A_325 = arith.constant 7 : i32
    %add3A_326 = arith.addi %select_n3A_30, %add3A_325 : i32
    %jit3A_327 = arith.constant 8 : i32
    %eq3A_328 = arith.constant 0 : i32
    %eq3A_329 = arith.cmpi eq, %jit3A_327, %eq3A_328 : i32
    %jit3A_330 = arith.constant 1 : i32
    %select_n3A_331 = arith.select %eq3A_329, %jit3A_330, %jit3A_327 : i32
    %rem3A_332 = arith.remsi %add3A_326, %select_n3A_331 : i32
    %ne3A_333 = arith.constant 0 : i32
    %ne3A_334 = arith.cmpi ne, %rem3A_332, %ne3A_333 : i32
    %lt3A_335 = arith.constant 0 : i32
    %lt3A_336 = arith.cmpi slt, %rem3A_332, %lt3A_335 : i32
    %lt3A_337 = arith.constant 0 : i32
    %lt3A_338 = arith.cmpi slt, %select_n3A_331, %lt3A_337 : i32
    %ne3A_339 = arith.xori %lt3A_336, %lt3A_338 : i1
    %and3A_340 = arith.andi %ne3A_339, %ne3A_334 : i1
    %add3A_341 = arith.addi %rem3A_332, %select_n3A_331 : i32
    %select_n3A_342 = arith.select %and3A_340, %add3A_341, %rem3A_332 : i32
    %add3A_343 = arith.addi %sub3A_160, %select_n3A_342 : i32
    %dma_start3A_344 = arith.constant 3072 : i32
    %dma_start3A_345 = tpu.memref_slice %arg22[%dma_start3A_344] : memref<4096xf32, #tpu.memory_space<vmem>> -> memref<512xf32, #tpu.memory_space<vmem>>
    %dma_start3A_346 = tpu.memref_slice %arg24[%add3A_343, %mul3A_162] : memref<16x4096xf32, #tpu.memory_space<vmem_shared>> -> memref<1x512xf32, #tpu.memory_space<vmem_shared>>
    %dma_start3A_347 = tpu.memref_squeeze %dma_start3A_346 : memref<1x512xf32, #tpu.memory_space<vmem_shared>> -> memref<512xf32, #tpu.memory_space<vmem_shared>>
    %dma_start3A_348 = arith.constant 3072 : i32
    %dma_start3A_349 = tpu.memref_slice %arg22[%dma_start3A_348] : memref<4096xf32, #tpu.memory_space<vmem>> -> memref<512xf32, #tpu.memory_space<vmem>>
    %dma_start3A_350 = tpu.memref_slice %arg24[%add3A_343, %mul3A_162] : memref<16x4096xf32, #tpu.memory_space<vmem_shared>> -> memref<1x512xf32, #tpu.memory_space<vmem_shared>>
    %dma_start3A_351 = tpu.memref_squeeze %dma_start3A_350 : memref<1x512xf32, #tpu.memory_space<vmem_shared>> -> memref<512xf32, #tpu.memory_space<vmem_shared>>
    tpu.enqueue_dma source(%dma_start3A_351 : memref<512xf32, #tpu.memory_space<vmem_shared>>) target(%dma_start3A_349 : memref<512xf32, #tpu.memory_space<vmem>>) target_semaphore(%arg25 : memref<!tpu.dma_semaphore, #tpu.memory_space<semaphore_mem>>)
    %dma_wait3A_352 = arith.constant 0 : i32
    %dma_wait3A_353 = tpu.memref_slice %arg22[%dma_wait3A_352] : memref<4096xf32, #tpu.memory_space<vmem>> -> memref<512xf32, #tpu.memory_space<vmem>>
    %dma_wait3A_354 = tpu.memref_slice %arg24[%add3A_181, %mul3A_162] : memref<16x4096xf32, #tpu.memory_space<vmem_shared>> -> memref<1x512xf32, #tpu.memory_space<vmem_shared>>
    %dma_wait3A_355 = tpu.memref_squeeze %dma_wait3A_354 : memref<1x512xf32, #tpu.memory_space<vmem_shared>> -> memref<512xf32, #tpu.memory_space<vmem_shared>>
    %dma_wait3A_356 = arith.constant 0 : i32
    %dma_wait3A_357 = tpu.memref_slice %arg22[%dma_wait3A_356] : memref<4096xf32, #tpu.memory_space<vmem>> -> memref<512xf32, #tpu.memory_space<vmem>>
    %dma_wait3A_358 = tpu.memref_slice %arg24[%add3A_181, %mul3A_162] : memref<16x4096xf32, #tpu.memory_space<vmem_shared>> -> memref<1x512xf32, #tpu.memory_space<vmem_shared>>
    %dma_wait3A_359 = tpu.memref_squeeze %dma_wait3A_358 : memref<1x512xf32, #tpu.memory_space<vmem_shared>> -> memref<512xf32, #tpu.memory_space<vmem_shared>>
    tpu.wait_dma2 semaphore(%arg25 : memref<!tpu.dma_semaphore, #tpu.memory_space<semaphore_mem>>) src(%dma_wait3A_359 : memref<512xf32, #tpu.memory_space<vmem_shared>>) dst(%dma_wait3A_357 : memref<512xf32, #tpu.memory_space<vmem>>)
    %dma_wait3A_360 = arith.constant 512 : i32
    %dma_wait3A_361 = tpu.memref_slice %arg22[%dma_wait3A_360] : memref<4096xf32, #tpu.memory_space<vmem>> -> memref<512xf32, #tpu.memory_space<vmem>>
    %dma_wait3A_362 = tpu.memref_slice %arg24[%add3A_208, %mul3A_162] : memref<16x4096xf32, #tpu.memory_space<vmem_shared>> -> memref<1x512xf32, #tpu.memory_space<vmem_shared>>
    %dma_wait3A_363 = tpu.memref_squeeze %dma_wait3A_362 : memref<1x512xf32, #tpu.memory_space<vmem_shared>> -> memref<512xf32, #tpu.memory_space<vmem_shared>>
    %dma_wait3A_364 = arith.constant 512 : i32
    %dma_wait3A_365 = tpu.memref_slice %arg22[%dma_wait3A_364] : memref<4096xf32, #tpu.memory_space<vmem>> -> memref<512xf32, #tpu.memory_space<vmem>>
    %dma_wait3A_366 = tpu.memref_slice %arg24[%add3A_208, %mul3A_162] : memref<16x4096xf32, #tpu.memory_space<vmem_shared>> -> memref<1x512xf32, #tpu.memory_space<vmem_shared>>
    %dma_wait3A_367 = tpu.memref_squeeze %dma_wait3A_366 : memref<1x512xf32, #tpu.memory_space<vmem_shared>> -> memref<512xf32, #tpu.memory_space<vmem_shared>>
    tpu.wait_dma2 semaphore(%arg25 : memref<!tpu.dma_semaphore, #tpu.memory_space<semaphore_mem>>) src(%dma_wait3A_367 : memref<512xf32, #tpu.memory_space<vmem_shared>>) dst(%dma_wait3A_365 : memref<512xf32, #tpu.memory_space<vmem>>)
    %dma_wait3A_368 = arith.constant 1024 : i32
    %dma_wait3A_369 = tpu.memref_slice %arg22[%dma_wait3A_368] : memref<4096xf32, #tpu.memory_space<vmem>> -> memref<512xf32, #tpu.memory_space<vmem>>
    %dma_wait3A_370 = tpu.memref_slice %arg24[%add3A_235, %mul3A_162] : memref<16x4096xf32, #tpu.memory_space<vmem_shared>> -> memref<1x512xf32, #tpu.memory_space<vmem_shared>>
    %dma_wait3A_371 = tpu.memref_squeeze %dma_wait3A_370 : memref<1x512xf32, #tpu.memory_space<vmem_shared>> -> memref<512xf32, #tpu.memory_space<vmem_shared>>
    %dma_wait3A_372 = arith.constant 1024 : i32
    %dma_wait3A_373 = tpu.memref_slice %arg22[%dma_wait3A_372] : memref<4096xf32, #tpu.memory_space<vmem>> -> memref<512xf32, #tpu.memory_space<vmem>>
    %dma_wait3A_374 = tpu.memref_slice %arg24[%add3A_235, %mul3A_162] : memref<16x4096xf32, #tpu.memory_space<vmem_shared>> -> memref<1x512xf32, #tpu.memory_space<vmem_shared>>
    %dma_wait3A_375 = tpu.memref_squeeze %dma_wait3A_374 : memref<1x512xf32, #tpu.memory_space<vmem_shared>> -> memref<512xf32, #tpu.memory_space<vmem_shared>>
    tpu.wait_dma2 semaphore(%arg25 : memref<!tpu.dma_semaphore, #tpu.memory_space<semaphore_mem>>) src(%dma_wait3A_375 : memref<512xf32, #tpu.memory_space<vmem_shared>>) dst(%dma_wait3A_373 : memref<512xf32, #tpu.memory_space<vmem>>)
    %dma_wait3A_376 = arith.constant 1536 : i32
    %dma_wait3A_377 = tpu.memref_slice %arg22[%dma_wait3A_376] : memref<4096xf32, #tpu.memory_space<vmem>> -> memref<512xf32, #tpu.memory_space<vmem>>
    %dma_wait3A_378 = tpu.memref_slice %arg24[%add3A_262, %mul3A_162] : memref<16x4096xf32, #tpu.memory_space<vmem_shared>> -> memref<1x512xf32, #tpu.memory_space<vmem_shared>>
    %dma_wait3A_379 = tpu.memref_squeeze %dma_wait3A_378 : memref<1x512xf32, #tpu.memory_space<vmem_shared>> -> memref<512xf32, #tpu.memory_space<vmem_shared>>
    %dma_wait3A_380 = arith.constant 1536 : i32
    %dma_wait3A_381 = tpu.memref_slice %arg22[%dma_wait3A_380] : memref<4096xf32, #tpu.memory_space<vmem>> -> memref<512xf32, #tpu.memory_space<vmem>>
    %dma_wait3A_382 = tpu.memref_slice %arg24[%add3A_262, %mul3A_162] : memref<16x4096xf32, #tpu.memory_space<vmem_shared>> -> memref<1x512xf32, #tpu.memory_space<vmem_shared>>
    %dma_wait3A_383 = tpu.memref_squeeze %dma_wait3A_382 : memref<1x512xf32, #tpu.memory_space<vmem_shared>> -> memref<512xf32, #tpu.memory_space<vmem_shared>>
    tpu.wait_dma2 semaphore(%arg25 : memref<!tpu.dma_semaphore, #tpu.memory_space<semaphore_mem>>) src(%dma_wait3A_383 : memref<512xf32, #tpu.memory_space<vmem_shared>>) dst(%dma_wait3A_381 : memref<512xf32, #tpu.memory_space<vmem>>)
    %dma_wait3A_384 = arith.constant 2048 : i32
    %dma_wait3A_385 = tpu.memref_slice %arg22[%dma_wait3A_384] : memref<4096xf32, #tpu.memory_space<vmem>> -> memref<512xf32, #tpu.memory_space<vmem>>
    %dma_wait3A_386 = tpu.memref_slice %arg24[%add3A_289, %mul3A_162] : memref<16x4096xf32, #tpu.memory_space<vmem_shared>> -> memref<1x512xf32, #tpu.memory_space<vmem_shared>>
    %dma_wait3A_387 = tpu.memref_squeeze %dma_wait3A_386 : memref<1x512xf32, #tpu.memory_space<vmem_shared>> -> memref<512xf32, #tpu.memory_space<vmem_shared>>
    %dma_wait3A_388 = arith.constant 2048 : i32
    %dma_wait3A_389 = tpu.memref_slice %arg22[%dma_wait3A_388] : memref<4096xf32, #tpu.memory_space<vmem>> -> memref<512xf32, #tpu.memory_space<vmem>>
    %dma_wait3A_390 = tpu.memref_slice %arg24[%add3A_289, %mul3A_162] : memref<16x4096xf32, #tpu.memory_space<vmem_shared>> -> memref<1x512xf32, #tpu.memory_space<vmem_shared>>
    %dma_wait3A_391 = tpu.memref_squeeze %dma_wait3A_390 : memref<1x512xf32, #tpu.memory_space<vmem_shared>> -> memref<512xf32, #tpu.memory_space<vmem_shared>>
    tpu.wait_dma2 semaphore(%arg25 : memref<!tpu.dma_semaphore, #tpu.memory_space<semaphore_mem>>) src(%dma_wait3A_391 : memref<512xf32, #tpu.memory_space<vmem_shared>>) dst(%dma_wait3A_389 : memref<512xf32, #tpu.memory_space<vmem>>)
    %dma_wait3A_392 = arith.constant 2560 : i32
    %dma_wait3A_393 = tpu.memref_slice %arg22[%dma_wait3A_392] : memref<4096xf32, #tpu.memory_space<vmem>> -> memref<512xf32, #tpu.memory_space<vmem>>
    %dma_wait3A_394 = tpu.memref_slice %arg24[%add3A_316, %mul3A_162] : memref<16x4096xf32, #tpu.memory_space<vmem_shared>> -> memref<1x512xf32, #tpu.memory_space<vmem_shared>>
    %dma_wait3A_395 = tpu.memref_squeeze %dma_wait3A_394 : memref<1x512xf32, #tpu.memory_space<vmem_shared>> -> memref<512xf32, #tpu.memory_space<vmem_shared>>
    %dma_wait3A_396 = arith.constant 2560 : i32
    %dma_wait3A_397 = tpu.memref_slice %arg22[%dma_wait3A_396] : memref<4096xf32, #tpu.memory_space<vmem>> -> memref<512xf32, #tpu.memory_space<vmem>>
    %dma_wait3A_398 = tpu.memref_slice %arg24[%add3A_316, %mul3A_162] : memref<16x4096xf32, #tpu.memory_space<vmem_shared>> -> memref<1x512xf32, #tpu.memory_space<vmem_shared>>
    %dma_wait3A_399 = tpu.memref_squeeze %dma_wait3A_398 : memref<1x512xf32, #tpu.memory_space<vmem_shared>> -> memref<512xf32, #tpu.memory_space<vmem_shared>>
    tpu.wait_dma2 semaphore(%arg25 : memref<!tpu.dma_semaphore, #tpu.memory_space<semaphore_mem>>) src(%dma_wait3A_399 : memref<512xf32, #tpu.memory_space<vmem_shared>>) dst(%dma_wait3A_397 : memref<512xf32, #tpu.memory_space<vmem>>)
    %dma_wait3A_400 = arith.constant 3072 : i32
    %dma_wait3A_401 = tpu.memref_slice %arg22[%dma_wait3A_400] : memref<4096xf32, #tpu.memory_space<vmem>> -> memref<512xf32, #tpu.memory_space<vmem>>
    %dma_wait3A_402 = tpu.memref_slice %arg24[%add3A_343, %mul3A_162] : memref<16x4096xf32, #tpu.memory_space<vmem_shared>> -> memref<1x512xf32, #tpu.memory_space<vmem_shared>>
    %dma_wait3A_403 = tpu.memref_squeeze %dma_wait3A_402 : memref<1x512xf32, #tpu.memory_space<vmem_shared>> -> memref<512xf32, #tpu.memory_space<vmem_shared>>
    %dma_wait3A_404 = arith.constant 3072 : i32
    %dma_wait3A_405 = tpu.memref_slice %arg22[%dma_wait3A_404] : memref<4096xf32, #tpu.memory_space<vmem>> -> memref<512xf32, #tpu.memory_space<vmem>>
    %dma_wait3A_406 = tpu.memref_slice %arg24[%add3A_343, %mul3A_162] : memref<16x4096xf32, #tpu.memory_space<vmem_shared>> -> memref<1x512xf32, #tpu.memory_space<vmem_shared>>
    %dma_wait3A_407 = tpu.memref_squeeze %dma_wait3A_406 : memref<1x512xf32, #tpu.memory_space<vmem_shared>> -> memref<512xf32, #tpu.memory_space<vmem_shared>>
    tpu.wait_dma2 semaphore(%arg25 : memref<!tpu.dma_semaphore, #tpu.memory_space<semaphore_mem>>) src(%dma_wait3A_407 : memref<512xf32, #tpu.memory_space<vmem_shared>>) dst(%dma_wait3A_405 : memref<512xf32, #tpu.memory_space<vmem>>)
    %parallel_loop3A_408 = arith.constant 0 : i32
    %parallel_loop3A_409 = arith.constant 32 : i32
    %parallel_loop3A_410 = arith.constant 1 : i32
    scf.for %parallel_loop3A_445 = %parallel_loop3A_408 to %parallel_loop3A_409 step %parallel_loop3A_410  : i32 {
      %parallel_loop3A_446 = arith.constant 16 : i32
      %parallel_loop3A_447 = arith.muli %parallel_loop3A_445, %parallel_loop3A_446 : i32
      %parallel_loop3A_448 = arith.addi %mul3A_162, %parallel_loop3A_447 : i32
      %parallel_loop3A_449 = arith.index_cast %parallel_loop3A_448 : i32 to index
      %parallel_loop3A_450 = tpu.vector_load %arg21[%parallel_loop3A_449] {strides = array<i32>} : memref<4096xf32, #tpu.memory_space<vmem>>, vector<16xf32>,
      %parallel_loop3A_451 = arith.constant 0 : i32
      %parallel_loop3A_452 = arith.addi %parallel_loop3A_451, %parallel_loop3A_447 : i32
      %parallel_loop3A_453 = arith.index_cast %parallel_loop3A_452 : i32 to index
      %parallel_loop3A_454 = tpu.vector_load %arg22[%parallel_loop3A_453] {strides = array<i32>} : memref<4096xf32, #tpu.memory_space<vmem>>, vector<16xf32>,
      %parallel_loop3A_455 = arith.constant 512 : i32
      %parallel_loop3A_456 = arith.addi %parallel_loop3A_455, %parallel_loop3A_447 : i32
      %parallel_loop3A_457 = arith.index_cast %parallel_loop3A_456 : i32 to index
      %parallel_loop3A_458 = tpu.vector_load %arg22[%parallel_loop3A_457] {strides = array<i32>} : memref<4096xf32, #tpu.memory_space<vmem>>, vector<16xf32>,
      %parallel_loop3A_459 = arith.constant 1024 : i32
      %parallel_loop3A_460 = arith.addi %parallel_loop3A_459, %parallel_loop3A_447 : i32
      %parallel_loop3A_461 = arith.index_cast %parallel_loop3A_460 : i32 to index
      %parallel_loop3A_462 = tpu.vector_load %arg22[%parallel_loop3A_461] {strides = array<i32>} : memref<4096xf32, #tpu.memory_space<vmem>>, vector<16xf32>,
      %parallel_loop3A_463 = arith.constant 1536 : i32
      %parallel_loop3A_464 = arith.addi %parallel_loop3A_463, %parallel_loop3A_447 : i32
      %parallel_loop3A_465 = arith.index_cast %parallel_loop3A_464 : i32 to index
      %parallel_loop3A_466 = tpu.vector_load %arg22[%parallel_loop3A_465] {strides = array<i32>} : memref<4096xf32, #tpu.memory_space<vmem>>, vector<16xf32>,
      %parallel_loop3A_467 = arith.constant 2048 : i32
      %parallel_loop3A_468 = arith.addi %parallel_loop3A_467, %parallel_loop3A_447 : i32
      %parallel_loop3A_469 = arith.index_cast %parallel_loop3A_468 : i32 to index
      %parallel_loop3A_470 = tpu.vector_load %arg22[%parallel_loop3A_469] {strides = array<i32>} : memref<4096xf32, #tpu.memory_space<vmem>>, vector<16xf32>,
      %parallel_loop3A_471 = arith.constant 2560 : i32
      %parallel_loop3A_472 = arith.addi %parallel_loop3A_471, %parallel_loop3A_447 : i32
      %parallel_loop3A_473 = arith.index_cast %parallel_loop3A_472 : i32 to index
      %parallel_loop3A_474 = tpu.vector_load %arg22[%parallel_loop3A_473] {strides = array<i32>} : memref<4096xf32, #tpu.memory_space<vmem>>, vector<16xf32>,
      %parallel_loop3A_475 = arith.constant 3072 : i32
      %parallel_loop3A_476 = arith.addi %parallel_loop3A_475, %parallel_loop3A_447 : i32
      %parallel_loop3A_477 = arith.index_cast %parallel_loop3A_476 : i32 to index
      %parallel_loop3A_478 = tpu.vector_load %arg22[%parallel_loop3A_477] {strides = array<i32>} : memref<4096xf32, #tpu.memory_space<vmem>>, vector<16xf32>,
      %parallel_loop3A_479 = arith.minimumf %parallel_loop3A_450, %parallel_loop3A_454 : vector<16xf32>
      %parallel_loop3A_480 = arith.minimumf %parallel_loop3A_458, %parallel_loop3A_462 : vector<16xf32>
      %parallel_loop3A_481 = arith.minimumf %parallel_loop3A_466, %parallel_loop3A_470 : vector<16xf32>
      %parallel_loop3A_482 = arith.minimumf %parallel_loop3A_474, %parallel_loop3A_478 : vector<16xf32>
      %parallel_loop3A_483 = arith.minimumf %parallel_loop3A_479, %parallel_loop3A_480 : vector<16xf32>
      %parallel_loop3A_484 = arith.minimumf %parallel_loop3A_481, %parallel_loop3A_482 : vector<16xf32>
      %parallel_loop3A_485 = arith.minimumf %parallel_loop3A_483, %parallel_loop3A_484 : vector<16xf32>
      %parallel_loop3A_486 = arith.addi %mul3A_162, %parallel_loop3A_447 : i32
      %parallel_loop3A_487 = arith.index_cast %parallel_loop3A_486 : i32 to index
      %parallel_loop3A_488 = tpu.vector_load %arg21[%parallel_loop3A_487] {strides = array<i32>} : memref<4096xf32, #tpu.memory_space<vmem>>, vector<16xf32>,
      tpu.vector_store %arg21[%parallel_loop3A_487], %parallel_loop3A_485 {strides = array<i32>} : memref<4096xf32, #tpu.memory_space<vmem>>, vector<16xf32>,
    } {sc.loop_unroll_factor = 4 : i64, sc.parallel_access}
    %broadcast_in_dim3A_411 = arith.constant 0.000000e+00 : f32
    %broadcast_in_dim3A_412 = vector.broadcast %broadcast_in_dim3A_411 : f32 to vector<16xf32>
    %parallel_loop3A_413 = arith.constant 0 : i32
    %parallel_loop3A_414 = arith.constant 32 : i32
    %parallel_loop3A_415 = arith.constant 1 : i32
    %parallel_loop3A_416 = scf.for %parallel_loop3A_445 = %parallel_loop3A_413 to %parallel_loop3A_414 step %parallel_loop3A_415 iter_args(%parallel_loop3A_446 = %broadcast_in_dim3A_412) -> (vector<16xf32>)  : i32 {
      %parallel_loop3A_447 = arith.constant 16 : i32
      %parallel_loop3A_448 = arith.muli %parallel_loop3A_445, %parallel_loop3A_447 : i32
      %parallel_loop3A_449 = arith.addi %mul3A_162, %parallel_loop3A_448 : i32
      %parallel_loop3A_450 = vector.broadcast %parallel_loop3A_449 : i32 to vector<16xi32>
      %parallel_loop3A_451 = arith.addi %parallel_loop3A_450, %iota3A : vector<16xi32>
      %parallel_loop3A_452 = vector.broadcast %parallel_loop3A_84 : i32 to vector<16xi32>
      %parallel_loop3A_453 = arith.cmpi slt, %parallel_loop3A_451, %parallel_loop3A_452 : vector<16xi32>
      %parallel_loop3A_454 = arith.index_cast %parallel_loop3A_449 : i32 to index
      %parallel_loop3A_455 = tpu.vector_load %arg21[%parallel_loop3A_454] {strides = array<i32>} : memref<4096xf32, #tpu.memory_space<vmem>>, vector<16xf32>,
      %parallel_loop3A_456 = arith.constant 0.000000e+00 : f32
      %parallel_loop3A_457 = vector.broadcast %parallel_loop3A_456 : f32 to vector<16xf32>
      %parallel_loop3A_458 = arith.select %parallel_loop3A_453, %parallel_loop3A_455, %parallel_loop3A_457 : vector<16xi1>, vector<16xf32>
      %parallel_loop3A_459 = arith.addf %parallel_loop3A_446, %parallel_loop3A_458 : vector<16xf32>
      scf.yield %parallel_loop3A_459 : vector<16xf32>
    } {sc.loop_unroll_factor = 8 : i64, sc.parallel_access}
    %eq3A_417 = arith.constant 0 : i32
    %eq3A_418 = vector.broadcast %eq3A_417 : i32 to vector<16xi32>
    %eq3A_419 = arith.cmpi eq, %iota3A, %eq3A_418 : vector<16xi32>
    %reduce_sum3A = arith.constant true
    %reduce_sum3A_420 = vector.broadcast %reduce_sum3A : i1 to vector<16xi1>
    %reduce_sum3A_421 = tpu.scan <sum>, %parallel_loop3A_416 masked %reduce_sum3A_420 : vector<16xf32>, vector<16xi1> -> vector<16xf32>
    %reduce_sum3A_422 = vector.extract %reduce_sum3A_421[15] : f32 from vector<16xf32>
    %eq3A_423 = arith.constant 1 : i32
    %eq3A_424 = vector.broadcast %eq3A_423 : i32 to vector<16xi32>
    %eq3A_425 = arith.cmpi eq, %iota3A, %eq3A_424 : vector<16xi32>
    %convert_element_type3A = arith.sitofp %parallel_loop3A_84 : i32 to f32
    %eq3A_426 = arith.constant 2 : i32
    %eq3A_427 = vector.broadcast %eq3A_426 : i32 to vector<16xi32>
    %eq3A_428 = arith.cmpi eq, %iota3A, %eq3A_427 : vector<16xi32>
    %eq3A_429 = arith.constant 3 : i32
    %eq3A_430 = vector.broadcast %eq3A_429 : i32 to vector<16xi32>
    %eq3A_431 = arith.cmpi eq, %iota3A, %eq3A_430 : vector<16xi32>
    %convert_element_type3A_432 = arith.sitofp %parallel_loop3A_75 : i32 to f32
    %jit3A_433 = arith.constant 0.000000e+00 : f32
    %broadcast_in_dim3A_434 = vector.broadcast %convert_element_type3A_432 : f32 to vector<16xf32>
    %broadcast_in_dim3A_435 = vector.broadcast %jit3A_433 : f32 to vector<16xf32>
    %select_n3A_436 = arith.select %eq3A_431, %broadcast_in_dim3A_434, %broadcast_in_dim3A_435 : vector<16xi1>, vector<16xf32>
    %broadcast_in_dim3A_437 = vector.broadcast %while3A_159 : f32 to vector<16xf32>
    %select_n3A_438 = arith.select %eq3A_428, %broadcast_in_dim3A_437, %select_n3A_436 : vector<16xi1>, vector<16xf32>
    %broadcast_in_dim3A_439 = vector.broadcast %convert_element_type3A : f32 to vector<16xf32>
    %select_n3A_440 = arith.select %eq3A_425, %broadcast_in_dim3A_439, %select_n3A_438 : vector<16xi1>, vector<16xf32>
    %broadcast_in_dim3A_441 = vector.broadcast %reduce_sum3A_422 : f32 to vector<16xf32>
    %select_n3A_442 = arith.select %eq3A_419, %broadcast_in_dim3A_441, %select_n3A_440 : vector<16xi1>, vector<16xf32>
    %swap3A_443 = arith.constant 0 : index
    %swap3A_444 = tpu.vector_load %arg23[%swap3A_443] {strides = array<i32>} : memref<16xf32, #tpu.memory_space<vmem>>, vector<16xf32>,
    tpu.vector_store %arg23[%swap3A_443], %select_n3A_442 {strides = array<i32>} : memref<16xf32, #tpu.memory_space<vmem>>, vector<16xf32>,
    "tpu.region"() ({
      %run_scoped3A = tpu.sem_alloc : memref<!tpu.dma_semaphore, #tpu.memory_space<semaphore_mem>>
      %dma_start3A_445 = arith.constant 0 : i32
      %dma_start3A_446 = tpu.memref_slice %arg9[%add3A, %dma_start3A_445] : memref<32x16xf32, #tpu.memory_space<hbm>> -> memref<1x16xf32, #tpu.memory_space<hbm>>
      %dma_start3A_447 = tpu.memref_squeeze %dma_start3A_446 : memref<1x16xf32, #tpu.memory_space<hbm>> -> memref<16xf32, #tpu.memory_space<hbm>>
      %dma_start3A_448 = arith.constant 0 : i32
      %dma_start3A_449 = tpu.memref_slice %arg9[%add3A, %dma_start3A_448] : memref<32x16xf32, #tpu.memory_space<hbm>> -> memref<1x16xf32, #tpu.memory_space<hbm>>
      %dma_start3A_450 = tpu.memref_squeeze %dma_start3A_449 : memref<1x16xf32, #tpu.memory_space<hbm>> -> memref<16xf32, #tpu.memory_space<hbm>>
      tpu.enqueue_dma source(%arg23 : memref<16xf32, #tpu.memory_space<vmem>>) target(%dma_start3A_450 : memref<16xf32, #tpu.memory_space<hbm>>) target_semaphore(%run_scoped3A : memref<!tpu.dma_semaphore, #tpu.memory_space<semaphore_mem>>)
      %dma_wait3A_451 = arith.constant 0 : i32
      %dma_wait3A_452 = tpu.memref_slice %arg9[%add3A, %dma_wait3A_451] : memref<32x16xf32, #tpu.memory_space<hbm>> -> memref<1x16xf32, #tpu.memory_space<hbm>>
      %dma_wait3A_453 = tpu.memref_squeeze %dma_wait3A_452 : memref<1x16xf32, #tpu.memory_space<hbm>> -> memref<16xf32, #tpu.memory_space<hbm>>
      %dma_wait3A_454 = arith.constant 0 : i32
      %dma_wait3A_455 = tpu.memref_slice %arg9[%add3A, %dma_wait3A_454] : memref<32x16xf32, #tpu.memory_space<hbm>> -> memref<1x16xf32, #tpu.memory_space<hbm>>
      %dma_wait3A_456 = tpu.memref_squeeze %dma_wait3A_455 : memref<1x16xf32, #tpu.memory_space<hbm>> -> memref<16xf32, #tpu.memory_space<hbm>>
      tpu.wait_dma2 semaphore(%run_scoped3A : memref<!tpu.dma_semaphore, #tpu.memory_space<semaphore_mem>>) src(%arg23 : memref<16xf32, #tpu.memory_space<vmem>>) dst(%dma_wait3A_456 : memref<16xf32, #tpu.memory_space<hbm>>)
      tpu.yield
    }) : () -> ()
    return
  }
}

</mosaic_0001>

<sc_bundles>
// kernel: kernel.3.cloned.1.call-start
scs
__scs_entry_jumppad:
0x0: {  	(pc) =	sbr.rel $0x88, $3  }
0x1: {  	(tag) =	ssettag $0x0;
	lr =	simm.s32 $0x1  }
0x2: {  	[smem:$0x3F9D] =	sst lr;
	_ =	strace $0xD0000000  }
0x3: {  	_ = 	snop  }
0x4: {  	_ = 	snop  }
0x5: {  	_ = 	snop  }
0x6: {  	_ = 	snop  }
0x7: {  	_ = 	snop  }
__scs_overlays_trampoline_lowered:
0x8: {  	[smem:$0x3FAC] =	sst s0  }
0x9: {  	[smem:$0x3FAD] =	sst s1  }
0xa: {  	[smem:$0x3FAE] =	sst s2  }
0xb: {  	[smem:$0x3FAF] =	sst s3  }
0xc: {  	[smem:$0x3FB0] =	sst s4  }
0xd: {  	[smem:$0x3FB1] =	sst s5  }
0xe: {  	[smem:$0x3FB2] =	sst s6  }
0xf: {  	[smem:$0x3FB3] =	sst s7  }
0x10: {  	[smem:$0x3FB4] =	sst s8  }
0x11: {  	[smem:$0x3FB5] =	sst s9;
	s0 =	simm.s32 @!p0 $0x0  }
0x12: {  	s1 =	sld [smem:$0x3F9B];
	s0 =	simm.s32 @p0 $0x1  }
0x13: {  	[smem:$0x3FB6] =	sst s0;
	s0 =	simm.s32 @!p1 $0x0  }
0x14: {  	s2 =	sld [smem:$0x3F9A];
	s0 =	simm.s32 @p1 $0x1  }
0x15: {  	[smem:$0x3FB7] =	sst s0;
	s0 =	simm.s32 @!p2 $0x0  }
0x16: {  	s3 =	sld [smem:$0x3FDB];
	s0 =	simm.s32 @p2 $0x1  }
0x17: {  	s4 =	simm.s32 $0x1BF5;
	[smem:$0x3FB9] =	sst s0  }
0x18: {  	s0 =	sld [smem:$0x3F9C];
	_ =	swait.ge [sflag:s4], $0x0  }
0x19: {  	s7 =	sld [smem:$0x3F9D]  }
0x1a: {  	s8 =	sadd.s32 $0xFFFFE003, lr  }
0x1b: {  	s9 =	sadd.s32 $0xFFFFFEF7, lr;
	s5 =	simm.s32 $0xFFFFFFFF;
	p2 =	slt.u32 s8, $0xFFFFF086  }
0x1c: {  	p1 =	slt.u32 s9, $0xF7A;
	s5 =	simm.s32 @!p2 $0x0  }
0x1d: {  	s5 =	simm.s32 @p1 $0x1;
	p0 =	seq.s32 s7, s2  }
0x1e: {  	s7 =	smul.u32 @!p0 $0xF7A, s2;
	p2 =	seq.s32 @!p0 s5, $0x0  }
0x1f: {  	s9 =	smul.u32 $0xF7A, s1;
	s8 =	simm.s32 @!p0 $0x1BF5;
	p2 =	por !p2, p0  }
0x20: {  	[sflag:s8] =	ssyncset.s32 @!p0 $0xFFFFF086;
	s6 =	sadd.s32 @!p0 s3, s7;
	s7 =	simm.s32 @!p0 $0x108  }
0x21: {  	s3 =	sadd.s32 s3, s9;
	s6 =	sadd.s32 @!p0 $0x88, s6;
	s7 =	simm.s32 @p2 $0x1082  }
0x22: {  	[simem:s7], [sflag:s8] =	dma.local @!p0 [hbm:s6], $0xF7A  }
0x23: {  	s9 =	sor.u32 $0xD0000000, s2;
	s6 =	simm.s32 $0x108;
	_ =	swait.ge @!p0 [sflag:s8], $0x0  }
0x24: {  	s3 =	sadd.s32 $0x88, s3;
	s6 =	simm.s32 @!p1 $0x1082;
	[sflag:s4] =	ssyncset.s32 $0xFFFFF086  }
0x25: {  	[simem:s6], [sflag:s4] =	dma.local [hbm:s3], $0xF7A  }
0x26: {  	[smem:$0x3F9D] =	sst s1;
	(tag) =	ssettag s2;
	_ =	strace s9  }
0x27: {  	s1 =	sld [smem:$0x3FAD]  }
0x28: {  	s2 =	sld [smem:$0x3FAE]  }
0x29: {  	s4 =	sld [smem:$0x3FB0]  }
0x2a: {  	p0 =	seq.s32 s5, $0x0;
	s5 =	sld [smem:$0x3FB1]  }
0x2b: {  	s6 =	sld [smem:$0x3FB2]  }
0x2c: {  	s7 =	sld [smem:$0x3FB3]  }
0x2d: {  	s3 =	simm.s32 $0x108;
	s8 =	sld [smem:$0x3FB4]  }
0x2e: {  	s3 =	simm.s32 @!p0 $0x1082;
	s9 =	sld [smem:$0x3FB5]  }
0x2f: {  	lr =	sadd.s32 s0, s3;
	s0 =	sld [smem:$0x3FAC]  }
0x30: {  	s3 =	sld [smem:$0x3FAF]  }
0x31: {  	[smem:$0x3FB8] =	sst s10  }
0x32: {  	s10 =	sld [smem:$0x3FB6];
	_ =	sdelay $0x3  }
0x33: {  	p0 =	seq.s32 s10, $0x1;
	s10 =	sld [smem:$0x3FB8];
	_ =	sdelay $0x3  }
0x34: {  	[smem:$0x3FB8] =	sst s10  }
0x35: {  	s10 =	sld [smem:$0x3FB7];
	_ =	sdelay $0x3  }
0x36: {  	p1 =	seq.s32 s10, $0x1;
	s10 =	sld [smem:$0x3FB8];
	_ =	sdelay $0x3  }
0x37: {  	[smem:$0x3FB8] =	sst s10  }
0x38: {  	s10 =	sld [smem:$0x3FB9]  }
0x39: {  	_ = 	snop;
	(pc) =	sbr.ind lr, $3  }
0x3a: {  	_ = 	snop  }
0x3b: {  	_ = 	snop  }
0x3c: {  	p2 =	seq.s32 s10, $0x1;
	s10 =	sld [smem:$0x3FB8]  }
0x3d: {  	_ =	shalt  }
0x3e: {  	_ =	shalt  }
0x3f: {  	_ =	shalt  }
0x40: {  	_ =	shalt  }
0x41: {  	_ =	shalt  }
0x42: {  	_ =	shalt  }
0x43: {  	_ =	shalt  }
0x44: {  	_ =	shalt  }
0x45: {  	_ =	shalt  }
0x46: {  	_ =	shalt  }
0x47: {  	_ =	shalt  }
0x48: {  	_ =	shalt  }
0x49: {  	_ =	shalt  }
0x4a: {  	_ =	shalt  }
0x4b: {  	_ =	shalt  }
0x4c: {  	_ =	shalt  }
0x4d: {  	_ =	shalt  }
0x4e: {  	_ =	shalt  }
0x4f: {  	_ =	shalt  }
0x50: {  	_ =	shalt  }
0x51: {  	_ =	shalt  }
0x52: {  	_ =	shalt  }
0x53: {  	_ =	shalt  }
0x54: {  	_ =	shalt  }
0x55: {  	_ =	shalt  }
0x56: {  	_ =	shalt  }
0x57: {  	_ =	shalt  }
0x58: {  	_ =	shalt  }
0x59: {  	_ =	shalt  }
0x5a: {  	_ =	shalt  }
0x5b: {  	_ =	shalt  }
0x5c: {  	_ =	shalt  }
0x5d: {  	_ =	shalt  }
0x5e: {  	_ =	shalt  }
0x5f: {  	_ =	shalt  }
0x60: {  	_ =	shalt  }
0x61: {  	_ =	shalt  }
0x62: {  	_ =	shalt  }
0x63: {  	_ =	shalt  }
0x64: {  	_ =	shalt  }
0x65: {  	_ =	shalt  }
0x66: {  	_ =	shalt  }
0x67: {  	_ =	shalt  }
0x68: {  	_ =	shalt  }
0x69: {  	_ =	shalt  }
0x6a: {  	_ =	shalt  }
0x6b: {  	_ =	shalt  }
0x6c: {  	_ =	shalt  }
0x6d: {  	_ =	shalt  }
0x6e: {  	_ =	shalt  }
0x6f: {  	_ =	shalt  }
0x70: {  	_ =	shalt  }
0x71: {  	_ =	shalt  }
0x72: {  	_ =	shalt  }
0x73: {  	_ =	shalt  }
0x74: {  	_ =	shalt  }
0x75: {  	_ =	shalt  }
0x76: {  	_ =	shalt  }
0x77: {  	_ =	shalt  }
0x78: {  	_ =	shalt  }
0x79: {  	_ =	shalt  }
0x7a: {  	_ =	shalt  }
0x7b: {  	_ =	shalt  }
0x7c: {  	_ =	shalt  }
0x7d: {  	_ =	shalt  }
0x7e: {  	_ =	shalt  }
0x7f: {  	_ =	shalt  }
0x80: {  	_ =	shalt  }
0x81: {  	_ =	shalt  }
0x82: {  	_ =	shalt  }
0x83: {  	_ =	shalt  }
0x84: {  	_ =	shalt  }
0x85: {  	_ =	shalt  }
0x86: {  	_ =	shalt  }
0x87: {  	_ =	shalt  }
.Lfunc_end0:
.L_simem_size_0:
called_computation_lowered:
.L_overlay_start_0:
0x88: {  	s2 =	sld [smem:$0x3FD9]  }
0x89: {  	s3 =	sld [smem:$0x3FFE];
	_ =	sdelay $0x1  }
0x8a: {  	s1 =	srdreg.scid  }
0x8b: {  	s0 =	sand.u32 $0x1, s1  }
0x8c: {  	s16 =	sshll.u32 s0, $0xA;
	s2 =	sadd.s32 s3, s2  }
0x8d: {  	s2 =	sadd.s32 s2, s16  }
0x8e: {  	[smem:$0x3FC4] =	sst s2  }
0x8f: {  	_ = 	snop  }
0x90: {  	(tm) =	ssettm $0x1  }
0x91: {  	s17 =	sld [smem:$0x3FFB];
	_ =	sdelay $0x3  }
0x92: {  	_ =	strace s17  }
0x93: {  	s2 =	sld [smem:$0x3FFC];
	_ =	sdelay $0x3  }
0x94: {  	_ =	strace s2  }
0x95: {  	s2 =	sld [smem:$0x3FFD];
	_ =	sdelay $0x3  }
0x96: {  	_ =	strace s2  }
0x97: {  	_ =	strace $0x8FFFFFFF  }
0x98: {  	s18 =	sld [smem:$0x3FDB];
	_ =	sdelay $0x1  }
0x99: {  	s19 =	simm.s32 $_scs_section_size  }
0x9a: {  	s4 =	simm.s32 $_size__tile_overlayer_lowered;
	s5 =	simm.s32 $_tile_overlayer_lowered  }
0x9b: {  	s22 =	simm.s32 $0x1BFF;
	s21 =	sshll.u32 s5, $0x1;
	s2 =	sadd.s32 s19, s18  }
0x9c: {  	s6 =	simm.s32 $0x0;
	s20 =	sshll.u32 s4, $0x1;
	s4 =	sadd.s32 s21, s2  }
0x9d: {  	[timem:s6], [sflag:s22] =	dma.local [hbm:s4], s20  }
0x9e: {  	_ =	swait.ge [sflag:s22], s20  }
0x9f: {  	s3 =	ssub.s32 $0x0, s20;
	[sflag:s22] =	ssyncset.done $0x0  }
0xa0: {  	[sflag:s22] =	ssyncadd.s32 s3;
	_ =	sdelay $0x1  }
0xa1: {  	s23 =	simm.s32 $0x1B8B  }
0xa2: {  	_ =	swait.ge [sflag:s23], $0x1  }
0xa3: {  	[sflag:s23] =	ssyncset.done $0x0  }
0xa4: {  	s25 =	simm.s32 $0x1B8E;
	s24 =	sld [smem:$0x3FFE];
	[sflag:s23] =	ssyncadd.s32 $0xFFFFFFFF  }
0xa5: {  	s26 =	simm.s32 $execute0_lowered;
	[smem:$0x3FD2] =	sst s25  }
0xa6: {  	s4 =	sshll.u32 s26, $0x1;
	_ =	strace $0x80000046;
	[dreg:$0x1] =	wrdreg $0xFFFFFFFF  }
0xa7: {  	s28 =	simm.s32 $_size_execute0_lowered;
	s2 =	sadd.s32 s2, s4;
	[dreg:$0x0] =	wrdreg $0x0  }
0xa8: {  	s4 =	sshll.u32 s28, $0x1;
	[dreg:$0x2] =	wrdreg s2  }
0xa9: {  	[dreg:$0x3] =	wrdreg s4  }
0xaa: {  	[dreg:$0x4] =	wrdreg $0xC0  }
0xab: {  	_ =	task [dreg:s6], $0x5FFFF  }
0xac: {  	[dreg:$0x1] =	wrdreg $0xFFFFFFFF  }
0xad: {  	[dreg:$0x0] =	wrdreg $0x60  }
0xae: {  	[dreg:$0x2] =	wrdreg s24  }
0xaf: {  	[dreg:$0x3] =	wrdreg $0x87800  }
0xb0: {  	[dreg:$0x4] =	wrdreg $0x9  }
0xb1: {  	_ =	task.clear_ibuf [dreg:s6], $0x5FFFF;
	_ =	strace $0x90000046  }
0xb2: {  	s29 =	simm.s32 $0x9;
	_ =	strace $0x80000048  }
0xb3: {  	_ =	swait.ge [sflag:s29], $0x1  }
0xb4: {  	[sflag:s29] =	ssyncadd.s32 $0xFFFFFFFF  }
0xb5: {  	_ =	strace $0x90000048  }
0xb6: {  	_ =	sfence  }
0xb7: {  	s30 =	sld [smem:$0x0];
	_ =	sdelay $0x2  }
0xb8: {  	s31 =	sshll.u32 s1, $0xD;
	s1 =	sshrl.u32 s1, $0x2  }
0xb9: {  	s3 =	sand.u32 $0x4000, s31;
	s1 =	sadd.s32 s1, s30  }
0xba: {  	s0 =	sor.u32 s3, s0;
	s1 =	sshll.u32 s1, $0x11  }
0xbb: {  	s0 =	sor.u32 s1, s0  }
0xbc: {  	s0 =	sadd.s32 $0x8F2B, s0  }
0xbd: {  	[sflag:s0] =	ssyncadd.remote.s32 $0x1  }
0xbe: {  	_ =	sfence.sel $0xFFFF  }
0xbf: {  	[dreg:$0x0] =	wrdreg $0xFFFFFFFF;
	(pc) =	sbr.abs _section_cstart, $3  }
0xc0: {  	[dreg:$0x1] =	wrdreg $0xFFFFFFFF  }
0xc1: {  	_ =	task.clear_ibuf [dreg:s6], $0x2FFFF;
	_ =	strace $0x9FFFFFFF  }
0xc2: {  	(tm) =	ssettm $0x7FFFFFFF  }
0xc3: {  	_ =	shalt  }
tec
execute0_lowered:
.L_overlay_start_1:
0x0: {  	(tag) =	ssettag $0x1  }
0x1: {  	s0 =	srdreg.scid  }
0x2: {  	s10 =	stileid.u32;
	s11 =	rddreg [dreg:$0x0];
	s3 =	simm.s32 $0x1  }
0x3: {  	s5 =	rddreg [dreg:$0x1];
	s12 =	simm.s32 $0x0;
	s31 =	simm.s32 $0x4300  }
0x4: {  	s0 =	sand.u32 $0x1, s0;
	s2 =	sand.u32 $0x7, s10;
	[smem:$0x7FF] =	sst s12  }
0x5: {  	s7 =	sshll.u32 s10, $0x7;
	s13 =	sadd.s32 $0x200, s11;
	s16 =	sshll.u32 s10, $0xC  }
0x6: {  	s1 =	sshll.u32 s0, $0x4;
	p1 =	sne.s32 s2, $0x0;
	s6 =	sshll.u32 s2, $0x8  }
0x7: {  	_ =	strace $0x80000047;
	s8 =	sand.u32 $0x380, s7;
	s0 =	ssub.s32 $0x2, s0  }
0x8: {  	[dreg:$0x3] =	wrdreg s13;
	s18 =	sand.u32 $0x8000, s16;
	s20 =	sadd.s32 $0x80, s7  }
0x9: {  	s21 =	sshll.u32 s2, $0x9;
	s2 =	sshll.u32 s2, $0xC;
	s22 =	sadd.s32 $0x100, s7  }
0xa: {  	s24 =	sadd.s32 $0x180, s7;
	s28 =	sadd.s32 $0x280, s7;
	s29 =	sadd.s32 $0x300, s7  }
0xb: {  	s7 =	sadd.s32 $0x380, s7;
	s1 =	sor.u32 s10, s1;
	s9 =	sshrl.u32 s0, $0x1  }
0xc: {  	s19 =	sadd.s32 s18, s5;
	s5 =	sand.u32 $0x380, s20;
	s23 =	sand.u32 $0x380, s22  }
0xd: {  	s7 =	sand.u32 $0x380, s7;
	s22 =	sor.u32 $0x70, s21;
	p0 =	seq.s32 s1, $0x0  }
0xe: {  	s4 =	sshrl.u32 s1, $0x3;
	s1 =	sshll.u32 s1, $0x7;
	s0 =	ssub.s32 s0, s9  }
0xf: {  	s5 =	sadd.s32 s5, s19;
	s9 =	sand.u32 $0x380, s24;
	s24 =	simm.s32 $0x5680  }
0x10: {  	p0 =	por !p1, !p0;
	s1 =	sand.u32 $0xC00, s1;
	s5 =	sadd.s32 s2, s5  }
0x11: {  	s25 =	sadd.s32 s9, s19;
	s0 =	smax.u32 s0, $0x1;
	p0 =	por !p0, !p0  }
0x12: {  	s1 =	sor.u32 s8, s1;
	[dreg:$0xa] =	wrdreg s5;
	s5 =	sadd.s32 s23, s19  }
0x13: {  	[dreg:$0x12] =	wrdreg s0;
	s23 =	sadd.s32 $0x6740, s21;
	s3 =	simm.s32 @!p0 $0x0  }
0x14: {  	s1 =	sshrl.u32 s1, $0x3;
	s5 =	sadd.s32 s2, s5;
	s3 =	ssub.s32 s4, s3  }
0x15: {  	s1 =	sadd.s32 s1, s11;
	[dreg:$0xb] =	wrdreg s5;
	s5 =	sadd.s32 s2, s25  }
0x16: {  	s4 =	sshll.u32 s3, $0xB;
	s3 =	sshll.u32 s3, $0x9;
	[dreg:$0xc] =	wrdreg s5  }
0x17: {  	s5 =	sand.u32 $0x380, s28;
	s1 =	sadd.s32 $0x2000, s1;
	s6 =	sor.u32 s6, s4  }
0x18: {  	s3 =	sand.u32 $0x1FFFFE00, s3;
	s5 =	sadd.s32 s5, s19;
	[dreg:$0x11] =	wrdreg s1  }
0x19: {  	s6 =	sshrl.u32 s6, $0x3;
	s3 =	sadd.s32 s3, s11;
	s5 =	sadd.s32 s2, s5  }
0x1a: {  	s6 =	sadd.s32 s6, s11;
	s17 =	sadd.s32 $0x800, s3;
	[dreg:$0xe] =	wrdreg s5  }
0x1b: {  	s3 =	sadd.s32 $0x1000, s3;
	s14 =	sadd.s32 $0x1C00, s6;
	[dreg:$0x7] =	wrdreg s17  }
0x1c: {  	s15 =	sadd.s32 $0x1800, s6;
	s6 =	sadd.s32 $0x400, s6;
	[dreg:$0x8] =	wrdreg s3  }
0x1d: {  	[dreg:$0x6] =	wrdreg s6;
	s6 =	sadd.s32 s8, s19;
	s8 =	sxor.u32 $0x200, s8  }
0x1e: {  	s0 =	simm.s32 $0x4600;
	[dreg:$0x4] =	wrdreg s14;
	s8 =	sadd.s32 s8, s19  }
0x1f: {  	[dreg:$0x5] =	wrdreg s15;
	s26 =	sadd.s32 s2, s8;
	s8 =	sand.u32 $0x380, s29  }
0x20: {  	s4 =	simm.s32 $0x1;
	[dreg:$0x9] =	wrdreg s6;
	s30 =	sadd.s32 s8, s19  }
0x21: {  	s3 =	sadd.s32 s7, s19;
	[dreg:$0xd] =	wrdreg s26;
	s5 =	sadd.s32 s2, s30  }
0x22: {  	s1 =	simm.s32 $0x4480;
	s2 =	sadd.s32 s2, s3;
	[dreg:$0xf] =	wrdreg s5  }
0x23: {  	v62 =	vimm.s32 $0x0;
	s19 =	sadd.s32 $0x6700, s21;
	s3 =	simm.s32 $0x0;
	[dreg:$0x10] =	wrdreg s2  }
.LBB2_1:
0x24: {  	[dreg:$0x13] =	wrdreg s3  }
0x25: {  	s2 =	rddreg [dreg:$0x4]  }
0x26: {  	[tilespmem:s12], [sflag:$0x1] =	stream.linear.gather [hbm4b:s2+s12], $0x100, $0x38;
	[tilespmem:$0x9780] =	vst v63  }
0x27: {  	s10 =	rddreg [dreg:$0x5];
	s11 =	simm.s32 $0x100  }
0x28: {  	[tilespmem:s11], [sflag:$0x1] =	stream.linear.gather [hbm4b:s10+s12], $0x100, $0x38;
	[tilespmem:$0x9780] =	vst v63  }
0x29: {  	s13 =	rddreg [dreg:$0x6];
	s14 =	simm.s32 $0x200  }
0x2a: {  	[tilespmem:s14], [sflag:$0x1] =	stream.linear.gather [hbm4b:s13+s12], $0x100, $0x38;
	[tilespmem:$0x9780] =	vst v63  }
0x2b: {  	s15 =	rddreg [dreg:$0x7];
	s16 =	simm.s32 $0x300  }
0x2c: {  	[tilespmem:s16], [sflag:$0x1] =	stream.linear.gather [hbm4b:s15+s12], $0x1000, $0x38;
	[tilespmem:$0x9780] =	vst v63  }
0x2d: {  	s17 =	rddreg [dreg:$0x8];
	s18 =	simm.s32 $0x1300  }
0x2e: {  	[tilespmem:s18], [sflag:$0x1] =	stream.linear.gather [hbm4b:s17+s12], $0x1000, $0x38;
	[tilespmem:$0x9780] =	vst v63  }
0x2f: {  	s20 =	rddreg [dreg:$0x3];
	s21 =	simm.s32 $0x2300  }
0x30: {  	[tilespmem:s21], [sflag:$0x1] =	stream.linear.gather [hbm4b:s20+s12], $0x1000, $0x38;
	[tilespmem:$0x9780] =	vst v63  }
0x31: {  	s25 =	rddreg [dreg:$0x0];
	s26 =	simm.s32 $0x3300  }
0x32: {  	[tilespmem:s26], [sflag:$0x1] =	stream.linear.gather [hbm4b:s25+s12], $0x1000, $0x38;
	[tilespmem:$0x9780] =	vst v63  }
0x33: {  	_ =	swait.ge [sflag:s4], $0x100  }
0x34: {  	[sflag:s4] =	ssyncset.done $0x0  }
0x35: {  	[sflag:s4] =	ssyncadd.s32 $0xFFFFFF00  }
0x36: {  	_ =	swait.ge [sflag:s4], $0x100  }
0x37: {  	[sflag:s4] =	ssyncset.done $0x0  }
0x38: {  	[sflag:s4] =	ssyncadd.s32 $0xFFFFFF00  }
0x39: {  	_ =	swait.ge [sflag:s4], $0x100  }
0x3a: {  	[sflag:s4] =	ssyncset.done $0x0  }
0x3b: {  	[sflag:s4] =	ssyncadd.s32 $0xFFFFFF00  }
0x3c: {  	_ =	swait.ge [sflag:s4], $0x1000  }
0x3d: {  	[sflag:s4] =	ssyncset.done $0x0  }
0x3e: {  	[sflag:s4] =	ssyncadd.s32 $0xFFFFF000  }
0x3f: {  	_ =	swait.ge [sflag:s4], $0x1000  }
0x40: {  	[sflag:s4] =	ssyncset.done $0x0  }
0x41: {  	[sflag:s4] =	ssyncadd.s32 $0xFFFFF000  }
0x42: {  	_ =	swait.ge [sflag:s4], $0x1000  }
0x43: {  	[sflag:s4] =	ssyncset.done $0x0  }
0x44: {  	[sflag:s4] =	ssyncadd.s32 $0xFFFFF000  }
0x45: {  	_ =	swait.ge [sflag:s4], $0x1000  }
0x46: {  	[sflag:s4] =	ssyncset.done $0x0  }
0x47: {  	s28 =	simm.s32 $0x220;
	[sflag:s4] =	ssyncadd.s32 $0xFFFFF000  }
0x48: {  	v4 =	vld [tilespmem:s28+$0xFFFFFFE0]  }
0x49: {  	v5 =	vld [tilespmem:s28+$0xFFFFFFF0]  }
0x4a: {  	v6 =	vld [tilespmem:s28+$0x0]  }
0x4b: {  	v7 =	vld [tilespmem:s28+$0x10];
	_ =	sdelay $0x1  }
0x4c: {  	vm0 =	vgt.f32 v4, $5.000000000e-01  }
0x4d: {  	vm2 =	vgt.f32 v5, $5.000000000e-01;
	v4 =	vsel vm0, $0x1, v62  }
0x4e: {  	vm1 =	vgt.f32 v6, $5.000000000e-01;
	v5 =	vsel vm2, $0x1, v62;
	(xrf0) =	vadd.scan.msk.s32 $0xffff, v4  }
0x4f: {  	vm3 =	vgt.f32 v7, $5.000000000e-01;
	v4 =	vsel vm1, $0x1, v62;
	(xrf0) =	vadd.scan.msk.s32 $0xffff, v5  }
0x50: {  	v5 =	vsel vm3, $0x1, v62;
	(xrf0) =	vadd.scan.msk.s32 $0xffff, v4  }
0x51: {  	(xrf0) =	vadd.scan.msk.s32 $0xffff, v5;
	_ =	sdelay $0x2  }
0x52: {  	v7, _, _ =	vpop (xrf0)  }
0x53: {  	(v2sf) =	vpush v7, $0xF;
	v4, _, _ =	vpop (xrf0)  }
0x54: {  	(v2sf) =	vpush v4, $0xF;
	v5, _, _ =	vpop (xrf0)  }
0x55: {  	s29 =	simm.s32 $0x260;
	(v2sf) =	vpush v5, $0xF;
	v6, _, _ =	vpop (xrf0)  }
0x56: {  	v8 =	vld [tilespmem:s29+$0xFFFFFFE0];
	(v2sf) =	vpush v6, $0xF  }
0x57: {  	v9 =	vld [tilespmem:s29+$0xFFFFFFF0]  }
0x58: {  	v10 =	vld [tilespmem:s29+$0x0]  }
0x59: {  	v11 =	vmov s12;
	v12 =	vld [tilespmem:s29+$0x10]  }
0x5a: {  	v11 =	vadd.s32 $0xFFFFFFFF, v11  }
0x5b: {  	v11 =	vbroadcast v11, $0x0;
	vm8 =	vgt.f32 v8, $5.000000000e-01  }
0x5c: {  	s3 =	simm.s32 $0x20;
	vm6 =	vgt.f32 v9, $5.000000000e-01;
	vm0 =	vmmov vm0;
	v8 =	vsel vm8, $0x1, v62  }
0x5d: {  	vm10 =	vgt.f32 v10, $5.000000000e-01;
	v9 =	vsel vm6, $0x1, v62;
	(xrf0) =	vadd.scan.msk.s32 $0xffff, v8;
	v14 =	vadd.s32 v7, v11;
	v7 =	vld [tilespmem:s3+$0xFFFFFFE0]  }
0x5e: {  	vm5 =	vgt.f32 v12, $5.000000000e-01;
	v8 =	vsel vm10, $0x1, v62;
	(xrf0) =	vadd.scan.msk.s32 $0xffff, v9  }
0x5f: {  	v9 =	vsel vm5, $0x1, v62;
	(xrf0) =	vadd.scan.msk.s32 $0xffff, v8  }
0x60: {  	(xrf0) =	vadd.scan.msk.s32 $0xffff, v9;
	_ =	sdelay $0x1  }
0x61: {  	s2 =	simm.s32 $0x120;
	vm9 =	vmmov vm2;
	[tilespmem:v14+s31+$0x0] =	vst.idx.msk vm0, v7;
	s5 =	spop (v2sf)  }
0x62: {  	vm7 =	vmmov vm1;
	vm2 =	vmmov vm3;
	vm4 =	vmmov vm1;
	v9, _, _ =	vpop (xrf0);
	v15 =	vld [tilespmem:s2+$0xFFFFFFE0];
	s5 =	sadd.s32 $0x0, s5;
	s6 =	spop (v2sf)  }
0x63: {  	vm3 =	vmmov vm2;
	v7, _, _ =	vpop (xrf0);
	(v2sf) =	vpush v9, $0xF;
	v10 =	vmov s5;
	s5 =	sadd.s32 s5, s6;
	s30 =	spop (v2sf)  }
0x64: {  	v8, _, _ =	vpop (xrf0);
	(v2sf) =	vpush v7, $0xF;
	v12 =	vadd.s32 $0xFFFFFFFF, v10;
	v10 =	vmov s5;
	s6 =	sadd.s32 s5, s30;
	s7 =	spop (v2sf)  }
0x65: {  	v11, _, _ =	vpop (xrf0);
	s5 =	simm.s32 $0x2A0;
	(v2sf) =	vpush v8, $0xF;
	v16 =	vadd.s32 $0xFFFFFFFF, v10;
	v17 =	vmov s6;
	v10 =	vld [tilespmem:s3+$0x10];
	s6 =	sadd.s32 s6, s7  }
0x66: {  	v13 =	vld [tilespmem:s5+$0xFFFFFFE0];
	(v2sf) =	vpush v11, $0xF;
	v18 =	vmov s6;
	v19 =	vadd.s32 $0xFFFFFFFF, v17  }
0x67: {  	[tilespmem:v14+s1+$0x0] =	vst.idx.msk vm0, v15;
	s7 =	simm.s32 $0x8;
	v14 =	vld [tilespmem:s5+$0xFFFFFFF0];
	v15 =	vbroadcast v16, $0x0;
	v17 =	vadd.s32 $0xFFFFFFFF, v18;
	v16 =	vbroadcast v19, $0x0  }
.LBB2_2:
0x68: {  	vm11 =	vmmov vm10  }
0x69: {  	s7 =	sadd.s32 $0x4, s7;
	v17 =	vbroadcast v17, $0x0;
	v12 =	vbroadcast v12, $0x0;
	vm0 =	vmmov vm8;
	v18 =	vld [tilespmem:s5+$0x0]  }
0x6a: {  	vm1 =	vmmov vm9;
	p0 =	slt.u32 s7, $0xC;
	v15 =	vadd.s32 v5, v15;
	v16 =	vadd.s32 v6, v16;
	v5 =	vmovc v8;
	v6 =	vmovc v11;
	v19 =	vld [tilespmem:s5+$0x10]  }
0x6b: {  	vm9 =	vmmov vm6;
	v17 =	vadd.s32 v9, v17;
	v20 =	vadd.s32 v4, v12;
	v4 =	vmovc v7;
	v8 =	vld [tilespmem:s3+$0x0]  }
0x6c: {  	vm2 =	vmmov vm7;
	vm7 =	vmmov vm10;
	vm8 =	vgt.f32 v13, $5.000000000e-01;
	v7 =	vld [tilespmem:s3+$0xFFFFFFF0];
	s3 =	sadd.s32 $0x40, s3  }
0x6d: {  	vm12 =	vmmov vm5;
	v9 =	vsel vm8, $0x1, v62;
	vm6 =	vgt.f32 v14, $5.000000000e-01;
	v11 =	vld [tilespmem:s3+$0xFFFFFFE0]  }
0x6e: {  	v12 =	vsel vm6, $0x1, v62;
	vm10 =	vgt.f32 v18, $5.000000000e-01;
	(xrf0) =	vadd.scan.msk.s32 $0xffff, v9  }
0x6f: {  	v9 =	vsel vm10, $0x1, v62;
	vm5 =	vgt.f32 v19, $5.000000000e-01;
	(xrf0) =	vadd.scan.msk.s32 $0xffff, v12;
	[tilespmem:v16+s31+$0x0] =	vst.idx.msk vm3, v10  }
0x70: {  	v10 =	vsel vm5, $0x1, v62;
	(xrf0) =	vadd.scan.msk.s32 $0xffff, v9;
	[tilespmem:v15+s31+$0x0] =	vst.idx.msk vm4, v8;
	v8 =	vld [tilespmem:s2+$0x10];
	vm4 =	vmmov vm11  }
0x71: {  	(xrf0) =	vadd.scan.msk.s32 $0xffff, v10;
	[tilespmem:v20+s31+$0x0] =	vst.idx.msk vm1, v7;
	v10 =	vld [tilespmem:s2+$0x0]  }
0x72: {  	[tilespmem:v17+s31+$0x0] =	vst.idx.msk vm0, v11;
	v13 =	vld [tilespmem:s2+$0xFFFFFFF0];
	s2 =	sadd.s32 $0x40, s2  }
0x73: {  	v14 =	vld [tilespmem:s2+$0xFFFFFFE0];
	s8 =	spop (v2sf)  }
0x74: {  	v9, _, _ =	vpop (xrf0);
	s6 =	sadd.s32 s6, s8;
	s8 =	spop (v2sf)  }
.Ltmp0:
0x75: {  	(v2sf) =	vpush v9, $0xF;
	v7, _, _ =	vpop (xrf0);
	v0 =	vmov s6;
	s6 =	sadd.s32 s6, s8;
	s8 =	spop (v2sf);
	[tilespmem:v16+s1+$0x0] =	vst.idx.msk vm3, v8;
	vm3 =	vmmov vm12;
	(pc) =	sbr.rel @p0 .LBB2_2-.Ltmp0, $4  }
0x76: {  	(v2sf) =	vpush v7, $0xF;
	v8, _, _ =	vpop (xrf0);
	v12 =	vadd.s32 $0xFFFFFFFF, v0;
	v16 =	vmov s6;
	s6 =	sadd.s32 s6, s8;
	s8 =	spop (v2sf);
	[tilespmem:v15+s1+$0x0] =	vst.idx.msk vm2, v10  }
0x77: {  	s5 =	sadd.s32 $0x40, s5;
	(v2sf) =	vpush v8, $0xF;
	v11, _, _ =	vpop (xrf0);
	v15 =	vadd.s32 $0xFFFFFFFF, v16;
	v16 =	vmov s6;
	v10 =	vld [tilespmem:s3+$0x10];
	s6 =	sadd.s32 s6, s8;
	[tilespmem:v20+s1+$0x0] =	vst.idx.msk vm1, v13  }
0x78: {  	v13 =	vld [tilespmem:s5+$0xFFFFFFE0];
	v18 =	vmov s6;
	(v2sf) =	vpush v11, $0xF;
	[tilespmem:v17+s1+$0x0] =	vst.idx.msk vm0, v14;
	v16 =	vadd.s32 $0xFFFFFFFF, v16  }
0x79: {  	v15 =	vbroadcast v15, $0x0;
	v14 =	vld [tilespmem:s5+$0xFFFFFFF0];
	v17 =	vadd.s32 $0xFFFFFFFF, v18;
	v16 =	vbroadcast v16, $0x0  }
0x7a: {  	v18 =	vld [tilespmem:s5+$0x0];
	_ =	sdelay $0x2  }
0x7b: {  	vm12 =	vgt.f32 v13, $5.000000000e-01  }
0x7c: {  	v13 =	vsel vm12, $0x1, v62;
	vm0 =	vgt.f32 v14, $5.000000000e-01  }
0x7d: {  	v14 =	vsel vm0, $0x1, v62;
	vm11 =	vgt.f32 v18, $5.000000000e-01;
	(xrf0) =	vadd.scan.msk.s32 $0xffff, v13  }
0x7e: {  	v13 =	vsel vm11, $0x1, v62;
	(xrf0) =	vadd.scan.msk.s32 $0xffff, v14  }
0x7f: {  	(xrf0) =	vadd.scan.msk.s32 $0xffff, v13;
	_ =	sdelay $0x3  }
0x80: {  	v13, _, _ =	vpop (xrf0)  }
0x81: {  	(v2sf) =	vpush v13, $0xF;
	v14, _, _ =	vpop (xrf0)  }
0x82: {  	v19 =	vld [tilespmem:s5+$0x10];
	(v2sf) =	vpush v14, $0xF;
	v18, _, _ =	vpop (xrf0)  }
0x83: {  	(v2sf) =	vpush v18, $0xF  }
0x84: {  	v6 =	vadd.s32 v6, v16  }
0x85: {  	v5 =	vadd.s32 v5, v15;
	v15 =	vld [tilespmem:s3+$0x0]  }
0x86: {  	v17 =	vbroadcast v17, $0x0;
	v12 =	vbroadcast v12, $0x0  }
0x87: {  	vm1 =	vmmov vm8;
	vm8 =	vmmov vm9;
	vm13 =	vgt.f32 v19, $5.000000000e-01;
	s17 =	spop (v2sf)  }
0x88: {  	s20 =	sadd.s32 $0x40, s3;
	v4 =	vadd.s32 v4, v12;
	v12 =	vld [tilespmem:s3+$0xFFFFFFF0];
	v16 =	vsel vm13, $0x1, v62;
	s7 =	spop (v2sf);
	s5 =	sadd.s32 s6, s17  }
0x89: {  	v9 =	vadd.s32 v9, v17;
	[tilespmem:v6+s31+$0x0] =	vst.idx.msk vm3, v10;
	(xrf0) =	vadd.scan.msk.s32 $0xffff, v16;
	v16 =	vld [tilespmem:s20+$0xFFFFFFE0];
	s18 =	spop (v2sf);
	s7 =	sadd.s32 s5, s7  }
0x8a: {  	vm7 =	vmmov vm7;
	[tilespmem:v5+s31+$0x0] =	vst.idx.msk vm4, v15;
	v15 =	vld [tilespmem:s2+$0x10];
	s6 =	sadd.s32 s7, s18  }
0x8b: {  	vm9 =	vmmov vm6;
	vm2 =	vmmov vm5;
	v21 =	vld [tilespmem:s2+$0x0];
	v17 =	vmov s6  }
0x8c: {  	vm2 =	vmmov vm2;
	v10 =	vmov s5;
	s8 =	spop (v2sf);
	v17 =	vadd.s32 $0xFFFFFFFF, v17  }
0x8d: {  	[tilespmem:v4+s31+$0x0] =	vst.idx.msk vm8, v12;
	v19 =	vmov s7;
	v10 =	vadd.s32 $0xFFFFFFFF, v10;
	s21 =	sadd.s32 s6, s8;
	v17 =	vbroadcast v17, $0x0  }
0x8e: {  	[tilespmem:v9+s31+$0x0] =	vst.idx.msk vm1, v16;
	v16 =	vld [tilespmem:s2+$0xFFFFFFF0];
	v19 =	vadd.s32 $0xFFFFFFFF, v19;
	v10 =	vbroadcast v10, $0x0;
	v20 =	vmov s21  }
0x8f: {  	v22 =	vld [tilespmem:s20+$0x10];
	[tilespmem:v6+s1+$0x0] =	vst.idx.msk vm3, v15;
	v19 =	vbroadcast v19, $0x0;
	v20 =	vadd.s32 $0xFFFFFFFF, v20;
	v11 =	vadd.s32 v11, v17  }
0x90: {  	vm6 =	vmmov vm10;
	[tilespmem:v5+s1+$0x0] =	vst.idx.msk vm7, v21;
	v5 =	vld [tilespmem:s20+$0xFFFFFFF0];
	v6 =	vadd.s32 v7, v10;
	v20 =	vbroadcast v20, $0x0;
	s25 =	spop (v2sf)  }
0x91: {  	vm0 =	vmmov vm0;
	v7 =	vld [tilespmem:s20+$0x0];
	v8 =	vadd.s32 v8, v19;
	s5 =	sadd.s32 s21, s25;
	s26 =	spop (v2sf)  }
0x92: {  	s29 =	sadd.s32 $0x40, s2;
	vm0 =	vmmov vm0;
	v12, _, _ =	vpop (xrf0);
	v13 =	vadd.s32 v13, v20;
	s6 =	sadd.s32 s5, s26;
	s30 =	spop (v2sf);
	v20 =	vmov s5  }
0x93: {  	s3 =	sadd.s32 $0x40, s20;
	v17 =	vld [tilespmem:s29+$0xFFFFFFE0];
	[tilespmem:v4+s1+$0x0] =	vst.idx.msk vm8, v16;
	(v2sf) =	vpush v12, $0xF;
	s7 =	sadd.s32 s6, s30;
	v15 =	vmov s6;
	v16 =	vadd.s32 $0xFFFFFFFF, v20  }
0x94: {  	v19 =	vld [tilespmem:s3+$0xFFFFFFE0];
	[tilespmem:v11+s31+$0x0] =	vst.idx.msk vm2, v22;
	v10 =	vmov s7;
	v15 =	vadd.s32 $0xFFFFFFFF, v15;
	v16 =	vbroadcast v16, $0x0  }
0x95: {  	vm3 =	vmmov vm13;
	[tilespmem:v6+s31+$0x0] =	vst.idx.msk vm9, v5;
	v4 =	vld [tilespmem:s29+$0x10];
	v10 =	vadd.s32 $0xFFFFFFFF, v10;
	v15 =	vbroadcast v15, $0x0  }
0x96: {  	[tilespmem:v8+s31+$0x0] =	vst.idx.msk vm6, v7;
	vm6 =	vmmov vm6;
	v10 =	vbroadcast v10, $0x0;
	v5 =	vadd.s32 v14, v16;
	v14 =	vld [tilespmem:s3+$0xFFFFFFF0]  }
0x97: {  	vm3 =	vmmov vm3;
	v7 =	vadd.s32 v18, v15;
	v15 =	vld [tilespmem:s29+$0x0]  }
0x98: {  	[tilespmem:v9+s1+$0x0] =	vst.idx.msk vm1, v17;
	v9 =	vld [tilespmem:s3+$0x10];
	v10 =	vadd.s32 v12, v10  }
0x99: {  	[tilespmem:v13+s31+$0x0] =	vst.idx.msk vm12, v19;
	v12 =	vld [tilespmem:s3+$0x0]  }
0x9a: {  	vm4 =	vmmov vm12;
	s2 =	sadd.s32 $0x40, s29;
	[tilespmem:v11+s1+$0x0] =	vst.idx.msk vm2, v4  }
0x9b: {  	v4 =	vld [tilespmem:s2+$0xFFFFFFE0];
	[tilespmem:v5+s31+$0x0] =	vst.idx.msk vm0, v14  }
0x9c: {  	v16 =	vld [tilespmem:s29+$0xFFFFFFF0];
	[tilespmem:v8+s1+$0x0] =	vst.idx.msk vm6, v15  }
0x9d: {  	v8 =	vld [tilespmem:s2+$0xFFFFFFF0];
	[tilespmem:v10+s31+$0x0] =	vst.idx.msk vm3, v9  }
0x9e: {  	vm1 =	vmmov vm11;
	[tilespmem:v7+s31+$0x0] =	vst.idx.msk vm11, v12;
	v9 =	vld [tilespmem:s2+$0x10]  }
0x9f: {  	v11 =	vld [tilespmem:s2+$0x0]  }
0xa0: {  	[tilespmem:v13+s1+$0x0] =	vst.idx.msk vm4, v4  }
0xa1: {  	[tilespmem:v6+s1+$0x0] =	vst.idx.msk vm9, v16  }
0xa2: {  	[tilespmem:v5+s1+$0x0] =	vst.idx.msk vm0, v8  }
0xa3: {  	s6 =	spop (v2sf);
	[tilespmem:v10+s1+$0x0] =	vst.idx.msk vm3, v9  }
0xa4: {  	v0 =	vimm.f32 $2.000000000e+05;
	s28 =	sadd.s32 s7, s6;
	[tilespmem:v7+s1+$0x0] =	vst.idx.msk vm1, v11  }
0xa5: {  	[tilespmem:s28+$0x4300] =	vst v0  }
0xa6: {  	s8 =	simm.s32 $0x320;
	[tilespmem:s28+$0x4480] =	vst v0  }
0xa7: {  	s9 =	simm.s32 $0x1320;
	v7 =	vld [tilespmem:s8+$0xFFFFFFE0]  }
0xa8: {  	v8 =	vld [tilespmem:s9+$0xFFFFFFE0]  }
0xa9: {  	v4 =	vld [tilespmem:s8+$0x10]  }
0xaa: {  	v5 =	vld [tilespmem:s8+$0x0]  }
0xab: {  	v6 =	vld [tilespmem:s8+$0xFFFFFFF0]  }
0xac: {  	v9 =	vld [tilespmem:s9+$0xFFFFFFF0]  }
0xad: {  	vm2 =	vmmov vm1;
	v10 =	vld [tilespmem:s9+$0x0];
	vm0 =	vgt.f32 v7, $5.000000000e-01;
	vm1 =	vgt.s32 v8, $0x0  }
0xae: {  	v11 =	vld [tilespmem:s9+$0x10];
	vm0 =	vmand vm0, vm1  }
0xaf: {  	vm3 =	vgt.f32 v4, $5.000000000e-01;
	v4 =	vsel vm0, $0x1, v62  }
0xb0: {  	(xrf0) =	vadd.scan.msk.s32 $0xffff, v4  }
0xb1: {  	vm5 =	vmmov vm9;
	vm4 =	vgt.s32 v9, $0x0;
	vm1 =	vgt.f32 v6, $5.000000000e-01  }
0xb2: {  	vm2 =	vgt.f32 v5, $5.000000000e-01;
	vm1 =	vmand vm1, vm4;
	vm4 =	vgt.s32 v10, $0x0  }
0xb3: {  	v5 =	vsel vm1, $0x1, v62;
	vm2 =	vmand vm2, vm4;
	vm4 =	vgt.s32 v11, $0x0  }
0xb4: {  	s11 =	simm.s32 $0x1360;
	v4 =	vsel vm2, $0x1, v62;
	vm5 =	vmand vm3, vm4;
	(xrf0) =	vadd.scan.msk.s32 $0xffff, v5  }
0xb5: {  	v13 =	vld [tilespmem:s11+$0xFFFFFFF0];
	v5 =	vsel vm5, $0x1, v62;
	(xrf0) =	vadd.scan.msk.s32 $0xffff, v4  }
0xb6: {  	s10 =	simm.s32 $0x360;
	v14 =	vld [tilespmem:s11+$0x0];
	(xrf0) =	vadd.scan.msk.s32 $0xffff, v5;
	v6, _, _ =	vpop (xrf0)  }
0xb7: {  	v9 =	vld [tilespmem:s10+$0xFFFFFFE0];
	(v2sf) =	vpush v6, $0xF  }
0xb8: {  	v11 =	vld [tilespmem:s11+$0xFFFFFFE0]  }
0xb9: {  	v7 =	vld [tilespmem:s10+$0xFFFFFFF0]  }
0xba: {  	v4 =	vld [tilespmem:s10+$0x10];
	v8, _, _ =	vpop (xrf0)  }
0xbb: {  	v5 =	vld [tilespmem:s10+$0x0];
	(v2sf) =	vpush v8, $0xF;
	v10, _, _ =	vpop (xrf0)  }
0xbc: {  	(v2sf) =	vpush v10, $0xF;
	v12, _, _ =	vpop (xrf0)  }
0xbd: {  	v15 =	vld [tilespmem:s11+$0x10];
	vm3 =	vgt.f32 v9, $5.000000000e-01;
	vm4 =	vgt.s32 v11, $0x0;
	(v2sf) =	vpush v12, $0xF  }
0xbe: {  	vm8 =	vmand vm3, vm4;
	vm3 =	vgt.f32 v7, $5.000000000e-01  }
0xbf: {  	vm4 =	vgt.s32 v13, $0x0;
	vm6 =	vgt.f32 v4, $5.000000000e-01;
	v4 =	vsel vm8, $0x1, v62  }
0xc0: {  	s18 =	simm.s32 $0x13A0;
	vm3 =	vmand vm3, vm4;
	vm4 =	vgt.s32 v14, $0x0;
	vm7 =	vgt.f32 v5, $5.000000000e-01  }
0xc1: {  	s12 =	simm.s32 $0x0;
	s14 =	simm.s32 $0x3A0;
	v19 =	vld [tilespmem:s18+$0xFFFFFFE0];
	v5 =	vsel vm3, $0x1, v62;
	(xrf0) =	vadd.scan.msk.s32 $0xffff, v4;
	vm4 =	vmand vm7, vm4  }
0xc2: {  	v16 =	vld [tilespmem:s14+$0xFFFFFFE0];
	vm7 =	vgt.s32 v15, $0x0;
	(xrf0) =	vadd.scan.msk.s32 $0xffff, v5;
	v5 =	vmov s12;
	v4 =	vsel vm4, $0x1, v62  }
0xc3: {  	vm6 =	vmand vm6, vm7;
	(xrf0) =	vadd.scan.msk.s32 $0xffff, v4;
	v4 =	vadd.s32 $0xFFFFFFFF, v5  }
0xc4: {  	v11 =	vld [tilespmem:s14+$0x10];
	v7 =	vsel vm6, $0x1, v62;
	v4 =	vbroadcast v4, $0x0  }
0xc5: {  	v63 =	vimm.s32 $0x0;
	(xrf0) =	vadd.scan.msk.s32 $0xffff, v7  }
0xc6: {  	s13 =	simm.s32 $0x2320;
	vm9 =	vgt.s32 v19, $0x0;
	vm0 =	vmmov vm0;
	v13 =	vadd.s32 v6, v4;
	v6 =	vld [tilespmem:s14+$0x0];
	s15 =	spop (v2sf)  }
0xc7: {  	vm10 =	vmmov vm0;
	v9 =	vld [tilespmem:s13+$0xFFFFFFE0];
	vm15 =	vmmov vm8;
	vm8 =	vgt.f32 v16, $5.000000000e-01;
	v14, _, _ =	vpop (xrf0);
	s3 =	sadd.s32 $0x0, s15  }
0xc8: {  	v15 =	vld [tilespmem:s14+$0xFFFFFFF0];
	vm7 =	vmmov vm1;
	(v2sf) =	vpush v14, $0xF;
	v7 =	vmov s3  }
0xc9: {  	v21 =	vld [tilespmem:s18+$0xFFFFFFF0];
	vm1 =	vmmov vm2;
	vm2 =	vmmov vm5;
	vm5 =	vgt.f32 v11, $5.000000000e-01;
	v4, _, _ =	vpop (xrf0)  }
0xca: {  	vm1 =	vmmov vm1;
	vm2 =	vmmov vm2;
	v5, _, _ =	vpop (xrf0);
	s16 =	spop (v2sf);
	(v2sf) =	vpush v4, $0xF  }
0xcb: {  	v23 =	vld [tilespmem:s18+$0x0];
	vm11 =	vgt.f32 v6, $5.000000000e-01;
	s3 =	sadd.s32 s3, s16;
	s17 =	spop (v2sf);
	(v2sf) =	vpush v5, $0xF;
	v17 =	vadd.s32 $0xFFFFFFFF, v7;
	v7, _, _ =	vpop (xrf0)  }
0xcc: {  	[tilespmem:v13+s0+$0x0] =	vst.idx.msk vm0, v9;
	vm0 =	vmand vm8, vm9;
	v18 =	vmov s3;
	s3 =	sadd.s32 s3, s17;
	s20 =	spop (v2sf);
	(v2sf) =	vpush v7, $0xF  }
0xcd: {  	v24 =	vld [tilespmem:s18+$0x10];
	vm8 =	vgt.f32 v15, $5.000000000e-01;
	v18 =	vadd.s32 $0xFFFFFFFF, v18;
	v20 =	vmov s3  }
0xce: {  	vm9 =	vgt.s32 v21, $0x0;
	v20 =	vadd.s32 $0xFFFFFFFF, v20;
	v18 =	vbroadcast v18, $0x0  }
0xcf: {  	v16 =	vld [tilespmem:s13+$0xFFFFFFF0];
	v6 =	vsel vm0, $0x1, v62;
	vm8 =	vmand vm8, vm9;
	v20 =	vbroadcast v20, $0x0  }
0xd0: {  	v11 =	vld [tilespmem:s13+$0x0];
	vm9 =	vgt.s32 v23, $0x0;
	v9 =	vsel vm8, $0x1, v62;
	s21 =	sadd.s32 s3, s20;
	v25 =	vadd.s32 v10, v18  }
0xd1: {  	vm13 =	vmand vm11, vm9;
	(xrf0) =	vadd.scan.msk.s32 $0xffff, v6;
	s3 =	simm.s32 $0x2360;
	v22 =	vmov s21;
	v10 =	vld [tilespmem:s13+$0x10];
	v20 =	vadd.s32 v12, v20  }
0xd2: {  	s2 =	simm.s32 $0x3320;
	vm9 =	vgt.s32 v24, $0x0;
	v17 =	vbroadcast v17, $0x0;
	(xrf0) =	vadd.scan.msk.s32 $0xffff, v9;
	v9 =	vld [tilespmem:s3+$0x10];
	v22 =	vadd.s32 $0xFFFFFFFF, v22  }
0xd3: {  	v15 =	vsel vm13, $0x1, v62;
	vm12 =	vmand vm5, vm9;
	v6 =	vbroadcast v22, $0x0;
	v12 =	vld [tilespmem:s2+$0xFFFFFFE0]  }
0xd4: {  	s6 =	simm.s32 $0x3E0;
	vm5 =	vmmov vm3;
	vm3 =	vmmov vm8;
	v8 =	vadd.s32 v8, v17;
	v18 =	vld [tilespmem:s3+$0xFFFFFFE0]  }
0xd5: {  	v17 =	vsel vm12, $0x1, v62;
	(xrf0) =	vadd.scan.msk.s32 $0xffff, v15;
	v6 =	vadd.s32 v14, v6;
	v14 =	vld [tilespmem:s6+$0x10];
	[tilespmem:v25+s0+$0x0] =	vst.idx.msk vm1, v11  }
0xd6: {  	v0 =	vsel vm3, $0xFFFFFFFF, v63;
	(xrf0) =	vadd.scan.msk.s32 $0xffff, v17;
	[tilespmem:v20+s0+$0x0] =	vst.idx.msk vm2, v10;
	v21 =	vld [tilespmem:s2+$0x0]  }
0xd7: {  	vm14 =	vmmov vm6;
	v19 =	vld [tilespmem:s2+$0x10];
	[tilespmem:$0x1FFF0] =	vst v0;
	s25 =	spop (v2sf)  }
0xd8: {  	vm11 =	vmmov vm4;
	vm4 =	vmmov vm15;
	vm9 =	vmmov vm7;
	[tilespmem:v13+s24+$0x0] =	vst.idx.msk vm10, v12;
	s5 =	sadd.s32 s21, s25  }
0xd9: {  	vm6 =	vmmov vm9;
	vm9 =	vmmov vm5;
	v11, _, _ =	vpop (xrf0);
	v15 =	vld [tilespmem:s6+$0x0];
	[tilespmem:v8+s0+$0x0] =	vst.idx.msk vm7, v16;
	s26 =	spop (v2sf);
	v13 =	vmov s5  }
0xda: {  	v10, _, _ =	vpop (xrf0);
	vm10 =	vmmov vm0;
	v16 =	vld [tilespmem:s6+$0xFFFFFFF0];
	(v2sf) =	vpush v11, $0xF;
	vm7 =	vmmov vm0;
	[tilespmem:v6+s0+$0x0] =	vst.idx.msk vm15, v18;
	s5 =	sadd.s32 s5, s26;
	s29 =	spop (v2sf)  }
0xdb: {  	s7 =	simm.s32 $0x13E0;
	v18 =	vld [tilespmem:s6+$0xFFFFFFE0];
	v12, _, _ =	vpop (xrf0);
	(v2sf) =	vpush v10, $0xF;
	v17 =	vadd.s32 $0xFFFFFFFF, v13;
	v22 =	vmov s5;
	s5 =	sadd.s32 s5, s29;
	[tilespmem:v25+s24+$0x0] =	vst.idx.msk vm1, v21;
	s30 =	spop (v2sf)  }
0xdc: {  	(v2sf) =	vpush v12, $0xF;
	v21 =	vld [tilespmem:s7+$0xFFFFFFF0];
	[tilespmem:v20+s24+$0x0] =	vst.idx.msk vm2, v19;
	v19 =	vadd.s32 $0xFFFFFFFF, v22;
	v23 =	vmov s5;
	v13, _, _ =	vpop (xrf0);
	s8 =	sadd.s32 s5, s30  }
0xdd: {  	s9 =	simm.s32 $0xC;
	v20 =	vld [tilespmem:s7+$0xFFFFFFE0];
	v23 =	vadd.s32 $0xFFFFFFFF, v23;
	(v2sf) =	vpush v13, $0xF;
	s5 =	simm.s32 $0x2360;
	v22 =	vmov s8  }
.LBB2_4:
0xde: {  	vm1 =	vmmov vm8;
	v22 =	vadd.s32 $0xFFFFFFFF, v22;
	v19 =	vbroadcast v19, $0x0  }
0xdf: {  	v23 =	vbroadcast v23, $0x0;
	vm15 =	vmmov vm11;
	vm11 =	vmmov vm13  }
0xe0: {  	v24 =	vld [tilespmem:s7+$0x0];
	vm0 =	vmmov vm14;
	v17 =	vbroadcast v17, $0x0;
	vm14 =	vmmov vm12  }
0xe1: {  	v25 =	vld [tilespmem:s7+$0x10];
	v22 =	vbroadcast v22, $0x0;
	v26 =	vadd.s32 v5, v19;
	v19 =	vadd.s32 v7, v23  }
0xe2: {  	v0 =	vld [tilespmem:$0x1FFF0];
	vm12 =	vgt.f32 v14, $5.000000000e-01;
	vm2 =	vgt.f32 v18, $5.000000000e-01;
	vm8 =	vgt.s32 v20, $0x0  }
0xe3: {  	v7 =	vmovc v13;
	v13 =	vld [tilespmem:s3+$0x0];
	vm3 =	vgt.s32 v21, $0x0;
	vm2 =	vmand vm2, vm8;
	vm8 =	vgt.f32 v16, $5.000000000e-01  }
0xe4: {  	v14 =	vld [tilespmem:s2+$0xFFFFFFF0];
	s2 =	sadd.s32 $0x40, s2;
	vm13 =	vgt.f32 v15, $5.000000000e-01;
	v20 =	vadd.s32 v11, v22;
	vm8 =	vmand vm8, vm3  }
0xe5: {  	v5 =	vmovc v12;
	s3 =	sadd.s32 $0x40, s3;
	v12 =	vld [tilespmem:s2+$0xFFFFFFE0];
	v15 =	vsel vm2, $0x1, v62;
	vm3 =	vgt.s32 v24, $0x0;
	v16 =	vsel vm8, $0x1, v62  }
0xe6: {  	v18 =	vld [tilespmem:s3+$0xFFFFFFE0];
	vm13 =	vmand vm13, vm3;
	vm3 =	vgt.s32 v25, $0x0;
	(xrf0) =	vadd.scan.msk.s32 $0xffff, v15;
	[tilespmem:v19+s0+$0x0] =	vst.idx.msk vm0, v9  }
0xe7: {  	v15 =	vsel vm13, $0x1, v62;
	vm12 =	vmand vm12, vm3;
	(xrf0) =	vadd.scan.msk.s32 $0xffff, v16;
	v16 =	vadd.s32 v4, v17;
	v17 =	vld [tilespmem:s5+$0xFFFFFFF0]  }
0xe8: {  	v4 =	vmov v10;
	v9 =	vld [tilespmem:s3+$0x10];
	v10 =	vsel vm12, $0x1, v62;
	(xrf0) =	vadd.scan.msk.s32 $0xffff, v15  }
0xe9: {  	[tilespmem:v26+s0+$0x0] =	vst.idx.msk vm15, v13;
	v13 =	vld [tilespmem:s2+$0x10];
	(xrf0) =	vadd.scan.msk.s32 $0xffff, v10  }
0xea: {  	s9 =	sadd.s32 $0x4, s9;
	s6 =	sadd.s32 $0x40, s6;
	v63 =	vimm.s32 $0x0;
	v21 =	vld [tilespmem:s2+$0x0];
	[tilespmem:v8+s24+$0x0] =	vst.idx.msk vm6, v14;
	vm6 =	vmmov vm9;
	vm3 =	vnez.u8 v0  }
0xeb: {  	p0 =	slt.u32 s9, $0xFC;
	v14 =	vld [tilespmem:s6+$0x10];
	v8 =	vmovc v16;
	vm9 =	vmmov vm3;
	vm3 =	vmmov vm8;
	[tilespmem:v6+s24+$0x0] =	vst.idx.msk vm4, v12;
	v6 =	vmovc v20;
	vm4 =	vmmov vm10;
	s10 =	spop (v2sf)  }
.Ltmp1:
0xec: {  	vm10 =	vmmov vm2;
	v15 =	vld [tilespmem:s6+$0x0];
	v0 =	vsel vm3, $0xFFFFFFFF, v63;
	[tilespmem:v20+s0+$0x0] =	vst.idx.msk vm7, v18;
	vm7 =	vmmov vm2;
	s8 =	sadd.s32 s8, s10;
	s26 =	spop (v2sf);
	v11, _, _ =	vpop (xrf0);
	(pc) =	sbr.rel @p0 .LBB2_4-.Ltmp1, $4  }
0xed: {  	s7 =	sadd.s32 $0x40, s7;
	v18 =	vld [tilespmem:s6+$0xFFFFFFE0];
	[tilespmem:v16+s0+$0x0] =	vst.idx.msk vm5, v17;
	vm5 =	vmmov vm1;
	v17 =	vmov s8;
	s8 =	sadd.s32 s8, s26;
	s29 =	spop (v2sf);
	(v2sf) =	vpush v11, $0xF;
	v10, _, _ =	vpop (xrf0)  }
0xee: {  	[tilespmem:$0x1FFF0] =	vst v0;
	v20 =	vld [tilespmem:s7+$0xFFFFFFE0];
	v17 =	vadd.s32 $0xFFFFFFFF, v17;
	v22 =	vmov s8;
	s8 =	sadd.s32 s8, s29;
	s30 =	spop (v2sf);
	(v2sf) =	vpush v10, $0xF;
	v12, _, _ =	vpop (xrf0)  }
0xef: {  	[tilespmem:v19+s24+$0x0] =	vst.idx.msk vm0, v13;
	v16 =	vld [tilespmem:s6+$0xFFFFFFF0];
	v19 =	vadd.s32 $0xFFFFFFFF, v22;
	v23 =	vmov s8;
	s8 =	sadd.s32 s8, s30;
	(v2sf) =	vpush v12, $0xF;
	v13, _, _ =	vpop (xrf0)  }
0xf0: {  	s5 =	smov.u32 s3;
	[tilespmem:v26+s24+$0x0] =	vst.idx.msk vm15, v21;
	v21 =	vld [tilespmem:s7+$0xFFFFFFF0];
	v22 =	vmov s8;
	v23 =	vadd.s32 $0xFFFFFFFF, v23;
	(v2sf) =	vpush v13, $0xF  }
0xf1: {  	_ = 	snop  }
0xf2: {  	v24 =	vld [tilespmem:s7+$0x0]  }
0xf3: {  	vm0 =	vgt.f32 v18, $5.000000000e-01;
	vm1 =	vgt.s32 v20, $0x0  }
0xf4: {  	v59 =	vld [tilespmem:s7+$0x10];
	vm1 =	vmand vm0, vm1  }
0xf5: {  	v56 =	vsel vm1, $0x1, v62  }
0xf6: {  	vm15 =	vgt.f32 v16, $5.000000000e-01;
	vm3 =	vgt.s32 v21, $0x0;
	(xrf0) =	vadd.scan.msk.s32 $0xffff, v56  }
0xf7: {  	vm2 =	vgt.f32 v15, $5.000000000e-01;
	vm15 =	vmand vm15, vm3;
	vm0 =	vgt.s32 v24, $0x0  }
0xf8: {  	v57 =	vsel vm15, $0x1, v62;
	vm0 =	vmand vm2, vm0  }
0xf9: {  	vm3 =	vgt.s32 v59, $0x0;
	vm2 =	vgt.f32 v14, $5.000000000e-01;
	v58 =	vsel vm0, $0x1, v62;
	(xrf0) =	vadd.scan.msk.s32 $0xffff, v57  }
0xfa: {  	vm2 =	vmand vm2, vm3;
	(xrf0) =	vadd.scan.msk.s32 $0xffff, v58  }
0xfb: {  	v21 =	vsel vm2, $0x1, v62  }
0xfc: {  	v60, _, _ =	vpop (xrf0);
	(xrf0) =	vadd.scan.msk.s32 $0xffff, v21;
	_ =	sdelay $0x1  }
0xfd: {  	v19 =	vbroadcast v19, $0x0;
	v25 =	vadd.s32 $0xFFFFFFFF, v22  }
0xfe: {  	vm11 =	vmmov vm11;
	v17 =	vbroadcast v17, $0x0;
	(v2sf) =	vpush v60, $0xF;
	v61, _, _ =	vpop (xrf0)  }
0xff: {  	v27 =	vld [tilespmem:s3+$0x0];
	v26 =	vbroadcast v25, $0x0;
	v5 =	vadd.s32 v5, v19;
	(v2sf) =	vpush v61, $0xF;
	v63, _, _ =	vpop (xrf0)  }
0x100: {  	v30 =	vld [tilespmem:s5+$0xFFFFFFF0];
	s9 =	sadd.s32 $0x40, s3;
	v4 =	vadd.s32 v4, v17;
	v24 =	vbroadcast v23, $0x0;
	(v2sf) =	vpush v63, $0xF  }
0x101: {  	vm14 =	vmmov vm14;
	v31 =	vld [tilespmem:s9+$0xFFFFFFE0];
	v11 =	vadd.s32 v11, v26;
	v28, _, _ =	vpop (xrf0)  }
0x102: {  	v7 =	vadd.s32 v7, v24;
	s6 =	spop (v2sf);
	(v2sf) =	vpush v28, $0xF  }
0x103: {  	v29 =	vld [tilespmem:s2+$0xFFFFFFF0];
	s11 =	sadd.s32 $0x40, s2;
	s29 =	spop (v2sf);
	s6 =	sadd.s32 s8, s6  }
0x104: {  	v34 =	vld [tilespmem:s11+$0xFFFFFFE0];
	[tilespmem:v5+s0+$0x0] =	vst.idx.msk vm11, v27;
	s7 =	sadd.s32 s6, s29;
	s30 =	spop (v2sf)  }
0x105: {  	vm9 =	vmmov vm9;
	[tilespmem:v4+s0+$0x0] =	vst.idx.msk vm5, v30;
	v36 =	vld [tilespmem:s11+$0x0];
	v32 =	vmov s6;
	s10 =	sadd.s32 s7, s30  }
0x106: {  	vm10 =	vmmov vm10;
	s15 =	sadd.s32 $0x40, s11;
	[tilespmem:v11+s0+$0x0] =	vst.idx.msk vm7, v31;
	v41 =	vld [tilespmem:s11+$0xFFFFFFF0];
	v18 =	vadd.s32 $0xFFFFFFFF, v32;
	v33 =	vmov s10  }
0x107: {  	v43 =	vld [tilespmem:s15+$0xFFFFFFE0];
	[tilespmem:v7+s0+$0x0] =	vst.idx.msk vm14, v9;
	v18 =	vbroadcast v18, $0x0;
	v23 =	vadd.s32 $0xFFFFFFFF, v33  }
0x108: {  	vm12 =	vmmov vm12;
	vm8 =	vmmov vm8;
	[tilespmem:v8+s24+$0x0] =	vst.idx.msk vm6, v29;
	v35 =	vld [tilespmem:s11+$0x10];
	v23 =	vbroadcast v23, $0x0  }
0x109: {  	v45 =	vld [tilespmem:s9+$0xFFFFFFF0];
	vm6 =	vmmov vm12;
	[tilespmem:v6+s24+$0x0] =	vst.idx.msk vm4, v34;
	v10 =	vadd.s32 v10, v18  }
0x10a: {  	v39 =	vld [tilespmem:s9+$0x10];
	[tilespmem:v5+s24+$0x0] =	vst.idx.msk vm11, v36;
	s12 =	spop (v2sf);
	v13 =	vadd.s32 v13, v23  }
0x10b: {  	[tilespmem:v4+s24+$0x0] =	vst.idx.msk vm9, v41;
	v37 =	vmov s7;
	s5 =	sadd.s32 s10, s12  }
0x10c: {  	[tilespmem:v11+s24+$0x0] =	vst.idx.msk vm10, v43;
	v21 =	vadd.s32 $0xFFFFFFFF, v37;
	v38 =	vmov s5  }
0x10d: {  	v40 =	vbroadcast v21, $0x0;
	v24 =	vadd.s32 $0xFFFFFFFF, v38;
	[tilespmem:v7+s24+$0x0] =	vst.idx.msk vm14, v35;
	s13 =	spop (v2sf)  }
0x10e: {  	vm13 =	vmmov vm13;
	vm1 =	vmmov vm1;
	v42 =	vbroadcast v24, $0x0;
	[tilespmem:v10+s0+$0x0] =	vst.idx.msk vm8, v45;
	s5 =	sadd.s32 s5, s13;
	s14 =	spop (v2sf)  }
0x10f: {  	v47 =	vld [tilespmem:s9+$0x0];
	vm12 =	vmmov vm0;
	v44 =	vadd.s32 v12, v40;
	[tilespmem:v13+s0+$0x0] =	vst.idx.msk vm6, v39;
	v51 =	vmov s5;
	s16 =	sadd.s32 s5, s14;
	s17 =	spop (v2sf)  }
0x110: {  	s3 =	sadd.s32 $0x40, s9;
	v6 =	vadd.s32 v60, v42;
	v0 =	vld [tilespmem:$0x1FFF0];
	v18 =	vadd.s32 $0xFFFFFFFF, v51;
	s6 =	sadd.s32 s16, s17;
	v48 =	vmov s16  }
0x111: {  	v50 =	vld [tilespmem:s3+$0xFFFFFFE0];
	v54 =	vbroadcast v18, $0x0;
	v46 =	vmov s6;
	v8 =	vadd.s32 $0xFFFFFFFF, v48;
	s18 =	spop (v2sf)  }
0x112: {  	vm7 =	vmmov vm2;
	v52 =	vld [tilespmem:s15+$0x10];
	v49 =	vadd.s32 $0xFFFFFFFF, v46;
	v8 =	vbroadcast v8, $0x0;
	s2 =	sadd.s32 s6, s18  }
0x113: {  	v57 =	vld [tilespmem:s3+$0xFFFFFFF0];
	vm10 =	vmmov vm12;
	v56 =	vadd.s32 v61, v54;
	v15 =	vbroadcast v49, $0x0;
	s21 =	sadd.s32 $0xF, s2  }
0x114: {  	v55 =	vld [tilespmem:s3+$0x0];
	vm0 =	vmmov vm7;
	v8 =	vadd.s32 v63, v8;
	s25 =	sand.u32 $0xF, s21  }
0x115: {  	v53 =	vld [tilespmem:s3+$0x10];
	vm5 =	vmmov vm13;
	[tilespmem:v44+s0+$0x0] =	vst.idx.msk vm13, v47;
	vm12 =	vnez.u8 v0;
	v15 =	vadd.s32 v28, v15;
	s26 =	sshra.s32 s21, $0x1F;
	p0 =	slt.s32 s21, $0x1;
	p1 =	sne.s32 s25, $0x0  }
0x116: {  	s20 =	sadd.s32 $0x40, s15;
	[tilespmem:v6+s0+$0x0] =	vst.idx.msk vm1, v50;
	vm1 =	vmmov vm1;
	v58 =	vld [tilespmem:s15+$0x0];
	vm4 =	vmmov vm12;
	s29 =	sshrl.u32 s26, $0x1C;
	p0 =	por !p0, !p1  }
0x117: {  	vm11 =	vmmov vm15;
	v60 =	vld [tilespmem:s20+$0xFFFFFFE0];
	[tilespmem:v13+s24+$0x0] =	vst.idx.msk vm6, v52;
	s5 =	simm.s32 $0x1;
	vm4 =	vmmov vm4;
	s30 =	sadd.s32 s29, s21;
	p0 =	por !p0, !p0  }
0x118: {  	vm14 =	vmmov vm11;
	v59 =	vld [tilespmem:s15+$0xFFFFFFF0];
	[tilespmem:v56+s0+$0x0] =	vst.idx.msk vm15, v57;
	s3 =	sshra.s32 s30, $0x4;
	s5 =	simm.s32 @!p0 $0x0  }
0x119: {  	v63 =	vld [tilespmem:s20+$0xFFFFFFF0];
	[tilespmem:v8+s0+$0x0] =	vst.idx.msk vm10, v55;
	s6 =	ssub.s32 s3, s5  }
0x11a: {  	[tilespmem:v15+s0+$0x0] =	vst.idx.msk vm0, v53;
	v61 =	vld [tilespmem:s20+$0x0];
	s3 =	sshrl.u32 s6, $0x1D  }
0x11b: {  	[tilespmem:v44+s24+$0x0] =	vst.idx.msk vm5, v58;
	v9 =	vld [tilespmem:s20+$0x10];
	s3 =	sadd.s32 s3, s6  }
0x11c: {  	[tilespmem:v6+s24+$0x0] =	vst.idx.msk vm1, v60;
	s3 =	sand.u32 $0xFFFFFFF8, s3  }
0x11d: {  	[tilespmem:v10+s24+$0x0] =	vst.idx.msk vm4, v59;
	p0 =	slt.s32 s3, $0x1  }
.Ltmp2:
0x11e: {  	[tilespmem:v56+s24+$0x0] =	vst.idx.msk vm14, v63;
	(pc) =	sbr.rel @p0 .LBB2_9-.Ltmp2, $4  }
0x11f: {  	[tilespmem:v8+s24+$0x0] =	vst.idx.msk vm10, v61  }
0x120: {  	v0 =	vimm.f32 $2.000000000e+05;
	[tilespmem:v15+s24+$0x0] =	vst.idx.msk vm0, v9  }
0x121: {  	[tilespmem:s2+$0x4600] =	vst v0  }
0x122: {  	vm3 =	vmmov vm14;
	[tilespmem:s2+$0x5680] =	vst v0;
	v0 =	vimm.f32 $1.000000000e+10  }
0x123: {  	s5 =	simm.s32 $0x6740  }
0x124: {  	[tilespmem:s5+$0xFFFFFFC0] =	vst v0  }
0x125: {  	p0 =	sgt.s32 s3, $0x8;
	[tilespmem:s5+$0x30] =	vst v0  }
.Ltmp3:
0x126: {  	[tilespmem:s5+$0x20] =	vst v0;
	(pc) =	sbr.rel @!p0 .LBB2_8-.Ltmp3, $4  }
0x127: {  	[tilespmem:s5+$0x10] =	vst v0  }
0x128: {  	[tilespmem:s5+$0x0] =	vst v0  }
0x129: {  	[tilespmem:s5+$0xFFFFFFF0] =	vst v0  }
0x12a: {  	s7 =	simm.s32 $0x8;
	[tilespmem:s5+$0xFFFFFFE0] =	vst v0  }
.LBB2_7:
0x12b: {  	s7 =	sadd.s32 $0x8, s7;
	[tilespmem:s5+$0xFFFFFFD0] =	vst v0;
	s5 =	sadd.s32 $0x80, s5  }
0x12c: {  	[tilespmem:s5+$0xFFFFFFC0] =	vst v0;
	p0 =	slt.s32 s7, s3  }
0x12d: {  	[tilespmem:s5+$0x30] =	vst v0  }
.Ltmp4:
0x12e: {  	[tilespmem:s5+$0x20] =	vst v0;
	(pc) =	sbr.rel @p0 .LBB2_7-.Ltmp4, $4  }
0x12f: {  	[tilespmem:s5+$0x10] =	vst v0  }
0x130: {  	[tilespmem:s5+$0x0] =	vst v0  }
0x131: {  	[tilespmem:s5+$0xFFFFFFF0] =	vst v0  }
0x132: {  	[tilespmem:s5+$0xFFFFFFE0] =	vst v0  }
.LBB2_8:
0x133: {  	[tilespmem:s5+$0xFFFFFFD0] =	vst v0  }
.LBB2_9:
0x134: {  	s5 =	ssub.s32 s6, s3  }
0x135: {  	p0 =	slt.s32 s5, $0x1  }
.Ltmp5:
0x136: {  	_ = 	snop;
	(pc) =	sbr.rel @p0 .LBB2_12-.Ltmp5, $1  }
0x137: {  	_ =	sdelay $0x3  }
0x138: {  	s5 =	sshll.u32 s3, $0x6  }
0x139: {  	s5 =	sshra.s32 s5, $0x2  }
0x13a: {  	s5 =	sadd.s32 $0x6700, s5  }
.LBB2_11:
0x13b: {  	s3 =	sadd.s32 $0x1, s3  }
0x13c: {  	p0 =	slt.s32 s3, s6  }
.Ltmp6:
0x13d: {  	_ = 	snop;
	(pc) =	sbr.rel @p0 .LBB2_11-.Ltmp6, $2  }
0x13e: {  	_ =	sdelay $0x2  }
0x13f: {  	[tilespmem:s5+$0x0] =	vst v0;
	s5 =	sadd.s32 $0x10, s5  }
.LBB2_12:
0x140: {  	s3 =	sadd.s32 $0x7, s28  }
0x141: {  	s5 =	sand.u32 $0x7, s3  }
0x142: {  	s7 =	sshra.s32 s3, $0x1F;
	p0 =	slt.s32 s3, $0x1;
	p1 =	sne.s32 s5, $0x0  }
0x143: {  	s30 =	sshrl.u32 s7, $0x1D;
	p0 =	por !p0, !p1  }
0x144: {  	s5 =	simm.s32 $0x1;
	s3 =	sadd.s32 s30, s3;
	p0 =	por !p0, !p0  }
0x145: {  	s3 =	sshra.s32 s3, $0x3;
	s5 =	simm.s32 @!p0 $0x0  }
0x146: {  	s7 =	ssub.s32 s3, s5  }
0x147: {  	p0 =	slt.s32 s7, $0x1  }
.Ltmp7:
0x148: {  	_ = 	snop;
	(pc) =	sbr.rel @p0 .LBB2_13-.Ltmp7, $1  }
0x149: {  	_ =	sdelay $0x3  }
0x14a: {  	s3 =	sshrl.u32 s6, $0x1E  }
.Ltmp8:
0x14b: {  	s3 =	sadd.s32 s3, s6;
	(pc) =	sbr.rel .LBB2_15-.Ltmp8, $4  }
0x14c: {  	s12 =	simm.s32 $0x0;
	s8 =	sand.u32 $0xFFFFFFFC, s3  }
0x14d: {  	s5 =	simm.f32 $0.0e+00;
	s3 =	sshll.u32 s8, $0x6;
	s13 =	ssub.s32 s6, s8  }
0x14e: {  	p0 =	slt.s32 s8, $0x1;
	s3 =	sshra.s32 s3, $0x2;
	p1 =	slt.s32 s13, $0x1  }
0x14f: {  	s9 =	sadd.s32 $0x4600, s3;
	s10 =	sadd.s32 $0x5680, s3;
	s11 =	sadd.s32 $0x6700, s3  }
.LBB2_19:
0x150: {  	(xrf0) =	vmin.scan.msk.f32 $0xffff, v52;
	_ =	sdelay $0x2  }
0x151: {  	(xrf0) =	vmin.scan.msk.f32 $0xffff, v20;
	_ =	sdelay $0x2  }
0x152: {  	(xrf0) =	vmin.scan.msk.f32 $0xffff, v24;
	v0, _, _ =	vpop (xrf0)  }
0x153: {  	(v2sf) =	vpush v0, $0xF  }
0x154: {  	(xrf0) =	vmin.scan.msk.f32 $0xffff, v22  }
0x155: {  	v56, _, _ =	vpop (xrf0);
	(xrf0) =	vmin.scan.msk.f32 $0xffff, v21;
	_ =	sdelay $0x1  }
0x156: {  	(v2sf) =	vpush v56, $0xF  }
0x157: {  	v57, _, _ =	vpop (xrf0);
	(xrf0) =	vmin.scan.msk.f32 $0xffff, v27  }
0x158: {  	(v2sf) =	vpush v57, $0xF  }
0x159: {  	v58, _, _ =	vpop (xrf0);
	(xrf0) =	vmin.scan.msk.f32 $0xffff, v26  }
0x15a: {  	(v2sf) =	vpush v58, $0xF;
	v59, _, _ =	vpop (xrf0);
	(xrf0) =	vmin.scan.msk.f32 $0xffff, v25;
	_ =	sdelay $0x1  }
0x15b: {  	(v2sf) =	vpush v59, $0xF  }
0x15c: {  	v60, _, _ =	vpop (xrf0)  }
0x15d: {  	(v2sf) =	vpush v60, $0xF  }
0x15e: {  	v61, _, _ =	vpop (xrf0)  }
0x15f: {  	(v2sf) =	vpush v61, $0xF;
	v63, _, _ =	vpop (xrf0)  }
0x160: {  	s3 =	spop (v2sf);
	(v2sf) =	vpush v63, $0xF;
	_ =	sdelay $0x1  }
0x161: {  	p2 =	slt.s32 s21, s28  }
0x162: {  	s3 =	simm.s32 @!p2 $0x0  }
0x163: {  	p2 =	slt.s32 s20, s28;
	s3 =	sadd.f32 s3, s5;
	s5 =	spop (v2sf)  }
0x164: {  	s5 =	simm.s32 @!p2 $0x0  }
0x165: {  	s20 =	spop (v2sf);
	p2 =	slt.s32 s18, s28;
	s3 =	sadd.f32 s5, s3  }
0x166: {  	s20 =	simm.s32 @!p2 $0x0  }
0x167: {  	p2 =	slt.s32 s16, s28;
	s5 =	spop (v2sf);
	s3 =	sadd.f32 s20, s3  }
0x168: {  	s5 =	simm.s32 @!p2 $0x0  }
0x169: {  	s16 =	spop (v2sf);
	p2 =	slt.s32 s15, s28;
	s3 =	sadd.f32 s5, s3  }
0x16a: {  	s16 =	simm.s32 @!p2 $0x0  }
0x16b: {  	s5 =	spop (v2sf);
	p2 =	slt.s32 s14, s28;
	s3 =	sadd.f32 s16, s3  }
0x16c: {  	s12 =	sadd.s32 $0x1, s12;
	s5 =	simm.s32 @!p2 $0x0  }
0x16d: {  	p2 =	slt.s32 s13, s28;
	s14 =	spop (v2sf);
	s3 =	sadd.f32 s5, s3  }
0x16e: {  	s14 =	simm.s32 @!p2 $0x0;
	p2 =	slt.s32 s17, s28;
	s5 =	spop (v2sf)  }
0x16f: {  	s5 =	simm.s32 @!p2 $0x0;
	p2 =	sne.s32 s12, s7  }
.Ltmp9:
0x170: {  	_ = 	snop;
	(pc) =	sbr.rel @!p2 .LBB2_20-.Ltmp9, $3  }
0x171: {  	_ = 	snop  }
0x172: {  	s3 =	sadd.f32 s14, s3;
	_ =	sdelay $0x1  }
0x173: {  	s5 =	sadd.f32 s5, s3  }
.LBB2_15:
0x174: {  	s21 =	sshll.u32 s12, $0x3;
	s17 =	sshllo.u32 s12, $0x3  }
0x175: {  	v4 =	vmov s21;
	v19 =	vmov s17  }
0x176: {  	s20 =	sor.u32 $0x1, s21;
	v12 =	vbroadcast v4, $0x0  }
0x177: {  	s18 =	sor.u32 $0x2, s21;
	v58 =	vmov s20  }
0x178: {  	s16 =	sor.u32 $0x3, s21;
	v59 =	vmov s18;
	v13 =	vbroadcast v58, $0x0  }
0x179: {  	s15 =	sor.u32 $0x4, s21;
	v60 =	vmov s16;
	v14 =	vbroadcast v59, $0x0  }
0x17a: {  	s14 =	sor.u32 $0x5, s21;
	v61 =	vmov s15;
	v15 =	vbroadcast v60, $0x0;
	v39 =	vld.idx.msk [tilespmem:v19+s31+$0x0], $0xffff  }
0x17b: {  	s13 =	sor.u32 $0x6, s21;
	v63 =	vmov s14;
	v16 =	vbroadcast v61, $0x0;
	v42 =	vld.idx.msk [tilespmem:v19+s1+$0x0], $0xffff  }
0x17c: {  	v5 =	vmov s13;
	v17 =	vbroadcast v63, $0x0;
	v50 =	vld.idx.msk [tilespmem:v12+s31+$0x0], $0xffff  }
0x17d: {  	v18 =	vbroadcast v5, $0x0;
	v23 =	vld.idx.msk [tilespmem:v12+s1+$0x0], $0xffff  }
0x17e: {  	v0 =	vld.idx.msk [tilespmem:v13+s31+$0x0], $0xffff  }
0x17f: {  	v30 =	vld.idx.msk [tilespmem:v14+s31+$0x0], $0xffff  }
0x180: {  	v31 =	vld.idx.msk [tilespmem:v15+s31+$0x0], $0xffff  }
0x181: {  	v32 =	vld.idx.msk [tilespmem:v16+s31+$0x0], $0xffff  }
0x182: {  	v34 =	vld.idx.msk [tilespmem:v17+s31+$0x0], $0xffff  }
0x183: {  	v36 =	vld.idx.msk [tilespmem:v18+s31+$0x0], $0xffff  }
0x184: {  	v38 =	vld.idx.msk [tilespmem:v13+s1+$0x0], $0xffff  }
.Ltmp10:
0x185: {  	v14 =	vld.idx.msk [tilespmem:v14+s1+$0x0], $0xffff;
	(pc) =	sbr.rel @p0 .LBB2_16-.Ltmp10, $4  }
0x186: {  	v15 =	vld.idx.msk [tilespmem:v15+s1+$0x0], $0xffff  }
0x187: {  	v16 =	vld.idx.msk [tilespmem:v16+s1+$0x0], $0xffff  }
0x188: {  	v17 =	vld.idx.msk [tilespmem:v17+s1+$0x0], $0xffff  }
0x189: {  	v18 =	vld.idx.msk [tilespmem:v18+s1+$0x0], $0xffff;
	[tilespmem:$0x1FFE0] =	vst v0  }
0x18a: {  	s25 =	simm.s32 $0x4620  }
0x18b: {  	s3 =	simm.s32 $0x56A0;
	v20 =	vld [tilespmem:s25+$0xFFFFFFE0]  }
0x18c: {  	v21 =	vld [tilespmem:s3+$0xFFFFFFE0]  }
0x18d: {  	v19 =	vld [tilespmem:$0x1FFE0];
	_ =	sdelay $0x3  }
0x18e: {  	v3 =	vmov v23;
	v22 =	vsub.f32 v20, v50;
	v23 =	vsub.f32 v21, v23  }
0x18f: {  	v24 =	vsub.f32 v20, v19;
	v25 =	vsub.f32 v21, v38  }
0x190: {  	v29 =	vld [tilespmem:s25+$0xFFFFFFF0];
	v26 =	vsub.f32 v20, v30;
	v27 =	vsub.f32 v21, v14  }
0x191: {  	v4 =	vmov v30;
	v2 =	vld [tilespmem:s3+$0xFFFFFFF0];
	v28 =	vsub.f32 v20, v31;
	v30 =	vsub.f32 v21, v15  }
0x192: {  	v5 =	vmov v31;
	v31 =	vsub.f32 v20, v32;
	v33 =	vsub.f32 v21, v16  }
0x193: {  	v7 =	vmov v34;
	v34 =	vsub.f32 v20, v34;
	v35 =	vsub.f32 v21, v17  }
0x194: {  	v9 =	vmov v36;
	v36 =	vsub.f32 v20, v36;
	v37 =	vsub.f32 v21, v18  }
0x195: {  	v20 =	vsub.f32 v20, v39;
	v21 =	vsub.f32 v21, v42  }
0x196: {  	v10 =	vmovc v38;
	v11 =	vmov v39;
	v38 =	vsub.f32 v29, v50;
	v39 =	vsub.f32 v2, v3  }
0x197: {  	v40 =	vsub.f32 v29, v19;
	v41 =	vsub.f32 v2, v10  }
0x198: {  	v12 =	vmov v42;
	v46 =	vld [tilespmem:s25+$0x0];
	v42 =	vsub.f32 v29, v4;
	v43 =	vsub.f32 v2, v14  }
0x199: {  	v6 =	vmov v32;
	v49 =	vld [tilespmem:s3+$0x0];
	v45 =	vsub.f32 v29, v5;
	v47 =	vsub.f32 v2, v15  }
0x19a: {  	v8 =	vmov v50;
	v48 =	vsub.f32 v29, v6;
	v50 =	vsub.f32 v2, v16  }
0x19b: {  	v51 =	vsub.f32 v29, v7;
	v52 =	vsub.f32 v2, v17  }
0x19c: {  	v55 =	vsub.f32 v29, v9;
	v54 =	vsub.f32 v2, v18  }
0x19d: {  	v58 =	vsub.f32 v29, v11;
	v56 =	vsub.f32 v2, v12  }
0x19e: {  	v61 =	vsub.f32 v46, v8;
	v60 =	vsub.f32 v49, v3  }
0x19f: {  	v0 =	vsub.f32 v46, v19;
	v22 =	vmul.f32 v22, v22;
	v23 =	vmul.f32 v23, v23  }
0x1a0: {  	v59 =	vsub.f32 v49, v10;
	v24 =	vmul.f32 v24, v24;
	v29 =	vmul.f32 v25, v25  }
0x1a1: {  	v63 =	vsub.f32 v46, v4;
	v2 =	vmul.f32 v26, v26;
	v27 =	vmul.f32 v27, v27  }
0x1a2: {  	v57 =	vsub.f32 v46, v5;
	v28 =	vmul.f32 v28, v28;
	v44 =	vmul.f32 v37, v37  }
0x1a3: {  	v53 =	vsub.f32 v49, v15;
	v20 =	vmul.f32 v20, v20;
	v21 =	vmul.f32 v21, v21  }
0x1a4: {  	[tilespmem:$0x1FED0] =	vst v59;
	v59 =	vsub.f32 v49, v14;
	v1 =	vmul.f32 v41, v41;
	v41 =	vmul.f32 v43, v43  }
0x1a5: {  	[tilespmem:$0x1FEF0] =	vst v63;
	v63 =	vsub.f32 v49, v16;
	v43 =	vmul.f32 v47, v47;
	v50 =	vmul.f32 v50, v50  }
0x1a6: {  	v13 =	vadd.f32 v23, v22;
	v26 =	vadd.f32 v29, v24;
	v29 =	vmul.f32 v30, v30  }
0x1a7: {  	[tilespmem:$0x1FEC0] =	vst v0;
	v0 =	vadd.f32 v27, v2;
	v30 =	vmul.f32 v31, v31;
	v31 =	vmul.f32 v33, v33  }
0x1a8: {  	v2 =	vsub.f32 v46, v6;
	v22 =	vmul.f32 v34, v34;
	v23 =	vmul.f32 v35, v35  }
0x1a9: {  	v24 =	vsub.f32 v46, v7;
	v33 =	vmul.f32 v38, v38;
	v35 =	vmul.f32 v39, v39  }
0x1aa: {  	v34 =	vmul.f32 v40, v40;
	v40 =	vmul.f32 v42, v42;
	v32 =	vadd.f32 v21, v20  }
0x1ab: {  	v42 =	vmul.f32 v45, v45;
	v45 =	vsub.f32 v46, v11;
	v28 =	vadd.f32 v29, v28  }
0x1ac: {  	v38 =	vmul.f32 v61, v61;
	v29 =	vadd.f32 v31, v30;
	v27 =	vadd.f32 v23, v22  }
0x1ad: {  	v25 =	vmovc v18;
	v37 =	vmul.f32 v59, v59;
	v18 =	vadd.f32 v35, v33;
	v23 =	vsub.f32 v46, v9  }
0x1ae: {  	v20 =	vld [tilespmem:s25+$0x10];
	v31 =	vmul.f32 v36, v36;
	v34 =	vadd.f32 v1, v34;
	v30 =	vadd.f32 v41, v40  }
0x1af: {  	v22 =	vsub.f32 v49, v25;
	v33 =	vmul.f32 v51, v51;
	v35 =	vmul.f32 v52, v52  }
0x1b0: {  	v46 =	vsub.f32 v49, v12;
	v41 =	vmul.f32 v2, v2;
	v24 =	vmul.f32 v24, v24  }
0x1b1: {  	v1 =	vld [tilespmem:s3+$0x10];
	v31 =	vadd.f32 v44, v31;
	v44 =	vsub.f32 v49, v17;
	v49 =	vmul.f32 v48, v48  }
0x1b2: {  	v36 =	vadd.f32 v43, v42;
	v23 =	vmul.f32 v23, v23;
	v22 =	vmul.f32 v22, v22  }
0x1b3: {  	[tilespmem:$0x1FE80] =	vst v8;
	v21 =	vsub.f32 v20, v8;
	v8 =	vadd.f32 v35, v33;
	v33 =	vmul.f32 v58, v58  }
0x1b4: {  	[tilespmem:$0x1FEB0] =	vst v4;
	v52 =	vsub.f32 v20, v19;
	v35 =	vmul.f32 v56, v56;
	v58 =	vmul.f32 v60, v60  }
0x1b5: {  	v47 =	vadd.f32 v50, v49;
	v49 =	vmul.f32 v55, v55;
	v55 =	vsub.f32 v20, v4;
	v4 =	vmovc v13;
	v13 =	vld [tilespmem:$0x1FED0]  }
0x1b6: {  	[tilespmem:$0x1FE90] =	vst v3;
	v50 =	vmul.f32 v54, v54;
	v51 =	vsub.f32 v1, v3;
	v54 =	vsub.f32 v1, v10;
	v3 =	vld [tilespmem:$0x1FEC0]  }
0x1b7: {  	v44 =	vmul.f32 v44, v44;
	v61 =	vadd.f32 v35, v33;
	v33 =	vadd.f32 v58, v38  }
0x1b8: {  	[tilespmem:$0x1FF00] =	vst v5;
	v56 =	vsub.f32 v1, v14;
	v58 =	vsub.f32 v20, v5;
	v38 =	vmul.f32 v53, v53  }
0x1b9: {  	v5 =	vmovc v0;
	v53 =	vsub.f32 v1, v15;
	v0 =	vmul.f32 v46, v46;
	v21 =	vmul.f32 v21, v21  }
0x1ba: {  	v46 =	vmul.f32 v52, v52;
	v52 =	vsub.f32 v1, v25;
	v2 =	vmul.f32 v51, v51  }
0x1bb: {  	v59 =	vsub.f32 v1, v16;
	v60 =	vmul.f32 v13, v13;
	v13 =	vld [tilespmem:$0x1FEF0];
	v3 =	vmul.f32 v3, v3  }
0x1bc: {  	v39 =	vadd.f32 v50, v49;
	v49 =	vadd.f32 v2, v21;
	v21 =	vmul.f32 v52, v52  }
0x1bd: {  	v42 =	vadd.f32 v60, v3;
	v3 =	vmul.f32 v57, v57;
	v60 =	vmul.f32 v63, v63  }
0x1be: {  	v57 =	vsub.f32 v20, v6;
	v63 =	vmul.f32 v45, v45;
	v45 =	vmul.f32 v54, v54  }
0x1bf: {  	v54 =	vmul.f32 v55, v55;
	v38 =	vadd.f32 v38, v3;
	v48 =	vadd.f32 v60, v41  }
0x1c0: {  	v35 =	vmul.f32 v13, v13;
	v13 =	vadd.f32 v22, v23;
	v22 =	vsub.f32 v1, v17  }
0x1c1: {  	v51 =	vadd.f32 v0, v63;
	v41 =	vmul.f32 v58, v58;
	v60 =	vmul.f32 v53, v53  }
0x1c2: {  	[tilespmem:$0x1FEA0] =	vst v10;
	v57 =	vmul.f32 v57, v57;
	v1 =	vsub.f32 v1, v12;
	v53 =	vadd.f32 v45, v46  }
0x1c3: {  	[tilespmem:$0x1FEE0] =	vst v14;
	v63 =	vmul.f32 v59, v59;
	v40 =	vadd.f32 v37, v35;
	v35 =	vadd.f32 v44, v24  }
0x1c4: {  	[tilespmem:$0x1FF10] =	vst v15;
	v24 =	vsub.f32 v20, v7;
	v44 =	vsub.f32 v20, v9;
	v37 =	vmul.f32 v56, v56  }
0x1c5: {  	[tilespmem:$0x1FF20] =	vst v6;
	v20 =	vsub.f32 v20, v11;
	v22 =	vmul.f32 v22, v22;
	v56 =	vadd.f32 v60, v41  }
0x1c6: {  	[tilespmem:$0x1FF60] =	vst v9;
	v10 =	vmovc v26;
	v1 =	vmul.f32 v1, v1;
	v9 =	vimm.f32 $1.000000000e+10;
	v58 =	vadd.f32 v63, v57  }
0x1c7: {  	[tilespmem:$0x1FF30] =	vst v16;
	v41 =	vmin.f32 v9, v10;
	v46 =	vmin.f32 v9, v5;
	v50 =	vmin.f32 v9, v28  }
0x1c8: {  	[tilespmem:$0x1FF40] =	vst v7;
	v60 =	vmin.f32 v9, v29;
	v24 =	vmul.f32 v24, v24;
	v44 =	vmul.f32 v44, v44  }
0x1c9: {  	[tilespmem:$0x1FF50] =	vst v17;
	v55 =	vadd.f32 v37, v54;
	v37 =	vmin.f32 v9, v4;
	v45 =	vmin.f32 v41, v34  }
0x1ca: {  	[tilespmem:$0x1FF70] =	vst v25;
	v20 =	vmul.f32 v20, v20;
	v23 =	vmin.f32 v37, v18;
	v45 =	vmin.f32 v45, v42  }
0x1cb: {  	[tilespmem:$0x1FF80] =	vst v11;
	v37 =	vmin.f32 v9, v32;
	v54 =	vadd.f32 v22, v24;
	v43 =	vmin.f32 v23, v33  }
0x1cc: {  	[tilespmem:$0x1FF90] =	vst v12;
	v57 =	vadd.f32 v21, v44;
	v59 =	vadd.f32 v1, v20;
	v0 =	vmin.f32 v45, v53  }
0x1cd: {  	p3 =	sgt.s32 s8, $0x4;
	v26 =	vmovc v28;
	v1 =	vmin.f32 v46, v30;
	v22 =	vmin.f32 v50, v36;
	v23 =	vmin.f32 v60, v47  }
.Ltmp11:
0x1ce: {  	v6 =	vmovc v29;
	v50 =	vmin.f32 v37, v61;
	v52 =	vmin.f32 v43, v49;
	v63 =	vmin.f32 v23, v48;
	(pc) =	sbr.rel @!p3 .LBB2_27-.Ltmp11, $4  }
0x1cf: {  	v1 =	vmin.f32 v1, v40;
	v22 =	vmin.f32 v22, v38;
	[tilespmem:$0x1FFA0] =	vst v0;
	v21 =	vmin.f32 v63, v58  }
0x1d0: {  	v23 =	vmin.f32 v9, v31;
	v3 =	vmin.f32 v22, v56;
	v22 =	vmin.f32 v9, v27;
	[tilespmem:$0x1FFB0] =	vst v21  }
0x1d1: {  	v7 =	vmin.f32 v1, v55;
	v41 =	vmin.f32 v23, v39;
	v1 =	vmin.f32 v22, v8;
	[tilespmem:$0x1FFC0] =	vst v3  }
0x1d2: {  	s29 =	simm.s32 $0x6720;
	p2 =	por $0x0, $0x0;
	s3 =	simm.s32 $0x4660;
	v46 =	vmin.f32 v50, v51;
	v45 =	vmin.f32 v41, v13;
	[tilespmem:$0x1FFD0] =	vst v7;
	v44 =	vmin.f32 v1, v35  }
0x1d3: {  	v1 =	vld [tilespmem:s3+$0xFFFFFFE0]  }
0x1d4: {  	v24 =	vld [tilespmem:$0x1FE80]  }
0x1d5: {  	v26 =	vmin.f32 v5, v26;
	v5 =	vld [tilespmem:$0x1FE90]  }
0x1d6: {  	v14 =	vld [tilespmem:$0x1FEA0]  }
0x1d7: {  	v27 =	vmin.f32 v6, v27;
	v6 =	vld [tilespmem:$0x1FEB0]  }
0x1d8: {  	v16 =	vld [tilespmem:$0x1FEE0]  }
0x1d9: {  	v7 =	vld [tilespmem:$0x1FF00]  }
0x1da: {  	v17 =	vld [tilespmem:$0x1FF10]  }
0x1db: {  	v9 =	vld [tilespmem:$0x1FF20]  }
0x1dc: {  	v20 =	vld [tilespmem:$0x1FF30]  }
0x1dd: {  	v11 =	vld [tilespmem:$0x1FF40]  }
0x1de: {  	v12 =	vld [tilespmem:$0x1FF60]  }
0x1df: {  	s25 =	simm.s32 $0x56E0;
	v0 =	vmin.f32 v44, v54;
	v15 =	vld [tilespmem:$0x1FF80]  }
0x1e0: {  	v21 =	vmin.f32 v45, v57;
	v22 =	vmin.f32 v46, v59;
	v25 =	vmin.f32 v4, v10;
	v60 =	vld [tilespmem:s25+$0xFFFFFFE0];
	[tilespmem:$0x1FE50] =	vst v0  }
0x1e1: {  	v28 =	vmin.f32 v31, v32;
	v4 =	vmin.f32 v18, v34;
	v62 =	vld [tilespmem:$0x1FF70];
	[tilespmem:$0x1FE60] =	vst v21;
	v23 =	vsub.f32 v1, v7  }
0x1e2: {  	v10 =	vmin.f32 v30, v36;
	[tilespmem:$0x1FE70] =	vst v22;
	v21 =	vld [tilespmem:$0x1FF50];
	v29 =	vsub.f32 v1, v24;
	v44 =	vsub.f32 v1, v19  }
0x1e3: {  	v36 =	vmin.f32 v47, v8;
	v22 =	vld [tilespmem:$0x1FF90];
	v45 =	vsub.f32 v1, v6;
	v46 =	vsub.f32 v1, v9;
	[tilespmem:$0x1FD30] =	vst v23  }
0x1e4: {  	v41 =	vmin.f32 v33, v42;
	v34 =	vsub.f32 v1, v11;
	v33 =	vsub.f32 v1, v12;
	v3 =	vld [tilespmem:s3+$0xFFFFFFF0]  }
0x1e5: {  	v48 =	vmin.f32 v48, v35;
	v35 =	vsub.f32 v1, v15;
	v31 =	vsub.f32 v60, v5;
	v63 =	vld [tilespmem:s25+$0xFFFFFFF0]  }
0x1e6: {  	v39 =	vmin.f32 v39, v61;
	v32 =	vsub.f32 v60, v14;
	v37 =	vsub.f32 v60, v16  }
0x1e7: {  	v43 =	vmin.f32 v40, v38;
	v8 =	vsub.f32 v60, v17;
	v42 =	vsub.f32 v60, v20  }
0x1e8: {  	v50 =	vmin.f32 v13, v51;
	v47 =	vsub.f32 v60, v21;
	v18 =	vsub.f32 v60, v62  }
0x1e9: {  	v55 =	vmin.f32 v55, v56;
	v51 =	vsub.f32 v60, v22;
	[tilespmem:$0x1FD40] =	vst v34;
	v38 =	vsub.f32 v3, v24  }
0x1ea: {  	v23 =	vmovc v52;
	v52 =	vmin.f32 v49, v53;
	v53 =	vsub.f32 v63, v5;
	v60 =	vsub.f32 v3, v19  }
0x1eb: {  	v54 =	vmin.f32 v58, v54;
	[tilespmem:$0x1FD50] =	vst v35;
	v56 =	vsub.f32 v63, v14;
	v40 =	vsub.f32 v3, v6  }
0x1ec: {  	v57 =	vmin.f32 v57, v59;
	v58 =	vsub.f32 v63, v16;
	v49 =	vsub.f32 v3, v7;
	[tilespmem:$0x1FD60] =	vst v38  }
0x1ed: {  	v36 =	vmin.f32 v36, v39;
	v59 =	vsub.f32 v63, v17;
	v61 =	vsub.f32 v3, v9;
	[tilespmem:$0x1FD70] =	vst v40  }
0x1ee: {  	[tilespmem:$0x1FD80] =	vst v49;
	v38 =	vmin.f32 v25, v26;
	v26 =	vmul.f32 v31, v31;
	v31 =	vmul.f32 v8, v8;
	v8 =	vld [tilespmem:$0x1FD50]  }
0x1ef: {  	v30 =	vmul.f32 v37, v37;
	v34 =	vsub.f32 v63, v20;
	v35 =	vsub.f32 v3, v11;
	v1 =	vld [tilespmem:s3+$0x0];
	[tilespmem:$0x1FD90] =	vst v59  }
0x1f0: {  	v37 =	vmin.f32 v48, v50;
	v39 =	vsub.f32 v63, v22;
	v40 =	vsub.f32 v63, v21;
	[tilespmem:$0x1FDA0] =	vst v61  }
0x1f1: {  	v49 =	vsub.f32 v3, v12;
	v25 =	vmul.f32 v29, v29;
	v29 =	vmul.f32 v45, v45;
	v2 =	vld [tilespmem:s25+$0x0];
	[tilespmem:$0x1FDB0] =	vst v34  }
0x1f2: {  	v50 =	vld [tilespmem:$0x1FD30];
	[tilespmem:$0x1FDC0] =	vst v35;
	v34 =	vmin.f32 v27, v28;
	v35 =	vmin.f32 v4, v10;
	v27 =	vmul.f32 v44, v44  }
0x1f3: {  	v28 =	vmul.f32 v32, v32;
	v0 =	vadd.f32 v30, v29;
	v29 =	vmul.f32 v46, v46;
	v4 =	vld [tilespmem:$0x1FD40]  }
0x1f4: {  	v59 =	vsub.f32 v63, v62;
	v30 =	vmul.f32 v42, v42;
	v45 =	vmul.f32 v8, v8;
	v8 =	vld [tilespmem:$0x1FD60]  }
0x1f5: {  	v61 =	vsub.f32 v3, v15;
	v10 =	vadd.f32 v26, v25  }
0x1f6: {  	v41 =	vmin.f32 v41, v43;
	v13 =	vadd.f32 v28, v27;
	v25 =	vadd.f32 v30, v29  }
0x1f7: {  	[tilespmem:$0x1FE00] =	vst v61;
	v28 =	vmul.f32 v50, v50;
	v61 =	vsub.f32 v1, v24;
	v43 =	vsub.f32 v1, v19  }
0x1f8: {  	v33 =	vmul.f32 v33, v33;
	[tilespmem:$0x1FDD0] =	vst v40;
	v44 =	vsub.f32 v1, v6;
	v40 =	vsub.f32 v2, v14  }
0x1f9: {  	v26 =	vadd.f32 v31, v28;
	v31 =	vmul.f32 v4, v4;
	v46 =	vmul.f32 v8, v8;
	v8 =	vld [tilespmem:$0x1FD70]  }
0x1fa: {  	[tilespmem:$0x1FE20] =	vst v40;
	v40 =	vmin.f32 v52, v55;
	v52 =	vmul.f32 v47, v47;
	v55 =	vmul.f32 v18, v18  }
0x1fb: {  	[tilespmem:$0x1FDE0] =	vst v49;
	v63 =	vsub.f32 v2, v5;
	v49 =	vsub.f32 v2, v16  }
0x1fc: {  	v51 =	vmul.f32 v51, v51;
	[tilespmem:$0x1FDF0] =	vst v59;
	v27 =	vadd.f32 v52, v31;
	v31 =	vadd.f32 v55, v33;
	v33 =	vld [tilespmem:$0x1FDA0]  }
0x1fd: {  	[tilespmem:$0x1FE40] =	vst v49;
	v49 =	vmin.f32 v54, v57;
	v47 =	vmul.f32 v53, v53;
	v54 =	vmul.f32 v56, v56;
	v56 =	vld [tilespmem:$0x1FDE0]  }
0x1fe: {  	v59 =	vsub.f32 v1, v9;
	v3 =	vsub.f32 v2, v17;
	[tilespmem:$0x1FE30] =	vst v44;
	v50 =	vmul.f32 v8, v8;
	v8 =	vld [tilespmem:$0x1FD80]  }
0x1ff: {  	v29 =	vmin.f32 v41, v37;
	v4 =	vsub.f32 v2, v20;
	[tilespmem:$0x1FE10] =	vst v63;
	v18 =	vadd.f32 v47, v46;
	v46 =	vld [tilespmem:$0x1FDB0]  }
0x200: {  	v28 =	vmin.f32 v35, v36;
	v32 =	vadd.f32 v51, v45;
	v51 =	vsub.f32 v2, v21;
	v45 =	vld [tilespmem:s3+$0x10]  }
0x201: {  	v59 =	vmul.f32 v59, v59;
	v63 =	vsub.f32 v1, v7;
	v35 =	vmul.f32 v33, v33;
	v33 =	vld [tilespmem:$0x1FDF0]  }
0x202: {  	v53 =	vmul.f32 v60, v60;
	v60 =	vmul.f32 v58, v58;
	v37 =	vmin.f32 v40, v49;
	v40 =	vld [tilespmem:$0x1FE00]  }
0x203: {  	v57 =	vmin.f32 v38, v34;
	v58 =	vsub.f32 v1, v12;
	v36 =	vmul.f32 v8, v8;
	v8 =	vld [tilespmem:$0x1FD90]  }
0x204: {  	v51 =	vmul.f32 v51, v51;
	v52 =	vsub.f32 v1, v11;
	v55 =	vld [tilespmem:$0x1FDD0];
	v47 =	vmul.f32 v46, v46  }
0x205: {  	v34 =	vadd.f32 v54, v53;
	v54 =	vmul.f32 v61, v61;
	v30 =	vadd.f32 v60, v50;
	v50 =	vld [tilespmem:$0x1FDC0]  }
0x206: {  	v49 =	vmul.f32 v63, v63;
	v47 =	vadd.f32 v47, v35;
	v35 =	vmul.f32 v33, v33;
	v33 =	vld [tilespmem:$0x1FE10]  }
0x207: {  	v48 =	vsub.f32 v2, v22;
	v58 =	vmul.f32 v58, v58;
	v52 =	vmul.f32 v52, v52  }
0x208: {  	v44 =	vld [tilespmem:s25+$0x10];
	v53 =	vsub.f32 v2, v62;
	v42 =	vmul.f32 v56, v56;
	v38 =	vmul.f32 v8, v8  }
0x209: {  	v41 =	vld [tilespmem:s29+$0xFFFFFFE0];
	v40 =	vmul.f32 v40, v40;
	v56 =	vsub.f32 v45, v19;
	v46 =	vmul.f32 v39, v39  }
0x20a: {  	v55 =	vmul.f32 v55, v55;
	v36 =	vadd.f32 v38, v36;
	v38 =	vmul.f32 v50, v50  }
0x20b: {  	v61 =	vadd.f32 v46, v40;
	v46 =	vld [tilespmem:$0x1FE30];
	v39 =	vadd.f32 v35, v42;
	v35 =	vmul.f32 v33, v33  }
0x20c: {  	v63 =	vsub.f32 v45, v9;
	v8 =	vadd.f32 v55, v38;
	v38 =	vmul.f32 v43, v43;
	v43 =	vld [tilespmem:$0x1FE20]  }
0x20d: {  	v53 =	vmul.f32 v53, v53;
	v33 =	vadd.f32 v35, v54;
	v54 =	vsub.f32 v45, v6;
	v35 =	vld [tilespmem:$0x1FE40]  }
0x20e: {  	v55 =	vsub.f32 v44, v5;
	v5 =	vmin.f32 v41, v57;
	v57 =	vsub.f32 v44, v14  }
0x20f: {  	v60 =	vsub.f32 v1, v15;
	v56 =	vmul.f32 v56, v56;
	v50 =	vsub.f32 v45, v24  }
0x210: {  	v41 =	vmovc v13;
	v13 =	vadd.f32 v53, v58;
	v54 =	vmul.f32 v54, v54;
	v57 =	vmul.f32 v57, v57  }
0x211: {  	v58 =	vsub.f32 v44, v20;
	v55 =	vmul.f32 v55, v55;
	v1 =	vmul.f32 v43, v43  }
0x212: {  	v2 =	vmul.f32 v35, v35;
	v53 =	vadd.f32 v57, v56;
	v43 =	vmul.f32 v46, v46  }
0x213: {  	v35 =	vmul.f32 v4, v4;
	v46 =	vsub.f32 v44, v16;
	v42 =	vadd.f32 v1, v38  }
0x214: {  	v38 =	vmul.f32 v3, v3;
	v40 =	vadd.f32 v2, v43;
	v2 =	vsub.f32 v45, v7  }
0x215: {  	v3 =	vsub.f32 v44, v17;
	v1 =	vmul.f32 v60, v60;
	v46 =	vmul.f32 v46, v46  }
0x216: {  	v60 =	vsub.f32 v45, v11;
	v43 =	vmovc v0;
	v0 =	vmul.f32 v48, v48;
	v48 =	vadd.f32 v35, v59;
	v59 =	vld [tilespmem:s29+$0xFFFFFFF0]  }
0x217: {  	v38 =	vadd.f32 v38, v49;
	v35 =	vadd.f32 v51, v52;
	v52 =	vmul.f32 v50, v50  }
0x218: {  	v2 =	vmul.f32 v2, v2;
	v56 =	vmul.f32 v3, v3;
	v50 =	vsub.f32 v44, v21  }
0x219: {  	v49 =	vadd.f32 v55, v52;
	v55 =	vadd.f32 v46, v54  }
0x21a: {  	v56 =	vadd.f32 v56, v2;
	v2 =	vsub.f32 v45, v12  }
0x21b: {  	v46 =	vmul.f32 v50, v50;
	v50 =	vsub.f32 v44, v62;
	v3 =	vmin.f32 v59, v28;
	v59 =	vld [tilespmem:$0x1FFA0]  }
0x21c: {  	v45 =	vsub.f32 v45, v15;
	v44 =	vsub.f32 v44, v22;
	_ =	sdelay $0x1  }
0x21d: {  	v45 =	vmul.f32 v45, v45;
	v44 =	vmul.f32 v44, v44  }
0x21e: {  	v57 =	vld [tilespmem:s29+$0x10]  }
0x21f: {  	v21 =	vmul.f32 v60, v60;
	v60 =	vmin.f32 v59, v41;
	v59 =	vadd.f32 v44, v45;
	v44 =	vld [tilespmem:$0x1FFC0]  }
0x220: {  	v20 =	vmin.f32 v23, v10;
	v23 =	vld [tilespmem:$0x1FFD0]  }
0x221: {  	v63 =	vmul.f32 v63, v63;
	v58 =	vmul.f32 v58, v58  }
0x222: {  	v20 =	vmin.f32 v20, v18  }
0x223: {  	v58 =	vadd.f32 v58, v63;
	v63 =	vmin.f32 v57, v37;
	v54 =	vadd.f32 v46, v21;
	v46 =	vld [tilespmem:$0x1FFB0];
	[tilespmem:s29+$0xFFFFFFE0] =	vst v5  }
0x224: {  	v51 =	vadd.f32 v0, v1;
	v1 =	vld [tilespmem:s29+$0x0];
	[tilespmem:s29+$0xFFFFFFF0] =	vst v3;
	v21 =	vmin.f32 v60, v34;
	v45 =	vmin.f32 v44, v26  }
0x225: {  	v37 =	vmin.f32 v23, v43;
	v60 =	vld [tilespmem:$0x1FE50];
	v21 =	vmin.f32 v21, v42;
	v23 =	vmin.f32 v45, v36  }
0x226: {  	v62 =	vmin.f32 v20, v33;
	v7 =	vmin.f32 v21, v53;
	v21 =	vld [tilespmem:$0x1FE60];
	v23 =	vmin.f32 v23, v38  }
0x227: {  	v2 =	vmul.f32 v2, v2;
	v57 =	vmul.f32 v50, v50;
	v9 =	vmin.f32 v23, v56;
	v23 =	vld [tilespmem:$0x1FE70]  }
0x228: {  	v52 =	vmin.f32 v62, v49  }
0x229: {  	p3 =	sgt.s32 s8, $0x8;
	v57 =	vadd.f32 v57, v2;
	v2 =	vmin.f32 v37, v30;
	v50 =	vmin.f32 v46, v25  }
.Ltmp12:
0x22a: {  	v6 =	vmovc v25;
	v1 =	vmin.f32 v1, v29;
	v22 =	vmin.f32 v50, v47;
	v62 =	vmin.f32 v60, v27;
	(pc) =	sbr.rel @!p3 .LBB2_29-.Ltmp12, $4  }
0x22b: {  	v4 =	vmovc v10;
	v2 =	vmin.f32 v2, v40;
	v22 =	vmin.f32 v22, v48;
	v50 =	vmin.f32 v62, v8  }
0x22c: {  	v12 =	vmin.f32 v22, v58;
	v22 =	vmin.f32 v21, v31;
	[tilespmem:s29+$0x0] =	vst v1;
	v37 =	vmin.f32 v23, v32  }
0x22d: {  	s26 =	simm.s32 $0x8;
	v11 =	vmin.f32 v2, v55;
	[tilespmem:s29+$0x10] =	vst v63;
	v60 =	vmin.f32 v22, v39;
	v62 =	vmin.f32 v37, v61  }
0x22e: {  	s30 =	simm.s32 $0x46A0;
	p2 =	por $0x1, $0x1;
	s3 =	simm.s32 $0x6720;
	v44 =	vmin.f32 v50, v35;
	v45 =	vmin.f32 v60, v13;
	v50 =	vmovc v24;
	v46 =	vmin.f32 v62, v51  }
.LBB2_30:
0x22f: {  	v1 =	vld [tilespmem:s30+$0xFFFFFFE0]  }
0x230: {  	v28 =	vmin.f32 v31, v32;
	v31 =	vmin.f32 v47, v8;
	v8 =	vld [tilespmem:$0x1FE90]  }
0x231: {  	v22 =	vld [tilespmem:$0x1FEA0]  }
0x232: {  	v20 =	vld [tilespmem:$0x1FEB0]  }
0x233: {  	v23 =	vld [tilespmem:$0x1FEE0]  }
0x234: {  	v21 =	vld [tilespmem:$0x1FF00]  }
0x235: {  	v0 =	vmin.f32 v44, v54;
	v37 =	vld [tilespmem:$0x1FF10]  }
0x236: {  	v62 =	vmin.f32 v45, v57;
	v63 =	vmin.f32 v46, v59;
	v25 =	vmin.f32 v4, v41;
	v24 =	vld [tilespmem:$0x1FF20]  }
0x237: {  	v26 =	vmin.f32 v43, v26;
	v27 =	vmin.f32 v6, v27;
	v29 =	vmin.f32 v18, v34;
	v41 =	vld [tilespmem:$0x1FF40]  }
0x238: {  	[tilespmem:$0x1FFA0] =	vst v7;
	v30 =	vmin.f32 v30, v36;
	v33 =	vmin.f32 v33, v42;
	v60 =	vmin.f32 v40, v38;
	v47 =	vld [tilespmem:$0x1FF60]  }
0x239: {  	s25 =	sadd.s32 $0x40, s25;
	v35 =	vmin.f32 v48, v35;
	v42 =	vmin.f32 v58, v54;
	v48 =	vmin.f32 v57, v59;
	v4 =	vld [tilespmem:$0x1FF80];
	[tilespmem:$0x1FD00] =	vst v0  }
0x23a: {  	[tilespmem:$0x1FD10] =	vst v62;
	v2 =	vld [tilespmem:s25+$0xFFFFFFE0];
	v0 =	vmin.f32 v39, v61;
	v61 =	vmin.f32 v13, v51;
	v62 =	vmin.f32 v49, v53  }
0x23b: {  	v43 =	vld [tilespmem:$0x1FF30];
	[tilespmem:$0x1FD20] =	vst v63;
	v63 =	vmin.f32 v55, v56;
	v25 =	vmin.f32 v25, v26;
	v6 =	vsub.f32 v1, v50  }
0x23c: {  	[tilespmem:$0x1FFB0] =	vst v12;
	v3 =	vld [tilespmem:$0x1FF70];
	v27 =	vmin.f32 v27, v28;
	v13 =	vsub.f32 v1, v19;
	v7 =	vsub.f32 v1, v20  }
0x23d: {  	[tilespmem:$0x1FFC0] =	vst v9;
	v51 =	vld [tilespmem:s30+$0xFFFFFFF0];
	v29 =	vmin.f32 v29, v30;
	v9 =	vsub.f32 v1, v21;
	v12 =	vsub.f32 v1, v24  }
0x23e: {  	v53 =	vld [tilespmem:s25+$0xFFFFFFF0];
	v33 =	vmin.f32 v33, v60;
	v54 =	vsub.f32 v1, v41;
	v55 =	vsub.f32 v1, v47  }
0x23f: {  	v42 =	vmin.f32 v42, v48;
	v5 =	vsub.f32 v1, v4;
	v40 =	vsub.f32 v2, v8  }
0x240: {  	[tilespmem:$0x1FFD0] =	vst v11;
	s3 =	sadd.s32 $0x40, s3;
	v49 =	vld [tilespmem:$0x1FF50];
	v31 =	vmin.f32 v31, v0;
	v10 =	vsub.f32 v2, v22;
	v11 =	vsub.f32 v2, v23  }
0x241: {  	v56 =	vld [tilespmem:s3+$0xFFFFFFE0];
	v35 =	vmin.f32 v35, v61;
	v26 =	vsub.f32 v2, v37;
	v28 =	vsub.f32 v2, v43  }
0x242: {  	v45 =	vld [tilespmem:s3+$0xFFFFFFF0];
	v38 =	vmin.f32 v62, v63;
	v32 =	vsub.f32 v2, v3;
	v34 =	vsub.f32 v51, v50  }
0x243: {  	v60 =	vld [tilespmem:s3+$0x0];
	v25 =	vmin.f32 v25, v27;
	v36 =	vsub.f32 v53, v8;
	v57 =	vsub.f32 v51, v19  }
0x244: {  	v63 =	vld [tilespmem:s30+$0x0];
	v29 =	vmin.f32 v29, v31;
	v39 =	vsub.f32 v53, v22;
	v59 =	vsub.f32 v51, v20  }
0x245: {  	[tilespmem:$0x1FCF0] =	vst v52;
	v0 =	vld [tilespmem:s25+$0x0];
	v33 =	vmin.f32 v33, v35;
	v61 =	vsub.f32 v51, v21;
	v27 =	vsub.f32 v53, v37  }
0x246: {  	v46 =	vld [tilespmem:s3+$0x10];
	v17 =	vmovc v19;
	v62 =	vsub.f32 v51, v24;
	v31 =	vsub.f32 v53, v43;
	v25 =	vmin.f32 v56, v25  }
0x247: {  	v18 =	vsub.f32 v51, v41;
	v1 =	vsub.f32 v53, v49;
	[tilespmem:s3+$0xFFFFFFE0] =	vst v25;
	v25 =	vmin.f32 v45, v29  }
0x248: {  	v19 =	vsub.f32 v51, v47;
	v6 =	vmul.f32 v6, v6;
	[tilespmem:s3+$0xFFFFFFF0] =	vst v25;
	v25 =	vmin.f32 v60, v33  }
0x249: {  	v51 =	vsub.f32 v51, v4;
	v56 =	vsub.f32 v63, v50;
	v7 =	vmul.f32 v7, v7;
	[tilespmem:s3+$0x0] =	vst v25  }
0x24a: {  	v38 =	vmin.f32 v38, v42;
	v29 =	vsub.f32 v0, v8;
	v58 =	vsub.f32 v63, v17;
	[tilespmem:$0x1FC60] =	vst v6  }
0x24b: {  	v35 =	vsub.f32 v0, v23;
	v9 =	vmul.f32 v9, v9;
	v25 =	vmin.f32 v46, v38;
	[tilespmem:$0x1FC90] =	vst v7  }
0x24c: {  	v52 =	vld [tilespmem:$0x1FF90];
	v33 =	vsub.f32 v0, v22;
	v44 =	vmul.f32 v10, v10;
	v6 =	vmul.f32 v40, v40;
	[tilespmem:s3+$0x10] =	vst v25  }
0x24d: {  	v60 =	vsub.f32 v63, v20;
	v45 =	vmul.f32 v26, v26;
	[tilespmem:$0x1FCB0] =	vst v9;
	v9 =	vmul.f32 v12, v12;
	v10 =	vld [tilespmem:s30+$0x10]  }
0x24e: {  	v26 =	vsub.f32 v63, v41;
	v16 =	vmul.f32 v27, v27;
	[tilespmem:$0x1FC70] =	vst v6;
	v6 =	vmul.f32 v13, v13;
	v12 =	vld [tilespmem:s25+$0x10]  }
0x24f: {  	v38 =	vsub.f32 v63, v21;
	v40 =	vsub.f32 v0, v37;
	[tilespmem:$0x1FCC0] =	vst v9;
	v9 =	vmul.f32 v28, v28  }
0x250: {  	v7 =	vmul.f32 v11, v11;
	v11 =	vsub.f32 v63, v47;
	[tilespmem:$0x1FC80] =	vst v6;
	v6 =	vsub.f32 v63, v24  }
0x251: {  	[tilespmem:$0x1FCD0] =	vst v9;
	v9 =	vmul.f32 v54, v54;
	v54 =	vmul.f32 v32, v32;
	v63 =	vsub.f32 v63, v4  }
0x252: {  	v32 =	vmul.f32 v5, v5;
	v5 =	vsub.f32 v0, v52;
	v14 =	vsub.f32 v10, v50  }
0x253: {  	v25 =	vmul.f32 v31, v31;
	v15 =	vsub.f32 v12, v8;
	v27 =	vsub.f32 v10, v17  }
0x254: {  	v17 =	vmul.f32 v18, v18;
	v18 =	vsub.f32 v10, v20;
	v20 =	vsub.f32 v10, v21  }
0x255: {  	v21 =	vmul.f32 v29, v29;
	v24 =	vsub.f32 v10, v24;
	v29 =	vmul.f32 v35, v35  }
0x256: {  	v35 =	vmul.f32 v38, v38;
	v38 =	vmul.f32 v40, v40;
	v40 =	vsub.f32 v10, v41  }
0x257: {  	v8 =	vmul.f32 v1, v1;
	v1 =	vsub.f32 v10, v47;
	v10 =	vsub.f32 v10, v4;
	v4 =	vld [tilespmem:$0x1FC60]  }
0x258: {  	v31 =	vsub.f32 v12, v22;
	v22 =	vsub.f32 v12, v37;
	v37 =	vmul.f32 v5, v5;
	v5 =	vld [tilespmem:$0x1FC70];
	_ =	sdelay $0x4  }
0x259: {  	v4 =	vadd.f32 v5, v4;
	v5 =	vld [tilespmem:$0x1FC80];
	_ =	sdelay $0x3  }
0x25a: {  	v48 =	vsub.f32 v53, v23;
	v55 =	vmul.f32 v55, v55;
	v34 =	vmul.f32 v34, v34  }
0x25b: {  	v36 =	vmul.f32 v36, v36;
	v57 =	vmul.f32 v57, v57;
	[tilespmem:$0x1FCA0] =	vst v7;
	v41 =	vadd.f32 v44, v5;
	v5 =	vld [tilespmem:$0x1FC90]  }
0x25c: {  	v30 =	vsub.f32 v2, v49;
	v39 =	vmul.f32 v39, v39;
	v44 =	vmul.f32 v27, v27;
	v27 =	vld [tilespmem:$0x1FCA0]  }
0x25d: {  	v42 =	vsub.f32 v53, v3;
	v59 =	vmul.f32 v59, v59;
	v48 =	vmul.f32 v48, v48  }
0x25e: {  	v2 =	vsub.f32 v2, v52;
	v61 =	vmul.f32 v61, v61;
	v62 =	vmul.f32 v62, v62  }
0x25f: {  	v53 =	vsub.f32 v53, v52;
	v42 =	vmul.f32 v42, v42;
	v51 =	vmul.f32 v51, v51  }
0x260: {  	v7 =	vsub.f32 v0, v43;
	[tilespmem:$0x1FCE0] =	vst v9;
	v9 =	vmul.f32 v19, v19;
	v19 =	vsub.f32 v12, v23  }
0x261: {  	v23 =	vmul.f32 v33, v33;
	v33 =	vsub.f32 v12, v43;
	v43 =	vadd.f32 v27, v5;
	v5 =	vld [tilespmem:$0x1FCB0]  }
0x262: {  	v53 =	vmul.f32 v53, v53;
	v46 =	vmul.f32 v30, v30  }
0x263: {  	v30 =	vmul.f32 v2, v2;
	v56 =	vmul.f32 v56, v56  }
0x264: {  	v58 =	vmul.f32 v58, v58;
	v60 =	vmul.f32 v60, v60;
	v13 =	vsub.f32 v0, v3  }
0x265: {  	v26 =	vmul.f32 v26, v26;
	v28 =	vsub.f32 v0, v49;
	v11 =	vmul.f32 v11, v11;
	v27 =	vld [tilespmem:$0x1FCD0]  }
0x266: {  	v13 =	vmul.f32 v13, v13;
	v0 =	vsub.f32 v12, v49;
	v49 =	vadd.f32 v45, v5;
	v5 =	vld [tilespmem:$0x1FCC0]  }
0x267: {  	v7 =	vmul.f32 v7, v7;
	v28 =	vmul.f32 v28, v28;
	v32 =	vadd.f32 v30, v32  }
0x268: {  	v6 =	vmul.f32 v6, v6;
	v30 =	vadd.f32 v48, v59;
	v13 =	vadd.f32 v13, v11  }
0x269: {  	v63 =	vmul.f32 v63, v63;
	v3 =	vsub.f32 v12, v3;
	v12 =	vsub.f32 v12, v52  }
0x26a: {  	v47 =	vadd.f32 v25, v62;
	v48 =	vadd.f32 v7, v6;
	v14 =	vmul.f32 v14, v14  }
0x26b: {  	v15 =	vmul.f32 v15, v15;
	v19 =	vmul.f32 v19, v19;
	v52 =	vadd.f32 v27, v5;
	v5 =	vld [tilespmem:$0x1FCE0]  }
0x26c: {  	v20 =	vmul.f32 v20, v20;
	v8 =	vadd.f32 v8, v17;
	v17 =	vmul.f32 v24, v24  }
0x26d: {  	v7 =	vld [tilespmem:$0x1FCF0];
	v62 =	vmul.f32 v40, v40;
	v40 =	vadd.f32 v29, v60;
	v0 =	vmul.f32 v0, v0  }
0x26e: {  	v38 =	vadd.f32 v38, v35;
	v35 =	vadd.f32 v28, v26;
	v1 =	vmul.f32 v1, v1  }
0x26f: {  	v45 =	vmul.f32 v31, v31;
	v31 =	vadd.f32 v54, v55;
	v54 =	vadd.f32 v0, v62  }
0x270: {  	v6 =	vmul.f32 v12, v12;
	v26 =	vmovc v49;
	v49 =	vadd.f32 v15, v14;
	v27 =	vadd.f32 v46, v5  }
0x271: {  	v46 =	vmul.f32 v18, v18;
	v18 =	vadd.f32 v36, v34;
	v34 =	vadd.f32 v39, v57  }
0x272: {  	v7 =	vmin.f32 v7, v4;
	v36 =	vadd.f32 v16, v61;
	v39 =	vadd.f32 v42, v9;
	v9 =	vld [tilespmem:$0x1FFA0]  }
0x273: {  	v16 =	vmul.f32 v22, v22;
	v61 =	vadd.f32 v53, v51;
	v53 =	vadd.f32 v45, v44;
	v44 =	vld [tilespmem:$0x1FFD0]  }
0x274: {  	v5 =	vmul.f32 v33, v33;
	v33 =	vadd.f32 v21, v56;
	v42 =	vadd.f32 v23, v58;
	v45 =	vld [tilespmem:$0x1FFC0]  }
0x275: {  	v51 =	vadd.f32 v37, v63;
	v23 =	vmul.f32 v3, v3;
	v3 =	vmul.f32 v10, v10  }
0x276: {  	v55 =	vadd.f32 v19, v46;
	v58 =	vadd.f32 v5, v17;
	v5 =	vmin.f32 v7, v18;
	v46 =	vld [tilespmem:$0x1FFB0]  }
0x277: {  	v60 =	vld [tilespmem:$0x1FD00];
	v56 =	vadd.f32 v16, v20;
	v57 =	vadd.f32 v23, v1;
	v37 =	vmin.f32 v5, v33  }
0x278: {  	v62 =	vld [tilespmem:$0x1FD10];
	v59 =	vadd.f32 v6, v3;
	v6 =	vmovc v52;
	v52 =	vmin.f32 v37, v49;
	v10 =	vmin.f32 v9, v41  }
0x279: {  	v63 =	vld [tilespmem:$0x1FD20];
	v0 =	vmin.f32 v44, v43;
	v1 =	vmin.f32 v45, v26;
	v7 =	vmin.f32 v10, v34  }
0x27a: {  	s26 =	sadd.s32 $0x4, s26;
	v0 =	vmin.f32 v0, v30;
	v1 =	vmin.f32 v1, v36;
	v5 =	vmin.f32 v7, v42  }
0x27b: {  	p3 =	slt.s32 s26, s8;
	v2 =	vmin.f32 v46, v6;
	v0 =	vmin.f32 v0, v40;
	v1 =	vmin.f32 v1, v38  }
.Ltmp13:
0x27c: {  	v7 =	vmin.f32 v5, v53;
	v2 =	vmin.f32 v2, v47;
	v11 =	vmin.f32 v0, v55;
	(pc) =	sbr.rel @p3 .LBB2_30-.Ltmp13, $4  }
0x27d: {  	v9 =	vmin.f32 v1, v56;
	v0 =	vmin.f32 v60, v27;
	v2 =	vmin.f32 v2, v48  }
0x27e: {  	v1 =	vmin.f32 v62, v31;
	v12 =	vmin.f32 v2, v58;
	v2 =	vmin.f32 v63, v32  }
0x27f: {  	v0 =	vmin.f32 v0, v8;
	v1 =	vmin.f32 v1, v39;
	v2 =	vmin.f32 v2, v61  }
0x280: {  	s30 =	sadd.s32 $0x40, s30;
	v19 =	vld [tilespmem:$0x1FFE0];
	v44 =	vmin.f32 v0, v35;
	v45 =	vmin.f32 v1, v13;
	v46 =	vmin.f32 v2, v51  }
0x281: {  	v63 =	vld [tilespmem:$0x1FF50]  }
0x282: {  	v60 =	vld [tilespmem:$0x1FF30]  }
0x283: {  	v37 =	vld [tilespmem:$0x1FF10]  }
0x284: {  	v10 =	vmov v41;
	v41 =	vld [tilespmem:$0x1FEE0]  }
0x285: {  	v5 =	vmov v43;
	v43 =	vld [tilespmem:$0x1FEA0]  }
0x286: {  	v24 =	vld [tilespmem:$0x1FE90]  }
0x287: {  	v29 =	vld [tilespmem:$0x1FF80]  }
0x288: {  	v28 =	vld [tilespmem:$0x1FF60]  }
0x289: {  	[tilespmem:$0x1FFD0] =	vst v11;
	v23 =	vld [tilespmem:$0x1FF40]  }
0x28a: {  	[tilespmem:$0x1FFC0] =	vst v9;
	v22 =	vld [tilespmem:$0x1FF20]  }
0x28b: {  	[tilespmem:$0x1FFB0] =	vst v12;
	v21 =	vld [tilespmem:$0x1FF00]  }
0x28c: {  	[tilespmem:$0x1FFA0] =	vst v7;
	v20 =	vld [tilespmem:$0x1FEB0];
	v62 =	vimm.s32 $0x0  }
.LBB2_32:
0x28d: {  	v0 =	vmin.f32 v4, v10;
	v1 =	vmin.f32 v5, v26  }
0x28e: {  	v2 =	vmin.f32 v6, v27;
	v3 =	vmin.f32 v31, v32;
	v32 =	vmin.f32 v18, v34;
	s3 =	sadd.s32 @p2 $0x40, s3  }
0x28f: {  	v34 =	vmin.f32 v30, v36;
	v7 =	vmin.f32 v47, v8;
	v36 =	vmin.f32 v39, v61;
	s29 =	smov.u32 @p2 s3  }
0x290: {  	v39 =	vmin.f32 v33, v42;
	v9 =	vmin.f32 v40, v38;
	v40 =	vmin.f32 v48, v35;
	v11 =	vld [tilespmem:s29+$0xFFFFFFE0]  }
0x291: {  	v12 =	vmin.f32 v13, v51;
	v13 =	vmin.f32 v49, v53;
	v14 =	vmin.f32 v55, v56;
	v15 =	vld [tilespmem:s29+$0xFFFFFFF0]  }
0x292: {  	v16 =	vmin.f32 v58, v54;
	v17 =	vmin.f32 v57, v59;
	v0 =	vmin.f32 v0, v1;
	v42 =	vld [tilespmem:s29+$0x0]  }
0x293: {  	v2 =	vmin.f32 v2, v3;
	v47 =	vmin.f32 v32, v34;
	v4 =	vmin.f32 v7, v36;
	v48 =	vld [tilespmem:s29+$0x10]  }
0x294: {  	v49 =	vmin.f32 v39, v9;
	v51 =	vmin.f32 v40, v12;
	v0 =	vmin.f32 v0, v2  }
0x295: {  	v53 =	vmin.f32 v13, v14;
	v3 =	vmin.f32 v47, v4;
	v0 =	vmin.f32 v11, v0  }
0x296: {  	v55 =	vmin.f32 v16, v17;
	v6 =	vmin.f32 v49, v51;
	v56 =	vmin.f32 v15, v3;
	[tilespmem:s29+$0xFFFFFFE0] =	vst v0  }
0x297: {  	v2 =	vmin.f32 v53, v55;
	v58 =	vmin.f32 v42, v6;
	[tilespmem:s29+$0xFFFFFFF0] =	vst v56  }
0x298: {  	v61 =	vmin.f32 v48, v2;
	[tilespmem:s29+$0x0] =	vst v58  }
0x299: {  	[tilespmem:s29+$0x10] =	vst v61  }
0x29a: {  	v18 =	vld [tilespmem:$0x1FF70]  }
.Ltmp14:
0x29b: {  	v42 =	vld [tilespmem:$0x1FF90];
	(pc) =	sbr.rel .LBB2_17-.Ltmp14, $4  }
0x29c: {  	v30 =	vmov v20;
	v20 =	vld [tilespmem:$0x1FFA0]  }
0x29d: {  	v27 =	vmin.f32 v44, v54;
	v26 =	vmin.f32 v45, v57;
	v25 =	vmin.f32 v46, v59;
	v31 =	vmovc v21;
	v21 =	vld [tilespmem:$0x1FFB0]  }
0x29e: {  	v38 =	vmovc v43;
	v32 =	vmovc v22;
	v34 =	vmov v23;
	v36 =	vmov v28;
	v39 =	vmov v29;
	v22 =	vld [tilespmem:$0x1FFC0]  }
0x29f: {  	v23 =	vmovc v24;
	v14 =	vmovc v41;
	v16 =	vmov v60;
	v17 =	vmov v63;
	v15 =	vmov v37;
	v24 =	vld [tilespmem:$0x1FFD0]  }
.LBB2_16:
0x2a0: {  	v52 =	vimm.f32 $1.000000000e+10;
	v20 =	vimm.f32 $1.000000000e+10  }
0x2a1: {  	v24 =	vimm.f32 $1.000000000e+10;
	v22 =	vimm.f32 $1.000000000e+10;
	v21 =	vimm.f32 $1.000000000e+10  }
0x2a2: {  	v27 =	vimm.f32 $1.000000000e+10;
	v26 =	vimm.f32 $1.000000000e+10;
	v25 =	vimm.f32 $1.000000000e+10;
	v19 =	vld [tilespmem:$0x1FFE0]  }
.LBB2_17:
.Ltmp15:
0x2a3: {  	(pc) =	sbr.rel @p1 .LBB2_19-.Ltmp15, $3  }
0x2a4: {  	_ =	sdelay $0x1  }
0x2a5: {  	s3 =	smov.u32 s11  }
0x2a6: {  	s25 =	smov.u32 s10;
	s26 =	smov.u32 s9;
	s29 =	smov.u32 s8  }
.LBB2_18:
0x2a7: {  	v0 =	vld [tilespmem:s26+$0x0]  }
0x2a8: {  	v1 =	vld [tilespmem:s25+$0x0];
	_ =	sdelay $0x3  }
0x2a9: {  	v2 =	vsub.f32 v0, v50  }
0x2aa: {  	v3 =	vsub.f32 v1, v23;
	v4 =	vsub.f32 v0, v19  }
0x2ab: {  	v5 =	vsub.f32 v1, v38;
	v54 =	vsub.f32 v0, v30  }
0x2ac: {  	v55 =	vsub.f32 v1, v14;
	v6 =	vsub.f32 v0, v31  }
0x2ad: {  	v7 =	vsub.f32 v1, v15;
	v8 =	vsub.f32 v0, v32  }
0x2ae: {  	v9 =	vsub.f32 v1, v16;
	v10 =	vsub.f32 v0, v34  }
0x2af: {  	v11 =	vsub.f32 v1, v17;
	v2 =	vmul.f32 v2, v2;
	v3 =	vmul.f32 v3, v3  }
0x2b0: {  	v12 =	vsub.f32 v0, v36;
	v4 =	vmul.f32 v4, v4;
	v5 =	vmul.f32 v5, v5  }
0x2b1: {  	v13 =	vsub.f32 v1, v18;
	v6 =	vmul.f32 v6, v6;
	v7 =	vmul.f32 v7, v7  }
0x2b2: {  	v0 =	vsub.f32 v0, v39;
	v8 =	vmul.f32 v8, v8;
	v9 =	vmul.f32 v9, v9  }
0x2b3: {  	v1 =	vsub.f32 v1, v42;
	v10 =	vmul.f32 v10, v10;
	v11 =	vmul.f32 v11, v11  }
0x2b4: {  	v56 =	vmul.f32 v12, v12;
	v12 =	vmul.f32 v13, v13  }
0x2b5: {  	v0 =	vmul.f32 v0, v0;
	v1 =	vmul.f32 v1, v1  }
0x2b6: {  	v2 =	vadd.f32 v3, v2;
	v4 =	vadd.f32 v5, v4;
	v3 =	vmul.f32 v54, v54  }
0x2b7: {  	v5 =	vmul.f32 v55, v55;
	v6 =	vadd.f32 v7, v6;
	v57 =	vadd.f32 v9, v8  }
0x2b8: {  	v58 =	vadd.f32 v11, v10;
	v0 =	vadd.f32 v1, v0  }
0x2b9: {  	v59 =	vld [tilespmem:s3+$0x0];
	s29 =	sadd.s32 $0x1, s29;
	v3 =	vadd.f32 v5, v3;
	v5 =	vadd.f32 v12, v56  }
0x2ba: {  	p2 =	slt.s32 s29, s6;
	v60 =	vmin.f32 v2, v4  }
.Ltmp16:
0x2bb: {  	v11 =	vmin.f32 v57, v58;
	v61 =	vmin.f32 v3, v6;
	v12 =	vmin.f32 v5, v0;
	(pc) =	sbr.rel @p2 .LBB2_18-.Ltmp16, $4  }
0x2bc: {  	v52 =	vmin.f32 v52, v2;
	v9 =	vmin.f32 v60, v61;
	v63 =	vmin.f32 v11, v12  }
0x2bd: {  	v20 =	vmin.f32 v20, v4;
	v22 =	vmin.f32 v22, v6;
	v9 =	vmin.f32 v9, v63  }
0x2be: {  	v21 =	vmin.f32 v21, v57;
	v27 =	vmin.f32 v27, v58;
	v1 =	vmin.f32 v59, v9  }
0x2bf: {  	s26 =	sadd.s32 $0x10, s26;
	s25 =	sadd.s32 $0x10, s25;
	v25 =	vmin.f32 v25, v0;
	v24 =	vmin.f32 v24, v3;
	v26 =	vmin.f32 v26, v5;
	[tilespmem:s3+$0x0] =	vst v1;
	s3 =	sadd.s32 $0x10, s3  }
.Ltmp17:
0x2c0: {  	_ = 	snop;
	(pc) =	sbr.rel .LBB2_19-.Ltmp17, $1  }
0x2c1: {  	_ =	sdelay $0x3  }
.LBB2_27:
0x2c2: {  	v63 =	vld [tilespmem:$0x1FF50]  }
0x2c3: {  	v60 =	vld [tilespmem:$0x1FF30]  }
0x2c4: {  	v37 =	vld [tilespmem:$0x1FF10]  }
0x2c5: {  	v41 =	vld [tilespmem:$0x1FEE0]  }
0x2c6: {  	v43 =	vld [tilespmem:$0x1FEA0]  }
0x2c7: {  	v24 =	vld [tilespmem:$0x1FE90]  }
0x2c8: {  	v29 =	vld [tilespmem:$0x1FF80]  }
0x2c9: {  	v28 =	vld [tilespmem:$0x1FF60]  }
.Ltmp18:
0x2ca: {  	v23 =	vld [tilespmem:$0x1FF40];
	(pc) =	sbr.rel .LBB2_32-.Ltmp18, $4  }
0x2cb: {  	v22 =	vld [tilespmem:$0x1FF20]  }
0x2cc: {  	v21 =	vld [tilespmem:$0x1FF00]  }
0x2cd: {  	v20 =	vld [tilespmem:$0x1FEB0]  }
0x2ce: {  	s3 =	simm.s32 $0x6720;
	v50 =	vld [tilespmem:$0x1FE80]  }
.LBB2_29:
0x2cf: {  	v63 =	vld [tilespmem:$0x1FF50]  }
0x2d0: {  	v60 =	vld [tilespmem:$0x1FF30]  }
0x2d1: {  	v37 =	vld [tilespmem:$0x1FF10]  }
0x2d2: {  	v10 =	vmov v41;
	v41 =	vld [tilespmem:$0x1FEE0]  }
0x2d3: {  	v5 =	vmov v43;
	v43 =	vld [tilespmem:$0x1FEA0]  }
0x2d4: {  	v24 =	vld [tilespmem:$0x1FE90]  }
0x2d5: {  	v29 =	vld [tilespmem:$0x1FF80]  }
.Ltmp19:
0x2d6: {  	v28 =	vld [tilespmem:$0x1FF60];
	(pc) =	sbr.rel .LBB2_32-.Ltmp19, $4  }
0x2d7: {  	[tilespmem:$0x1FFD0] =	vst v11;
	v23 =	vld [tilespmem:$0x1FF40]  }
0x2d8: {  	[tilespmem:$0x1FFC0] =	vst v9;
	v22 =	vld [tilespmem:$0x1FF20]  }
0x2d9: {  	[tilespmem:$0x1FFB0] =	vst v12;
	v21 =	vld [tilespmem:$0x1FF00]  }
0x2da: {  	[tilespmem:$0x1FFA0] =	vst v7;
	v20 =	vld [tilespmem:$0x1FEB0];
	s3 =	simm.s32 $0x6720;
	v62 =	vimm.s32 $0x0  }
.LBB2_13:
0x2db: {  	s5 =	simm.f32 $0.0e+00  }
.LBB2_20:
0x2dc: {  	s3 =	rddreg [dreg:$0x9];
	s6 =	simm.s32 $0x80  }
0x2dd: {  	s7 =	simm.s32 $0x400;
	s8 =	simm.s32 $0x6700;
	s17 =	simm.s32 $0x2  }
0x2de: {  	[spmem:s3] =	stream.strided.scatter [tilespmem:s8], [sflag:$0x2], $0x1000, s7, s6, $0x38;
	[tilespmem:$0x9780] =	vst v63  }
0x2df: {  	_ =	swait.ge [sflag:s17], $0x1000  }
0x2e0: {  	[sflag:s17] =	ssyncset.done $0x0  }
0x2e1: {  	[sflag:s17] =	ssyncadd.s32 $0xFFFFF000  }
0x2e2: {  	[bflag:$0x0] =	sbarrier.arrive $0xFFFF  }
0x2e3: {  	s26 =	simm.s32 $0x7700;
	s25 =	rddreg [dreg:$0xa]  }
0x2e4: {  	[tilespmem:s26], [sflag:$0x1] =	stream.strided.gather [spmem:s25], $0x200, s7, s6, $0x38;
	[tilespmem:$0x9780] =	vst v63  }
0x2e5: {  	s30 =	simm.s32 $0x7900;
	s29 =	rddreg [dreg:$0xb]  }
0x2e6: {  	[tilespmem:s30], [sflag:$0x1] =	stream.strided.gather [spmem:s29], $0x200, s7, s6, $0x38;
	[tilespmem:$0x9780] =	vst v63  }
0x2e7: {  	s9 =	simm.s32 $0x7B00;
	s8 =	rddreg [dreg:$0xc]  }
0x2e8: {  	[tilespmem:s9], [sflag:$0x1] =	stream.strided.gather [spmem:s8], $0x200, s7, s6, $0x38;
	[tilespmem:$0x9780] =	vst v63  }
0x2e9: {  	s11 =	simm.s32 $0x7D00;
	s10 =	rddreg [dreg:$0xd]  }
0x2ea: {  	[tilespmem:s11], [sflag:$0x1] =	stream.strided.gather [spmem:s10], $0x200, s7, s6, $0x38;
	[tilespmem:$0x9780] =	vst v63  }
0x2eb: {  	s13 =	simm.s32 $0x7F00;
	s12 =	rddreg [dreg:$0xe]  }
0x2ec: {  	[tilespmem:s13], [sflag:$0x1] =	stream.strided.gather [spmem:s12], $0x200, s7, s6, $0x38;
	[tilespmem:$0x9780] =	vst v63  }
0x2ed: {  	s15 =	simm.s32 $0x8100;
	s14 =	rddreg [dreg:$0xf]  }
0x2ee: {  	[tilespmem:s15], [sflag:$0x1] =	stream.strided.gather [spmem:s14], $0x200, s7, s6, $0x38;
	[tilespmem:$0x9780] =	vst v63  }
0x2ef: {  	s18 =	simm.s32 $0x8300;
	s16 =	rddreg [dreg:$0x10]  }
0x2f0: {  	[tilespmem:s18], [sflag:$0x1] =	stream.strided.gather [spmem:s16], $0x200, s7, s6, $0x38;
	[tilespmem:$0x9780] =	vst v63  }
0x2f1: {  	_ =	swait.ge [sflag:s4], $0x200  }
0x2f2: {  	[sflag:s4] =	ssyncset.done $0x0  }
0x2f3: {  	[sflag:s4] =	ssyncadd.s32 $0xFFFFFE00  }
0x2f4: {  	_ =	swait.ge [sflag:s4], $0x200  }
0x2f5: {  	[sflag:s4] =	ssyncset.done $0x0  }
0x2f6: {  	[sflag:s4] =	ssyncadd.s32 $0xFFFFFE00  }
0x2f7: {  	_ =	swait.ge [sflag:s4], $0x200  }
0x2f8: {  	[sflag:s4] =	ssyncset.done $0x0  }
0x2f9: {  	[sflag:s4] =	ssyncadd.s32 $0xFFFFFE00  }
0x2fa: {  	_ =	swait.ge [sflag:s4], $0x200  }
0x2fb: {  	[sflag:s4] =	ssyncset.done $0x0  }
0x2fc: {  	[sflag:s4] =	ssyncadd.s32 $0xFFFFFE00  }
0x2fd: {  	_ =	swait.ge [sflag:s4], $0x200  }
0x2fe: {  	[sflag:s4] =	ssyncset.done $0x0  }
0x2ff: {  	[sflag:s4] =	ssyncadd.s32 $0xFFFFFE00  }
0x300: {  	_ =	swait.ge [sflag:s4], $0x200  }
0x301: {  	[sflag:s4] =	ssyncset.done $0x0  }
0x302: {  	[sflag:s4] =	ssyncadd.s32 $0xFFFFFE00  }
0x303: {  	_ =	swait.ge [sflag:s4], $0x200  }
0x304: {  	[sflag:s4] =	ssyncset.done $0x0  }
0x305: {  	s9 =	simm.s32 $0x7D20;
	[sflag:s4] =	ssyncadd.s32 $0xFFFFFE00  }
0x306: {  	v0 =	vld [tilespmem:s9+$0xFFFFFA10]  }
0x307: {  	v1 =	vld [tilespmem:s9+$0xFFFFFC10]  }
0x308: {  	v2 =	vld [tilespmem:s9+$0xFFFFFE10]  }
0x309: {  	s20 =	simm.s32 $0x0;
	v3 =	vld [tilespmem:s9+$0x10]  }
0x30a: {  	s3 =	simm.s32 $0x30;
	s21 =	sand.u32 $0x180, s20;
	v4 =	vld [tilespmem:s9+$0x210]  }
0x30b: {  	s25 =	sand.u32 $0x70, s3;
	s10 =	sadd.s32 s21, s19;
	v5 =	vld [tilespmem:s9+$0x410]  }
0x30c: {  	s11 =	simm.s32 $0x10;
	s12 =	sand.u32 $0x40, s20;
	s13 =	sadd.s32 s25, s10;
	v6 =	vld [tilespmem:s9+$0x610]  }
0x30d: {  	s26 =	simm.s32 $0x20;
	s29 =	sand.u32 $0x50, s11;
	s30 =	sadd.s32 s12, s10;
	v7 =	vld [tilespmem:s13+$0x0]  }
0x30e: {  	s6 =	sand.u32 $0x60, s26;
	s7 =	sadd.s32 s29, s10;
	v8 =	vld [tilespmem:s30+$0x0]  }
0x30f: {  	s6 =	sadd.s32 s6, s10;
	v9 =	vld [tilespmem:s7+$0x0]  }
0x310: {  	s8 =	sor.u32 s12, s21;
	v10 =	vld [tilespmem:s6+$0x0]  }
0x311: {  	v11 =	vld [tilespmem:s8+$0x7900]  }
0x312: {  	v12 =	vld [tilespmem:s8+$0x7B00]  }
0x313: {  	v13 =	vld [tilespmem:s8+$0x7D00]  }
0x314: {  	v14 =	vld [tilespmem:s8+$0x7F00]  }
0x315: {  	v15 =	vld [tilespmem:s8+$0x8100]  }
0x316: {  	v16 =	vld [tilespmem:s8+$0x8300]  }
0x317: {  	v17 =	vld [tilespmem:s9+$0xFFFFF9E0]  }
0x318: {  	v18 =	vld [tilespmem:s9+$0xFFFFF9F0]  }
0x319: {  	v19 =	vld [tilespmem:s9+$0xFFFFFBF0]  }
0x31a: {  	v20 =	vld [tilespmem:s9+$0xFFFFFDF0]  }
0x31b: {  	v21 =	vld [tilespmem:s9+$0xFFFFFFF0]  }
0x31c: {  	v22 =	vld [tilespmem:s9+$0x1F0]  }
0x31d: {  	v56 =	vld [tilespmem:s9+$0x3F0]  }
0x31e: {  	v1 =	vmin.f32 v1, v2;
	v0 =	vmin.f32 v7, v0;
	v7 =	vld [tilespmem:s9+$0x5F0]  }
0x31f: {  	v3 =	vmin.f32 v3, v4;
	v4 =	vmin.f32 v5, v6;
	v58 =	vmin.f32 v11, v12;
	v6 =	vld [tilespmem:s9+$0xFFFFFE00]  }
0x320: {  	v5 =	vmin.f32 v13, v14;
	v11 =	vmin.f32 v15, v16;
	v57 =	vmin.f32 v3, v4;
	v3 =	vld [tilespmem:s9+$0xFFFFFA00]  }
0x321: {  	v8 =	vmin.f32 v8, v17;
	v9 =	vmin.f32 v9, v18;
	v59 =	vmin.f32 v19, v20;
	v4 =	vld [tilespmem:s9+$0xFFFFFC00]  }
0x322: {  	v60 =	vmin.f32 v21, v22;
	v0 =	vmin.f32 v0, v1;
	v11 =	vmin.f32 v5, v11;
	v5 =	vld [tilespmem:s9+$0x0]  }
0x323: {  	v1 =	vmin.f32 v8, v58;
	v8 =	vld [tilespmem:s9+$0x200];
	v0 =	vmin.f32 v0, v57;
	v2 =	vmin.f32 v56, v7  }
0x324: {  	v63 =	vmin.f32 v9, v59;
	v9 =	vld [tilespmem:s9+$0x600];
	v61 =	vmin.f32 v1, v11;
	[tilespmem:s13+$0x0] =	vst v0;
	v2 =	vmin.f32 v60, v2  }
0x325: {  	s8 =	simm.s32 $0x0;
	[tilespmem:s30+$0x0] =	vst v61;
	v7 =	vld [tilespmem:s9+$0x400];
	s9 =	simm.s32 $0x7D60;
	v10 =	vmin.f32 v10, v3;
	v11 =	vmin.f32 v63, v2  }
.LBB2_21:
0x326: {  	v0 =	vld [tilespmem:s9+$0xFFFFFA10];
	[tilespmem:s7+$0x0] =	vst v11;
	v1 =	vmin.f32 v4, v6  }
0x327: {  	v2 =	vld [tilespmem:s9+$0xFFFFFC10];
	v1 =	vmin.f32 v10, v1  }
0x328: {  	s3 =	sadd.s32 $0x40, s3;
	v3 =	vld [tilespmem:s9+$0xFFFFFE10];
	v4 =	vmin.f32 v5, v8  }
0x329: {  	s8 =	sadd.s32 $0x4, s8;
	s7 =	sadd.s32 $0xFFFFFFD0, s3;
	s10 =	sadd.s32 $0xFFFFFFE0, s3;
	v5 =	vld [tilespmem:s9+$0x10]  }
0x32a: {  	s12 =	sadd.s32 $0xFFFFFFF0, s3;
	p0 =	slt.u32 s8, $0x1C;
	s11 =	sand.u32 $0x180, s7;
	v6 =	vld [tilespmem:s9+$0x210];
	v7 =	vmin.f32 v7, v9  }
0x32b: {  	s13 =	sand.u32 $0x40, s7;
	s7 =	sand.u32 $0x70, s3;
	s14 =	sadd.s32 s11, s19;
	v8 =	vld [tilespmem:s9+$0x410];
	v4 =	vmin.f32 v4, v7  }
0x32c: {  	s10 =	sand.u32 $0x50, s10;
	s12 =	sand.u32 $0x60, s12;
	s15 =	sadd.s32 s7, s14;
	v7 =	vld [tilespmem:s9+$0x610];
	v1 =	vmin.f32 v1, v4  }
0x32d: {  	s16 =	sadd.s32 s13, s14;
	s7 =	sadd.s32 s10, s14;
	v4 =	vld [tilespmem:s15+$0x0];
	[tilespmem:s6+$0x0] =	vst v1;
	s6 =	sadd.s32 s12, s14  }
0x32e: {  	s10 =	sor.u32 s13, s11;
	v1 =	vld [tilespmem:s16+$0x0]  }
0x32f: {  	v9 =	vld [tilespmem:s7+$0x0]  }
0x330: {  	v10 =	vld [tilespmem:s6+$0x0]  }
0x331: {  	v2 =	vmin.f32 v2, v3;
	v11 =	vld [tilespmem:s10+$0x7900]  }
0x332: {  	v3 =	vld [tilespmem:s10+$0x7B00];
	v0 =	vmin.f32 v4, v0;
	v4 =	vmin.f32 v5, v6;
	v5 =	vmin.f32 v8, v7  }
0x333: {  	v6 =	vld [tilespmem:s10+$0x7D00];
	v0 =	vmin.f32 v0, v2;
	v2 =	vmin.f32 v4, v5  }
0x334: {  	v4 =	vld [tilespmem:s10+$0x7F00];
	v0 =	vmin.f32 v0, v2  }
0x335: {  	v2 =	vld [tilespmem:s10+$0x8100];
	[tilespmem:s15+$0x0] =	vst v0  }
0x336: {  	v0 =	vld [tilespmem:s10+$0x8300]  }
0x337: {  	v5 =	vld [tilespmem:s9+$0xFFFFF9E0];
	v3 =	vmin.f32 v11, v3  }
0x338: {  	v7 =	vld [tilespmem:s9+$0xFFFFF9F0]  }
0x339: {  	v4 =	vmin.f32 v6, v4;
	v6 =	vld [tilespmem:s9+$0xFFFFFBF0]  }
0x33a: {  	v8 =	vld [tilespmem:s9+$0xFFFFFDF0]  }
0x33b: {  	v0 =	vmin.f32 v2, v0;
	v2 =	vld [tilespmem:s9+$0xFFFFFFF0]  }
0x33c: {  	v1 =	vmin.f32 v1, v5;
	v0 =	vmin.f32 v4, v0;
	v5 =	vld [tilespmem:s9+$0x1F0]  }
0x33d: {  	v1 =	vmin.f32 v1, v3;
	v3 =	vld [tilespmem:s9+$0x3F0];
	v4 =	vmin.f32 v9, v7  }
0x33e: {  	v0 =	vmin.f32 v1, v0;
	v1 =	vld [tilespmem:s9+$0x5F0]  }
0x33f: {  	[tilespmem:s16+$0x0] =	vst v0;
	v0 =	vmin.f32 v6, v8;
	v9 =	vld [tilespmem:s9+$0xFFFFFA00]  }
0x340: {  	v0 =	vmin.f32 v4, v0;
	v4 =	vld [tilespmem:s9+$0xFFFFFC00]  }
.Ltmp20:
0x341: {  	v2 =	vmin.f32 v2, v5;
	v6 =	vld [tilespmem:s9+$0xFFFFFE00];
	(pc) =	sbr.rel @p0 .LBB2_21-.Ltmp20, $4  }
0x342: {  	v5 =	vld [tilespmem:s9+$0x0]  }
0x343: {  	v1 =	vmin.f32 v3, v1;
	v8 =	vld [tilespmem:s9+$0x200]  }
0x344: {  	v1 =	vmin.f32 v2, v1;
	v7 =	vld [tilespmem:s9+$0x400];
	v10 =	vmin.f32 v10, v9  }
0x345: {  	v11 =	vmin.f32 v0, v1;
	v9 =	vld [tilespmem:s9+$0x600];
	s9 =	sadd.s32 $0x40, s9  }
0x346: {  	_ =	sdelay $0x3  }
0x347: {  	v0 =	vmin.f32 v4, v6;
	v1 =	vmin.f32 v5, v8;
	v2 =	vmin.f32 v7, v9  }
0x348: {  	v0 =	vmin.f32 v10, v0;
	v1 =	vmin.f32 v1, v2  }
0x349: {  	[tilespmem:s7+$0x0] =	vst v11;
	v0 =	vmin.f32 v0, v1  }
0x34a: {  	[tilespmem:s6+$0x0] =	vst v0  }
0x34b: {  	v0 =	vld [tilespmem:s23+$0xFFFFFFC0];
	_ =	sdelay $0x1  }
0x34c: {  	s3 =	sadd.s32 $0xFFFFFF90, s22;
	v10 =	vlaneseq.u32;
	v57 =	vld [tilespmem:s23+$0xFFFFFFD0]  }
0x34d: {  	v4 =	vmov s2;
	v58 =	vor.u32 s3, v10  }
0x34e: {  	s20 =	sadd.s32 $0xFFFFFFA0, s22;
	vm0 =	vlt.s32 v58, v4;
	v59 =	vld [tilespmem:s23+$0xFFFFFFE0]  }
0x34f: {  	v5 =	vimm.f32 $0.0e+00;
	v3 =	vor.u32 s20, v10;
	v0 =	vnsel vm0, $0x0, v0  }
0x350: {  	s21 =	sadd.s32 $0xFFFFFFB0, s22;
	vm11 =	vlt.s32 v3, v4;
	v3 =	vld [tilespmem:s23+$0xFFFFFFF0];
	v0 =	vadd.f32 v0, v5  }
0x351: {  	v1 =	vnsel vm11, $0x0, v57;
	v5 =	vor.u32 s21, v10  }
0x352: {  	s25 =	sadd.s32 $0xFFFFFFC0, s22;
	v60 =	vld [tilespmem:s23+$0x0];
	vm12 =	vlt.s32 v5, v4;
	v0 =	vadd.f32 v1, v0  }
0x353: {  	v5 =	vor.u32 s25, v10;
	v2 =	vnsel vm12, $0x0, v59  }
0x354: {  	s26 =	sadd.s32 $0xFFFFFFD0, s22;
	v8 =	vld [tilespmem:s23+$0x10];
	vm13 =	vlt.s32 v5, v4;
	v0 =	vadd.f32 v2, v0  }
0x355: {  	v61 =	vnsel vm13, $0x0, v3;
	v3 =	vor.u32 s26, v10  }
0x356: {  	s29 =	sadd.s32 $0xFFFFFFE0, s22;
	v6 =	vld [tilespmem:s23+$0x20];
	vm14 =	vlt.s32 v3, v4;
	v0 =	vadd.f32 v61, v0  }
0x357: {  	v63 =	vor.u32 s29, v10;
	v1 =	vnsel vm14, $0x0, v60  }
0x358: {  	s12 =	simm.s32 $0x0;
	s30 =	sadd.s32 $0xFFFFFFF0, s22;
	vm15 =	vlt.s32 v63, v4;
	v5 =	vld [tilespmem:s23+$0x30];
	v7 =	vadd.f32 v1, v0  }
0x359: {  	s7 =	sadd.s32 $0x80, s23;
	s3 =	simm.s32 $0x0;
	v9 =	vor.u32 s30, v10;
	s6 =	smov.u32 s22;
	v8 =	vnsel vm15, $0x0, v8  }
.LBB2_23:
0x35a: {  	v0 =	vld [tilespmem:s7+$0xFFFFFFC0];
	s3 =	sadd.s32 $0x8, s3;
	v1 =	vadd.f32 v8, v7;
	vm0 =	vlt.s32 v9, v4  }
0x35b: {  	v3 =	vor.u32 s6, v10;
	s6 =	sadd.s32 $0x80, s6;
	p0 =	slt.u32 s3, $0x18;
	v2 =	vnsel vm0, $0x0, v6  }
0x35c: {  	s8 =	sadd.s32 $0xFFFFFF90, s6;
	vm0 =	vlt.s32 v3, v4;
	v6 =	vld [tilespmem:s7+$0xFFFFFFD0];
	v1 =	vadd.f32 v2, v1  }
0x35d: {  	v2 =	vor.u32 s8, v10;
	v3 =	vnsel vm0, $0x0, v5  }
0x35e: {  	s8 =	sadd.s32 $0xFFFFFFA0, s6;
	vm0 =	vlt.s32 v2, v4;
	v2 =	vld [tilespmem:s7+$0xFFFFFFE0];
	v1 =	vadd.f32 v3, v1  }
0x35f: {  	v3 =	vor.u32 s8, v10;
	v0 =	vnsel vm0, $0x0, v0  }
0x360: {  	s8 =	sadd.s32 $0xFFFFFFB0, s6;
	vm0 =	vlt.s32 v3, v4;
	v0 =	vadd.f32 v0, v1;
	v1 =	vld [tilespmem:s7+$0xFFFFFFF0]  }
0x361: {  	v5 =	vor.u32 s8, v10;
	v3 =	vnsel vm0, $0x0, v6  }
0x362: {  	s8 =	sadd.s32 $0xFFFFFFC0, s6;
	vm0 =	vlt.s32 v5, v4;
	v0 =	vadd.f32 v3, v0;
	v3 =	vld [tilespmem:s7+$0x0]  }
0x363: {  	v5 =	vor.u32 s8, v10;
	v2 =	vnsel vm0, $0x0, v2  }
0x364: {  	s8 =	sadd.s32 $0xFFFFFFD0, s6;
	vm0 =	vlt.s32 v5, v4;
	v0 =	vadd.f32 v2, v0;
	v2 =	vld [tilespmem:s7+$0x10]  }
.Ltmp21:
0x365: {  	v5 =	vor.u32 s8, v10;
	v1 =	vnsel vm0, $0x0, v1;
	(pc) =	sbr.rel @p0 .LBB2_23-.Ltmp21, $4  }
0x366: {  	s8 =	sadd.s32 $0xFFFFFFE0, s6;
	vm0 =	vlt.s32 v5, v4;
	v0 =	vadd.f32 v1, v0;
	v6 =	vld [tilespmem:s7+$0x20]  }
0x367: {  	v1 =	vnsel vm0, $0x0, v3;
	v3 =	vor.u32 s8, v10  }
0x368: {  	s8 =	sadd.s32 $0xFFFFFFF0, s6;
	v7 =	vadd.f32 v1, v0;
	vm0 =	vlt.s32 v3, v4;
	v5 =	vld [tilespmem:s7+$0x30]  }
0x369: {  	v9 =	vor.u32 s8, v10;
	s7 =	sadd.s32 $0x80, s7;
	v8 =	vnsel vm0, $0x0, v2  }
0x36a: {  	v0 =	vadd.f32 v8, v7;
	vm0 =	vlt.s32 v9, v4  }
0x36b: {  	v2 =	vor.u32 s6, v10;
	v1 =	vnsel vm0, $0x0, v6  }
0x36c: {  	vm11 =	vlt.s32 v2, v4;
	v0 =	vadd.f32 v1, v0  }
0x36d: {  	v60 =	vnsel vm11, $0x0, v5  }
0x36e: {  	v0 =	vadd.f32 v60, v0;
	_ =	sdelay $0x1  }
0x36f: {  	(xrf2) =	vadd.scan.msk.f32 $0xffff, v0;
	_ =	sdelay $0x6  }
0x370: {  	s2 =	scvt.s32.f32 s2;
	_ =	sdelay $0x1  }
0x371: {  	vm12 =	vcmask $0x704;
	v61 =	vmov s2  }
0x372: {  	s26 =	scvt.s32.f32 s28;
	vm13 =	vcmask $0xB08;
	v0 =	vnsel vm12, $0x0, v61;
	v63, _, _ =	vpop (xrf2)  }
0x373: {  	vm14 =	vcmask $0xF0C;
	v0 =	vsel vm13, s5, v0;
	v1 =	vbroadcast v63, $0xF  }
0x374: {  	vm15 =	vmmov $0x1;
	v0 =	vsel vm14, s26, v0  }
0x375: {  	v0 =	vsel vm15, v1, v0  }
0x376: {  	s28 =	rddreg [dreg:$0x11];
	s3 =	simm.s32 $0x8700;
	[tilespmem:$0x8700] =	vst v0  }
0x377: {  	[hbm4b:s28+s12] =	stream.linear.scatter [tilespmem:s3], [sflag:$0x2], $0x80, $0x38;
	[tilespmem:$0x9780] =	vst v63  }
0x378: {  	_ =	swait.ge [sflag:s17], $0x80  }
0x379: {  	s29 =	rddreg [dreg:$0x13]  }
0x37a: {  	s30 =	rddreg [dreg:$0x12];
	s3 =	sadd.s32 $0x1, s29  }
0x37b: {  	p0 =	sne.s32 s3, s30  }
.Ltmp22:
0x37c: {  	_ = 	snop;
	(pc) =	sbr.rel @p0 .LBB2_1-.Ltmp22, $3  }
0x37d: {  	_ =	sdelay $0x1  }
0x37e: {  	[sflag:s17] =	ssyncset.done $0x0  }
0x37f: {  	[sflag:s17] =	ssyncadd.s32 $0xFFFFFF80  }
0x380: {  	_ =	sfence.sel $0x180000  }
0x381: {  	[bflag:$0x0] =	sbarrier.arrive $0xFFFF  }
0x382: {  	_ =	strace $0x90000047  }
0x383: {  	s0 =	stileid.u32;
	[bflag:$0x2] =	sbarrier.arrive $0xFFFF  }
0x384: {  	p0 =	sne.s32 s0, $0x0;
	s0 =	rddreg [dreg:$0x2]  }
0x385: {  	s0 =	sadd.s32 @!p0 $0x100000, s0  }
0x386: {  	[sflag:s0] =	ssyncadd.tile.s32 @!p0 $0x1;
	_ =	shalt  }
.Lfunc_end2:
_tile_overlayer_lowered:
.L_overlay_start_2:
0x387: {  	(tag) =	ssettag $0x2  }
0x388: {  	s0 =	rddreg [dreg:$0x0];
	s2 =	stileid.u32  }
0x389: {  	s1 =	rddreg [dreg:$0x1];
	p0 =	sne.s32 s2, $0x0  }
0x38a: {  	s3 =	rddreg [dreg:$0x2];
	[bflag:$0x3] =	sbarrier.arrive $0xFFFF;
	s2 =	simm.s32 @!p0 $0x1C02  }
0x38b: {  	[timem:s3], [sflag:s2] =	dma.local @!p0 [hbm:s0], s1  }
0x38c: {  	s0 =	simm.s32 @!p0 $0x2  }
0x38d: {  	_ =	swait.ge @!p0 [sflag:s0], s1  }
0x38e: {  	s1 =	ssub.s32 @!p0 $0x0, s1;
	[sflag:s0] =	ssyncset.done @!p0 $0x0  }
0x38f: {  	[sflag:s0] =	ssyncadd.s32 @!p0 s1  }
0x390: {  	[bflag:$0x3] =	sbarrier.arrive $0xFFFF  }
0x391: {  	_ =	shalt  }

</sc_bundles>
